<compile_context>
chip_gen: v7x
topology: tpu7x:2x2x1
jax: 0.10.2.dev20260603
libtpu: 0.0.44.dev20260713+nightly
codegen_flags: <defaults>
</compile_context>

<pallas_src>
import jax
import jax.numpy as jnp
from jax import lax
from jax.experimental import pallas as pl
from jax.experimental.pallas import tpu as pltpu
from jax.experimental.pallas import tpu_sc as plsc

N = 10000
D = 128
G = 64
H = 256
NC = 1
NS = 16
L = 16
NW = NC * NS
SEG_PER_W = G // NW
NCHUNK = N // L
DCH = D // L
BB = 32
HCH = G // L
CPS = (NCHUNK + NS - 1) // NS


def _sc_pool_body(node_hbm, batch_hbm, out_hbm,
                  bvm, hvm, hall, xb0, xb1, obuf, shsp, sem0, sem1):
    cid = lax.axis_index("c")
    sid = lax.axis_index("s")
    w = sid * NC + cid
    g0 = (w * SEG_PER_W).astype(jnp.int32)

    pltpu.sync_copy(batch_hbm, bvm)

    zeros = jnp.zeros((L,), jnp.int32)

    def cnt_body(i, accs):
        c = bvm[pl.ds(i * L, L)]
        return tuple(a + (c < g0 + t).astype(jnp.int32)
                     for t, a in enumerate(accs))

    accs = lax.fori_loop(0, NCHUNK, cnt_body, (zeros,) * (SEG_PER_W + 1))
    bounds = tuple(jnp.sum(a) for a in accs)

    ninf = jnp.full((L,), -jnp.inf, jnp.float32)

    def blk_start(base, b):
        return pl.multiple_of(jnp.minimum(base + b * BB, N - BB), 8)

    def fire(base, b, xb, sem):
        pltpu.async_copy(node_hbm.at[pl.ds(blk_start(base, b), BB)], xb, sem)

    def drain(xb, sem):
        pltpu.make_async_copy(node_hbm.at[pl.ds(0, BB)], xb, sem).wait()

    def process(xb, s, start, end, acc):
        def row_body(r, a):
            sel = jnp.logical_and(s + r >= start, s + r < end)
            a = list(a)
            for c in range(DCH):
                v = xb[r, pl.ds(c * L, L)]
                a[c] = jnp.where(sel, jnp.maximum(a[c], v), a[c])
            return tuple(a)
        return lax.fori_loop(0, BB, row_body, acc)

    for j in range(SEG_PER_W):
        g = g0 + j
        start, end = bounds[j], bounds[j + 1]
        base = pl.multiple_of((start // 8) * 8, 8)
        nb = (end - base + BB - 1) // BB
        nbp = (nb + 1) // 2

        fire(base, 0, xb0, sem0)
        fire(base, 1, xb1, sem1)

        def pair(p, acc, base=base, start=start, end=end):
            b = 2 * p
            drain(xb0, sem0)
            acc = process(xb0, blk_start(base, b), start, end, acc)

            @pl.when(p + 1 < nbp)
            def _():
                fire(base, b + 2, xb0, sem0)

            drain(xb1, sem1)
            acc = process(xb1, blk_start(base, b + 1), start, end, acc)

            @pl.when(p + 1 < nbp)
            def _():
                fire(base, b + 3, xb1, sem1)

            return acc

        acc = lax.fori_loop(0, jnp.maximum(nbp, 1), pair, (ninf,) * DCH)
        for c in range(DCH):
            obuf[j, pl.ds(c * L, L)] = acc[c]

    pltpu.sync_copy(obuf, out_hbm.at[pl.ds(g0, SEG_PER_W)])


_sc_pool = pl.kernel(
    _sc_pool_body,
    out_type=jax.ShapeDtypeStruct((G, D), jnp.float32),
    mesh=plsc.VectorSubcoreMesh(core_axis_name="c", subcore_axis_name="s",
                                num_cores=NC, num_subcores=NS),
    compiler_params=pltpu.CompilerParams(needs_layout_passes=False),
    scratch_types=[
        pltpu.VMEM((N,), jnp.int32),
        pltpu.VMEM((G,), jnp.int32),
        pltpu.VMEM((NS, G), jnp.int32),
        pltpu.VMEM((BB, D), jnp.float32),
        pltpu.VMEM((BB, D), jnp.float32),
        pltpu.VMEM((SEG_PER_W, D), jnp.float32),
        pltpu.VMEM_SHARED((NS, G), jnp.int32),
        pltpu.SemaphoreType.DMA,
        pltpu.SemaphoreType.DMA,
    ],
)


def _mlp_body(p_ref, w1_ref, b1_ref, w2_ref, b2_ref, out_ref):
    pooled = p_ref[...]
    h = jax.lax.dot_general(pooled, w1_ref[...], (((1,), (1,)), ((), ())),
                            preferred_element_type=jnp.float32)
    h = jnp.maximum(h + b1_ref[...], 0.0)
    y = jax.lax.dot_general(h, w2_ref[...], (((1,), (1,)), ((), ())),
                            preferred_element_type=jnp.float32)
    out_ref[...] = y + b2_ref[...]


def _mlp(pooled, W1, b1r, W2r, b2r):
    return pl.pallas_call(
        _mlp_body,
        out_shape=jax.ShapeDtypeStruct((G, 10), jnp.float32),
    )(pooled, W1, b1r, W2r, b2r)


@jax.jit
def _run(node_emb, batch, W1, b1r, W2p, b2p):
    pooled = _sc_pool(node_emb, batch)
    return _mlp(pooled, W1, b1r, W2p, b2p)


def kernel(node_emb, batch, edge_index, W1, b1, W2, b2):
    out = _run(node_emb, batch, W1, b1[None, :], W2, b2[None, :])
    return (out, node_emb, edge_index)

# --- scband reference (transcript-rebuilt; emitter-appended) ---
"""Pipeline reference for scband-graph-sagegraph-predictor-20598663152038 (READ-ONLY COPY).

The authoritative reference and input builder live on the scoring server;
editing this copy changes nothing except your own understanding.
"""

import jax, jax.numpy as jnp
import numpy as np

N = 10000
D = 128
E = 320000
G = 64
H = 256
T = 10

def setup_inputs(seed: int = 0) -> dict:
    key = jax.random.key(seed)
    ks = jax.random.split(key, 8)
    node_emb = jax.random.normal(ks[0], (N, D), dtype=jnp.float32)
    batch = jnp.sort(jax.random.randint(ks[1], (N,), 0, G, dtype=jnp.int32))
    edge_index = jax.random.randint(ks[2], (2, E), 0, N, dtype=jnp.int32)
    W1 = jax.random.normal(ks[3], (H, D), dtype=jnp.float32) * (1.0 / np.sqrt(D))
    b1 = jnp.zeros((H,), dtype=jnp.float32)
    W2 = jax.random.normal(ks[4], (T, H), dtype=jnp.float32) * (1.0 / np.sqrt(H))
    b2 = jnp.zeros((T,), dtype=jnp.float32)
    return {"node_emb": node_emb, "batch": batch, "edge_index": edge_index,
            "W1": W1, "b1": b1, "W2": W2, "b2": b2}

def reference(node_emb, batch, edge_index, W1, b1, W2, b2):
    # global_max_pool: segment max of node embeddings by graph id
    pooled = jax.ops.segment_max(node_emb, batch, num_segments=G)
    x = jax.nn.relu(pooled @ W1.T + b1)
    x = x @ W2.T + b2
    return (x, node_emb, edge_index)

if __name__ == "__main__":
    import jax
    _d = setup_inputs()
    print(jax.jit(kernel)(*tuple(_d.values())))

</pallas_src>

<mosaic_0001>
#map = affine_map<(d0, d1) -> (0, 0)>
#map1 = affine_map<(d0, d1) -> (0)>
module attributes {stable_mosaic.version = 14 : i64} {
  func.func @_sc_pool_body(%arg0: i32, %arg1: i32, %arg2: memref<10000x128xf32, #tpu.memory_space<hbm>>, %arg3: memref<10000xi32, #tpu.memory_space<hbm>>, %arg4: memref<64x128xf32, #tpu.memory_space<hbm>>, %arg5: memref<10000xi32, #tpu.memory_space<vmem>>, %arg6: memref<64xi32, #tpu.memory_space<vmem>>, %arg7: memref<16x64xi32, #tpu.memory_space<vmem>>, %arg8: memref<32x128xf32, #tpu.memory_space<vmem>>, %arg9: memref<32x128xf32, #tpu.memory_space<vmem>>, %arg10: memref<4x128xf32, #tpu.memory_space<vmem>>, %arg11: memref<16x64xi32, #tpu.memory_space<vmem_shared>>, %arg12: memref<!tpu.dma_semaphore, #tpu.memory_space<semaphore_mem>>, %arg13: memref<!tpu.dma_semaphore, #tpu.memory_space<semaphore_mem>>) attributes {dimension_semantics = [#tpu.dimension_semantics<core_parallel>, #tpu.dimension_semantics<subcore_parallel>], iteration_bounds = array<i64: 1, 16>, scalar_prefetch = 0 : i64, scratch_operands = 9 : i64, tpu.core_type = #tpu.core_type<sc_vector_subcore>, window_params = [{transform_indices = #map}, {transform_indices = #map1}, {transform_indices = #map}]} {
    %mul3A = arith.constant 1 : i32
    %mul3A_0 = arith.muli %arg1, %mul3A : i32
    %add3A = arith.addi %mul3A_0, %arg0 : i32
    %mul3A_1 = arith.constant 4 : i32
    %mul3A_2 = arith.muli %add3A, %mul3A_1 : i32
    "tpu.region"() ({
      %run_scoped3A = tpu.sem_alloc : memref<!tpu.dma_semaphore, #tpu.memory_space<semaphore_mem>>
      tpu.enqueue_dma source(%arg3 : memref<10000xi32, #tpu.memory_space<hbm>>) target(%arg5 : memref<10000xi32, #tpu.memory_space<vmem>>) target_semaphore(%run_scoped3A : memref<!tpu.dma_semaphore, #tpu.memory_space<semaphore_mem>>)
      tpu.wait_dma2 semaphore(%run_scoped3A : memref<!tpu.dma_semaphore, #tpu.memory_space<semaphore_mem>>) src(%arg3 : memref<10000xi32, #tpu.memory_space<hbm>>) dst(%arg5 : memref<10000xi32, #tpu.memory_space<vmem>>)
      tpu.yield
    }) : () -> ()
    %broadcast_in_dim3A = arith.constant 0 : i32
    %broadcast_in_dim3A_3 = vector.broadcast %broadcast_in_dim3A : i32 to vector<16xi32>
    %scan3A = arith.constant 0 : i32
    %scan3A_4 = arith.constant 625 : i32
    %scan3A_5 = arith.addi %scan3A, %scan3A_4 : i32
    %scan3A_6 = arith.constant 1 : i32
    %scan3A_7:5 = scf.for %scan3A_604 = %scan3A to %scan3A_5 step %scan3A_6 iter_args(%scan3A_605 = %broadcast_in_dim3A_3, %scan3A_606 = %broadcast_in_dim3A_3, %scan3A_607 = %broadcast_in_dim3A_3, %scan3A_608 = %broadcast_in_dim3A_3, %scan3A_609 = %broadcast_in_dim3A_3) -> (vector<16xi32>, vector<16xi32>, vector<16xi32>, vector<16xi32>, vector<16xi32>)  : i32 {
      %mul3A_610 = arith.constant 16 : i32
      %mul3A_611 = arith.muli %scan3A_604, %mul3A_610 : i32
      %get3A = arith.index_cast %mul3A_611 : i32 to index
      %get3A_612 = tpu.vector_load %arg5[%get3A] {strides = array<i32>} : memref<10000xi32, #tpu.memory_space<vmem>>, vector<16xi32>,
      %add3A_613 = arith.constant 0 : i32
      %add3A_614 = arith.addi %mul3A_2, %add3A_613 : i32
      %lt3A = vector.broadcast %add3A_614 : i32 to vector<16xi32>
      %lt3A_615 = arith.cmpi slt, %get3A_612, %lt3A : vector<16xi32>
      %convert_element_type3A = arith.extui %lt3A_615 : vector<16xi1> to vector<16xi32>
      %add3A_616 = arith.addi %scan3A_605, %convert_element_type3A : vector<16xi32>
      %add3A_617 = arith.constant 1 : i32
      %add3A_618 = arith.addi %mul3A_2, %add3A_617 : i32
      %lt3A_619 = vector.broadcast %add3A_618 : i32 to vector<16xi32>
      %lt3A_620 = arith.cmpi slt, %get3A_612, %lt3A_619 : vector<16xi32>
      %convert_element_type3A_621 = arith.extui %lt3A_620 : vector<16xi1> to vector<16xi32>
      %add3A_622 = arith.addi %scan3A_606, %convert_element_type3A_621 : vector<16xi32>
      %add3A_623 = arith.constant 2 : i32
      %add3A_624 = arith.addi %mul3A_2, %add3A_623 : i32
      %lt3A_625 = vector.broadcast %add3A_624 : i32 to vector<16xi32>
      %lt3A_626 = arith.cmpi slt, %get3A_612, %lt3A_625 : vector<16xi32>
      %convert_element_type3A_627 = arith.extui %lt3A_626 : vector<16xi1> to vector<16xi32>
      %add3A_628 = arith.addi %scan3A_607, %convert_element_type3A_627 : vector<16xi32>
      %add3A_629 = arith.constant 3 : i32
      %add3A_630 = arith.addi %mul3A_2, %add3A_629 : i32
      %lt3A_631 = vector.broadcast %add3A_630 : i32 to vector<16xi32>
      %lt3A_632 = arith.cmpi slt, %get3A_612, %lt3A_631 : vector<16xi32>
      %convert_element_type3A_633 = arith.extui %lt3A_632 : vector<16xi1> to vector<16xi32>
      %add3A_634 = arith.addi %scan3A_608, %convert_element_type3A_633 : vector<16xi32>
      %add3A_635 = arith.constant 4 : i32
      %add3A_636 = arith.addi %mul3A_2, %add3A_635 : i32
      %lt3A_637 = vector.broadcast %add3A_636 : i32 to vector<16xi32>
      %lt3A_638 = arith.cmpi slt, %get3A_612, %lt3A_637 : vector<16xi32>
      %convert_element_type3A_639 = arith.extui %lt3A_638 : vector<16xi1> to vector<16xi32>
      %add3A_640 = arith.addi %scan3A_609, %convert_element_type3A_639 : vector<16xi32>
      scf.yield %add3A_616, %add3A_622, %add3A_628, %add3A_634, %add3A_640 : vector<16xi32>, vector<16xi32>, vector<16xi32>, vector<16xi32>, vector<16xi32>
    }
    %scan3A_8 = arith.constant 625 : i32
    %reduce_sum3A = arith.constant true
    %reduce_sum3A_9 = vector.broadcast %reduce_sum3A : i1 to vector<16xi1>
    %reduce_sum3A_10 = tpu.scan <sum>, %scan3A_7#0 masked %reduce_sum3A_9 : vector<16xi32>, vector<16xi1> -> vector<16xi32>
    %reduce_sum3A_11 = vector.extract %reduce_sum3A_10[15] : i32 from vector<16xi32>
    %reduce_sum3A_12 = arith.constant true
    %reduce_sum3A_13 = vector.broadcast %reduce_sum3A_12 : i1 to vector<16xi1>
    %reduce_sum3A_14 = tpu.scan <sum>, %scan3A_7#1 masked %reduce_sum3A_13 : vector<16xi32>, vector<16xi1> -> vector<16xi32>
    %reduce_sum3A_15 = vector.extract %reduce_sum3A_14[15] : i32 from vector<16xi32>
    %reduce_sum3A_16 = arith.constant true
    %reduce_sum3A_17 = vector.broadcast %reduce_sum3A_16 : i1 to vector<16xi1>
    %reduce_sum3A_18 = tpu.scan <sum>, %scan3A_7#2 masked %reduce_sum3A_17 : vector<16xi32>, vector<16xi1> -> vector<16xi32>
    %reduce_sum3A_19 = vector.extract %reduce_sum3A_18[15] : i32 from vector<16xi32>
    %reduce_sum3A_20 = arith.constant true
    %reduce_sum3A_21 = vector.broadcast %reduce_sum3A_20 : i1 to vector<16xi1>
    %reduce_sum3A_22 = tpu.scan <sum>, %scan3A_7#3 masked %reduce_sum3A_21 : vector<16xi32>, vector<16xi1> -> vector<16xi32>
    %reduce_sum3A_23 = vector.extract %reduce_sum3A_22[15] : i32 from vector<16xi32>
    %reduce_sum3A_24 = arith.constant true
    %reduce_sum3A_25 = vector.broadcast %reduce_sum3A_24 : i1 to vector<16xi1>
    %reduce_sum3A_26 = tpu.scan <sum>, %scan3A_7#4 masked %reduce_sum3A_25 : vector<16xi32>, vector<16xi1> -> vector<16xi32>
    %reduce_sum3A_27 = vector.extract %reduce_sum3A_26[15] : i32 from vector<16xi32>
    %broadcast_in_dim3A_28 = arith.constant 0xFF800000 : f32
    %broadcast_in_dim3A_29 = vector.broadcast %broadcast_in_dim3A_28 : f32 to vector<16xf32>
    %add3A_30 = arith.constant 0 : i32
    %add3A_31 = arith.addi %mul3A_2, %add3A_30 : i32
    %jit3A = arith.constant 8 : i32
    %div3A = arith.divsi %reduce_sum3A_11, %jit3A : i32
    %sign3A = arith.constant 0 : i32
    %sign3A_32 = arith.cmpi sgt, %reduce_sum3A_11, %sign3A : i32
    %sign3A_33 = arith.extui %sign3A_32 : i1 to i32
    %sign3A_34 = arith.constant 0 : i32
    %sign3A_35 = arith.cmpi slt, %reduce_sum3A_11, %sign3A_34 : i32
    %sign3A_36 = arith.extui %sign3A_35 : i1 to i32
    %sign3A_37 = arith.subi %sign3A_33, %sign3A_36 : i32
    %sign3A_38 = arith.constant 0 : i32
    %sign3A_39 = arith.cmpi sgt, %jit3A, %sign3A_38 : i32
    %sign3A_40 = arith.extui %sign3A_39 : i1 to i32
    %sign3A_41 = arith.constant 0 : i32
    %sign3A_42 = arith.cmpi slt, %jit3A, %sign3A_41 : i32
    %sign3A_43 = arith.extui %sign3A_42 : i1 to i32
    %sign3A_44 = arith.subi %sign3A_40, %sign3A_43 : i32
    %ne3A = arith.cmpi ne, %sign3A_37, %sign3A_44 : i32
    %rem3A = arith.remsi %reduce_sum3A_11, %jit3A : i32
    %ne3A_45 = arith.constant 0 : i32
    %ne3A_46 = arith.cmpi ne, %rem3A, %ne3A_45 : i32
    %and3A = arith.andi %ne3A, %ne3A_46 : i1
    %sub3A = arith.constant 1 : i32
    %sub3A_47 = arith.subi %div3A, %sub3A : i32
    %select_n3A = arith.select %and3A, %sub3A_47, %div3A : i32
    %mul3A_48 = arith.constant 8 : i32
    %mul3A_49 = arith.muli %select_n3A, %mul3A_48 : i32
    %multiple_of3A = tpu.assume_multiple %mul3A_49, 8 : i32
    %sub3A_50 = arith.subi %reduce_sum3A_15, %multiple_of3A : i32
    %add3A_51 = arith.constant 32 : i32
    %add3A_52 = arith.addi %sub3A_50, %add3A_51 : i32
    %sub3A_53 = arith.constant 1 : i32
    %sub3A_54 = arith.subi %add3A_52, %sub3A_53 : i32
    %jit3A_55 = arith.constant 32 : i32
    %div3A_56 = arith.divsi %sub3A_54, %jit3A_55 : i32
    %sign3A_57 = arith.constant 0 : i32
    %sign3A_58 = arith.cmpi sgt, %sub3A_54, %sign3A_57 : i32
    %sign3A_59 = arith.extui %sign3A_58 : i1 to i32
    %sign3A_60 = arith.constant 0 : i32
    %sign3A_61 = arith.cmpi slt, %sub3A_54, %sign3A_60 : i32
    %sign3A_62 = arith.extui %sign3A_61 : i1 to i32
    %sign3A_63 = arith.subi %sign3A_59, %sign3A_62 : i32
    %sign3A_64 = arith.constant 0 : i32
    %sign3A_65 = arith.cmpi sgt, %jit3A_55, %sign3A_64 : i32
    %sign3A_66 = arith.extui %sign3A_65 : i1 to i32
    %sign3A_67 = arith.constant 0 : i32
    %sign3A_68 = arith.cmpi slt, %jit3A_55, %sign3A_67 : i32
    %sign3A_69 = arith.extui %sign3A_68 : i1 to i32
    %sign3A_70 = arith.subi %sign3A_66, %sign3A_69 : i32
    %ne3A_71 = arith.cmpi ne, %sign3A_63, %sign3A_70 : i32
    %rem3A_72 = arith.remsi %sub3A_54, %jit3A_55 : i32
    %ne3A_73 = arith.constant 0 : i32
    %ne3A_74 = arith.cmpi ne, %rem3A_72, %ne3A_73 : i32
    %and3A_75 = arith.andi %ne3A_71, %ne3A_74 : i1
    %sub3A_76 = arith.constant 1 : i32
    %sub3A_77 = arith.subi %div3A_56, %sub3A_76 : i32
    %select_n3A_78 = arith.select %and3A_75, %sub3A_77, %div3A_56 : i32
    %add3A_79 = arith.constant 1 : i32
    %add3A_80 = arith.addi %select_n3A_78, %add3A_79 : i32
    %jit3A_81 = arith.constant 2 : i32
    %div3A_82 = arith.divsi %add3A_80, %jit3A_81 : i32
    %sign3A_83 = arith.constant 0 : i32
    %sign3A_84 = arith.cmpi sgt, %add3A_80, %sign3A_83 : i32
    %sign3A_85 = arith.extui %sign3A_84 : i1 to i32
    %sign3A_86 = arith.constant 0 : i32
    %sign3A_87 = arith.cmpi slt, %add3A_80, %sign3A_86 : i32
    %sign3A_88 = arith.extui %sign3A_87 : i1 to i32
    %sign3A_89 = arith.subi %sign3A_85, %sign3A_88 : i32
    %sign3A_90 = arith.constant 0 : i32
    %sign3A_91 = arith.cmpi sgt, %jit3A_81, %sign3A_90 : i32
    %sign3A_92 = arith.extui %sign3A_91 : i1 to i32
    %sign3A_93 = arith.constant 0 : i32
    %sign3A_94 = arith.cmpi slt, %jit3A_81, %sign3A_93 : i32
    %sign3A_95 = arith.extui %sign3A_94 : i1 to i32
    %sign3A_96 = arith.subi %sign3A_92, %sign3A_95 : i32
    %ne3A_97 = arith.cmpi ne, %sign3A_89, %sign3A_96 : i32
    %rem3A_98 = arith.remsi %add3A_80, %jit3A_81 : i32
    %ne3A_99 = arith.constant 0 : i32
    %ne3A_100 = arith.cmpi ne, %rem3A_98, %ne3A_99 : i32
    %and3A_101 = arith.andi %ne3A_97, %ne3A_100 : i1
    %sub3A_102 = arith.constant 1 : i32
    %sub3A_103 = arith.subi %div3A_82, %sub3A_102 : i32
    %select_n3A_104 = arith.select %and3A_101, %sub3A_103, %div3A_82 : i32
    %add3A_105 = arith.constant 0 : i32
    %add3A_106 = arith.addi %multiple_of3A, %add3A_105 : i32
    %min3A = arith.constant 9968 : i32
    %min3A_107 = arith.minsi %add3A_106, %min3A : i32
    %multiple_of3A_108 = tpu.assume_multiple %min3A_107, 8 : i32
    %dma_start3A = arith.constant 0 : i32
    %dma_start3A_109 = tpu.memref_slice %arg2[%multiple_of3A_108, %dma_start3A] : memref<10000x128xf32, #tpu.memory_space<hbm>> -> memref<32x128xf32, #tpu.memory_space<hbm>>
    %dma_start3A_110 = arith.constant 0 : i32
    %dma_start3A_111 = tpu.memref_slice %arg2[%multiple_of3A_108, %dma_start3A_110] : memref<10000x128xf32, #tpu.memory_space<hbm>> -> memref<32x128xf32, #tpu.memory_space<hbm>>
    tpu.enqueue_dma source(%dma_start3A_111 : memref<32x128xf32, #tpu.memory_space<hbm>>) target(%arg8 : memref<32x128xf32, #tpu.memory_space<vmem>>) target_semaphore(%arg12 : memref<!tpu.dma_semaphore, #tpu.memory_space<semaphore_mem>>)
    %add3A_112 = arith.constant 32 : i32
    %add3A_113 = arith.addi %multiple_of3A, %add3A_112 : i32
    %min3A_114 = arith.constant 9968 : i32
    %min3A_115 = arith.minsi %add3A_113, %min3A_114 : i32
    %multiple_of3A_116 = tpu.assume_multiple %min3A_115, 8 : i32
    %dma_start3A_117 = arith.constant 0 : i32
    %dma_start3A_118 = tpu.memref_slice %arg2[%multiple_of3A_116, %dma_start3A_117] : memref<10000x128xf32, #tpu.memory_space<hbm>> -> memref<32x128xf32, #tpu.memory_space<hbm>>
    %dma_start3A_119 = arith.constant 0 : i32
    %dma_start3A_120 = tpu.memref_slice %arg2[%multiple_of3A_116, %dma_start3A_119] : memref<10000x128xf32, #tpu.memory_space<hbm>> -> memref<32x128xf32, #tpu.memory_space<hbm>>
    tpu.enqueue_dma source(%dma_start3A_120 : memref<32x128xf32, #tpu.memory_space<hbm>>) target(%arg9 : memref<32x128xf32, #tpu.memory_space<vmem>>) target_semaphore(%arg13 : memref<!tpu.dma_semaphore, #tpu.memory_space<semaphore_mem>>)
    %max3A = arith.constant 1 : i32
    %max3A_121 = arith.maxsi %select_n3A_104, %max3A : i32
    %while3A = arith.constant 0 : i32
    %while3A_122 = arith.subi %max3A_121, %while3A : i32
    %while3A_123 = arith.addi %while3A, %while3A_122 : i32
    %while3A_124 = arith.constant 1 : i32
    %while3A_125 = arith.divsi %while3A_122, %while3A_124 : i32
    %while3A_126 = arith.muli %while3A_125, %while3A_124 : i32
    %while3A_127 = arith.addi %while3A, %while3A_126 : i32
    %while3A_128 = arith.constant 1 : i32
    %while3A_129:8 = scf.for %while3A_604 = %while3A to %while3A_127 step %while3A_128 iter_args(%while3A_605 = %broadcast_in_dim3A_29, %while3A_606 = %broadcast_in_dim3A_29, %while3A_607 = %broadcast_in_dim3A_29, %while3A_608 = %broadcast_in_dim3A_29, %while3A_609 = %broadcast_in_dim3A_29, %while3A_610 = %broadcast_in_dim3A_29, %while3A_611 = %broadcast_in_dim3A_29, %while3A_612 = %broadcast_in_dim3A_29) -> (vector<16xf32>, vector<16xf32>, vector<16xf32>, vector<16xf32>, vector<16xf32>, vector<16xf32>, vector<16xf32>, vector<16xf32>)  : i32 {
      %mul3A_613 = arith.constant 2 : i32
      %mul3A_614 = arith.muli %mul3A_613, %while3A_604 : i32
      %dma_wait3A = arith.constant 0 : i32
      %dma_wait3A_615 = arith.constant 0 : i32
      %dma_wait3A_616 = tpu.memref_slice %arg2[%dma_wait3A, %dma_wait3A_615] : memref<10000x128xf32, #tpu.memory_space<hbm>> -> memref<32x128xf32, #tpu.memory_space<hbm>>
      %dma_wait3A_617 = arith.constant 0 : i32
      %dma_wait3A_618 = arith.constant 0 : i32
      %dma_wait3A_619 = tpu.memref_slice %arg2[%dma_wait3A_617, %dma_wait3A_618] : memref<10000x128xf32, #tpu.memory_space<hbm>> -> memref<32x128xf32, #tpu.memory_space<hbm>>
      tpu.wait_dma2 semaphore(%arg12 : memref<!tpu.dma_semaphore, #tpu.memory_space<semaphore_mem>>) src(%dma_wait3A_619 : memref<32x128xf32, #tpu.memory_space<hbm>>) dst(%arg8 : memref<32x128xf32, #tpu.memory_space<vmem>>)
      %mul3A_620 = arith.constant 32 : i32
      %mul3A_621 = arith.muli %mul3A_614, %mul3A_620 : i32
      %add3A_622 = arith.addi %multiple_of3A, %mul3A_621 : i32
      %min3A_623 = arith.constant 9968 : i32
      %min3A_624 = arith.minsi %add3A_622, %min3A_623 : i32
      %multiple_of3A_625 = tpu.assume_multiple %min3A_624, 8 : i32
      %scan3A_626 = arith.constant 0 : i32
      %scan3A_627 = arith.constant 32 : i32
      %scan3A_628 = arith.addi %scan3A_626, %scan3A_627 : i32
      %scan3A_629 = arith.constant 1 : i32
      %scan3A_630:8 = scf.for %scan3A_661 = %scan3A_626 to %scan3A_628 step %scan3A_629 iter_args(%scan3A_662 = %while3A_605, %scan3A_663 = %while3A_606, %scan3A_664 = %while3A_607, %scan3A_665 = %while3A_608, %scan3A_666 = %while3A_609, %scan3A_667 = %while3A_610, %scan3A_668 = %while3A_611, %scan3A_669 = %while3A_612) -> (vector<16xf32>, vector<16xf32>, vector<16xf32>, vector<16xf32>, vector<16xf32>, vector<16xf32>, vector<16xf32>, vector<16xf32>)  : i32 {
        %add3A_670 = arith.addi %multiple_of3A_625, %scan3A_661 : i32
        %ge3A = arith.cmpi sge, %add3A_670, %reduce_sum3A_11 : i32
        %add3A_671 = arith.addi %multiple_of3A_625, %scan3A_661 : i32
        %lt3A_672 = arith.cmpi slt, %add3A_671, %reduce_sum3A_15 : i32
        %and3A_673 = arith.andi %ge3A, %lt3A_672 : i1
        %get3A = arith.index_cast %scan3A_661 : i32 to index
        %get3A_674 = arith.constant 0 : index
        %get3A_675 = tpu.vector_load %arg8[%get3A, %get3A_674] {strides = array<i32>} : memref<32x128xf32, #tpu.memory_space<vmem>>, vector<16xf32>,
        %max3A_676 = arith.maximumf %scan3A_662, %get3A_675 : vector<16xf32>
        %select_n3A_677 = arith.select %and3A_673, %max3A_676, %scan3A_662 : vector<16xf32>
        %get3A_678 = arith.index_cast %scan3A_661 : i32 to index
        %get3A_679 = arith.constant 16 : index
        %get3A_680 = tpu.vector_load %arg8[%get3A_678, %get3A_679] {strides = array<i32>} : memref<32x128xf32, #tpu.memory_space<vmem>>, vector<16xf32>,
        %max3A_681 = arith.maximumf %scan3A_663, %get3A_680 : vector<16xf32>
        %select_n3A_682 = arith.select %and3A_673, %max3A_681, %scan3A_663 : vector<16xf32>
        %get3A_683 = arith.index_cast %scan3A_661 : i32 to index
        %get3A_684 = arith.constant 32 : index
        %get3A_685 = tpu.vector_load %arg8[%get3A_683, %get3A_684] {strides = array<i32>} : memref<32x128xf32, #tpu.memory_space<vmem>>, vector<16xf32>,
        %max3A_686 = arith.maximumf %scan3A_664, %get3A_685 : vector<16xf32>
        %select_n3A_687 = arith.select %and3A_673, %max3A_686, %scan3A_664 : vector<16xf32>
        %get3A_688 = arith.index_cast %scan3A_661 : i32 to index
        %get3A_689 = arith.constant 48 : index
        %get3A_690 = tpu.vector_load %arg8[%get3A_688, %get3A_689] {strides = array<i32>} : memref<32x128xf32, #tpu.memory_space<vmem>>, vector<16xf32>,
        %max3A_691 = arith.maximumf %scan3A_665, %get3A_690 : vector<16xf32>
        %select_n3A_692 = arith.select %and3A_673, %max3A_691, %scan3A_665 : vector<16xf32>
        %get3A_693 = arith.index_cast %scan3A_661 : i32 to index
        %get3A_694 = arith.constant 64 : index
        %get3A_695 = tpu.vector_load %arg8[%get3A_693, %get3A_694] {strides = array<i32>} : memref<32x128xf32, #tpu.memory_space<vmem>>, vector<16xf32>,
        %max3A_696 = arith.maximumf %scan3A_666, %get3A_695 : vector<16xf32>
        %select_n3A_697 = arith.select %and3A_673, %max3A_696, %scan3A_666 : vector<16xf32>
        %get3A_698 = arith.index_cast %scan3A_661 : i32 to index
        %get3A_699 = arith.constant 80 : index
        %get3A_700 = tpu.vector_load %arg8[%get3A_698, %get3A_699] {strides = array<i32>} : memref<32x128xf32, #tpu.memory_space<vmem>>, vector<16xf32>,
        %max3A_701 = arith.maximumf %scan3A_667, %get3A_700 : vector<16xf32>
        %select_n3A_702 = arith.select %and3A_673, %max3A_701, %scan3A_667 : vector<16xf32>
        %get3A_703 = arith.index_cast %scan3A_661 : i32 to index
        %get3A_704 = arith.constant 96 : index
        %get3A_705 = tpu.vector_load %arg8[%get3A_703, %get3A_704] {strides = array<i32>} : memref<32x128xf32, #tpu.memory_space<vmem>>, vector<16xf32>,
        %max3A_706 = arith.maximumf %scan3A_668, %get3A_705 : vector<16xf32>
        %select_n3A_707 = arith.select %and3A_673, %max3A_706, %scan3A_668 : vector<16xf32>
        %get3A_708 = arith.index_cast %scan3A_661 : i32 to index
        %get3A_709 = arith.constant 112 : index
        %get3A_710 = tpu.vector_load %arg8[%get3A_708, %get3A_709] {strides = array<i32>} : memref<32x128xf32, #tpu.memory_space<vmem>>, vector<16xf32>,
        %max3A_711 = arith.maximumf %scan3A_669, %get3A_710 : vector<16xf32>
        %select_n3A_712 = arith.select %and3A_673, %max3A_711, %scan3A_669 : vector<16xf32>
        scf.yield %select_n3A_677, %select_n3A_682, %select_n3A_687, %select_n3A_692, %select_n3A_697, %select_n3A_702, %select_n3A_707, %select_n3A_712 : vector<16xf32>, vector<16xf32>, vector<16xf32>, vector<16xf32>, vector<16xf32>, vector<16xf32>, vector<16xf32>, vector<16xf32>
      }
      %scan3A_631 = arith.constant 32 : i32
      %add3A_632 = arith.constant 1 : i32
      %add3A_633 = arith.addi %while3A_604, %add3A_632 : i32
      %lt3A = arith.cmpi slt, %add3A_633, %select_n3A_104 : i32
      %convert_element_type3A = arith.extui %lt3A : i1 to i32
      %cond3A = arith.constant 0 : i32
      %cond3A_634 = arith.cmpi ne, %convert_element_type3A, %cond3A : i32
      scf.if %cond3A_634 {
        %add3A_661 = arith.constant 2 : i32
        %add3A_662 = arith.addi %mul3A_614, %add3A_661 : i32
        %mul3A_663 = arith.constant 32 : i32
        %mul3A_664 = arith.muli %add3A_662, %mul3A_663 : i32
        %add3A_665 = arith.addi %multiple_of3A, %mul3A_664 : i32
        %min3A_666 = arith.constant 9968 : i32
        %min3A_667 = arith.minsi %add3A_665, %min3A_666 : i32
        %multiple_of3A_668 = tpu.assume_multiple %min3A_667, 8 : i32
        %dma_start3A_669 = arith.constant 0 : i32
        %dma_start3A_670 = tpu.memref_slice %arg2[%multiple_of3A_668, %dma_start3A_669] : memref<10000x128xf32, #tpu.memory_space<hbm>> -> memref<32x128xf32, #tpu.memory_space<hbm>>
        %dma_start3A_671 = arith.constant 0 : i32
        %dma_start3A_672 = tpu.memref_slice %arg2[%multiple_of3A_668, %dma_start3A_671] : memref<10000x128xf32, #tpu.memory_space<hbm>> -> memref<32x128xf32, #tpu.memory_space<hbm>>
        tpu.enqueue_dma source(%dma_start3A_672 : memref<32x128xf32, #tpu.memory_space<hbm>>) target(%arg8 : memref<32x128xf32, #tpu.memory_space<vmem>>) target_semaphore(%arg12 : memref<!tpu.dma_semaphore, #tpu.memory_space<semaphore_mem>>)
      } else {
      }
      %dma_wait3A_635 = arith.constant 0 : i32
      %dma_wait3A_636 = arith.constant 0 : i32
      %dma_wait3A_637 = tpu.memref_slice %arg2[%dma_wait3A_635, %dma_wait3A_636] : memref<10000x128xf32, #tpu.memory_space<hbm>> -> memref<32x128xf32, #tpu.memory_space<hbm>>
      %dma_wait3A_638 = arith.constant 0 : i32
      %dma_wait3A_639 = arith.constant 0 : i32
      %dma_wait3A_640 = tpu.memref_slice %arg2[%dma_wait3A_638, %dma_wait3A_639] : memref<10000x128xf32, #tpu.memory_space<hbm>> -> memref<32x128xf32, #tpu.memory_space<hbm>>
      tpu.wait_dma2 semaphore(%arg13 : memref<!tpu.dma_semaphore, #tpu.memory_space<semaphore_mem>>) src(%dma_wait3A_640 : memref<32x128xf32, #tpu.memory_space<hbm>>) dst(%arg9 : memref<32x128xf32, #tpu.memory_space<vmem>>)
      %add3A_641 = arith.constant 1 : i32
      %add3A_642 = arith.addi %mul3A_614, %add3A_641 : i32
      %mul3A_643 = arith.constant 32 : i32
      %mul3A_644 = arith.muli %add3A_642, %mul3A_643 : i32
      %add3A_645 = arith.addi %multiple_of3A, %mul3A_644 : i32
      %min3A_646 = arith.constant 9968 : i32
      %min3A_647 = arith.minsi %add3A_645, %min3A_646 : i32
      %multiple_of3A_648 = tpu.assume_multiple %min3A_647, 8 : i32
      %scan3A_649 = arith.constant 0 : i32
      %scan3A_650 = arith.constant 32 : i32
      %scan3A_651 = arith.addi %scan3A_649, %scan3A_650 : i32
      %scan3A_652 = arith.constant 1 : i32
      %scan3A_653:8 = scf.for %scan3A_661 = %scan3A_649 to %scan3A_651 step %scan3A_652 iter_args(%scan3A_662 = %scan3A_630#0, %scan3A_663 = %scan3A_630#1, %scan3A_664 = %scan3A_630#2, %scan3A_665 = %scan3A_630#3, %scan3A_666 = %scan3A_630#4, %scan3A_667 = %scan3A_630#5, %scan3A_668 = %scan3A_630#6, %scan3A_669 = %scan3A_630#7) -> (vector<16xf32>, vector<16xf32>, vector<16xf32>, vector<16xf32>, vector<16xf32>, vector<16xf32>, vector<16xf32>, vector<16xf32>)  : i32 {
        %add3A_670 = arith.addi %multiple_of3A_648, %scan3A_661 : i32
        %ge3A = arith.cmpi sge, %add3A_670, %reduce_sum3A_11 : i32
        %add3A_671 = arith.addi %multiple_of3A_648, %scan3A_661 : i32
        %lt3A_672 = arith.cmpi slt, %add3A_671, %reduce_sum3A_15 : i32
        %and3A_673 = arith.andi %ge3A, %lt3A_672 : i1
        %get3A = arith.index_cast %scan3A_661 : i32 to index
        %get3A_674 = arith.constant 0 : index
        %get3A_675 = tpu.vector_load %arg9[%get3A, %get3A_674] {strides = array<i32>} : memref<32x128xf32, #tpu.memory_space<vmem>>, vector<16xf32>,
        %max3A_676 = arith.maximumf %scan3A_662, %get3A_675 : vector<16xf32>
        %select_n3A_677 = arith.select %and3A_673, %max3A_676, %scan3A_662 : vector<16xf32>
        %get3A_678 = arith.index_cast %scan3A_661 : i32 to index
        %get3A_679 = arith.constant 16 : index
        %get3A_680 = tpu.vector_load %arg9[%get3A_678, %get3A_679] {strides = array<i32>} : memref<32x128xf32, #tpu.memory_space<vmem>>, vector<16xf32>,
        %max3A_681 = arith.maximumf %scan3A_663, %get3A_680 : vector<16xf32>
        %select_n3A_682 = arith.select %and3A_673, %max3A_681, %scan3A_663 : vector<16xf32>
        %get3A_683 = arith.index_cast %scan3A_661 : i32 to index
        %get3A_684 = arith.constant 32 : index
        %get3A_685 = tpu.vector_load %arg9[%get3A_683, %get3A_684] {strides = array<i32>} : memref<32x128xf32, #tpu.memory_space<vmem>>, vector<16xf32>,
        %max3A_686 = arith.maximumf %scan3A_664, %get3A_685 : vector<16xf32>
        %select_n3A_687 = arith.select %and3A_673, %max3A_686, %scan3A_664 : vector<16xf32>
        %get3A_688 = arith.index_cast %scan3A_661 : i32 to index
        %get3A_689 = arith.constant 48 : index
        %get3A_690 = tpu.vector_load %arg9[%get3A_688, %get3A_689] {strides = array<i32>} : memref<32x128xf32, #tpu.memory_space<vmem>>, vector<16xf32>,
        %max3A_691 = arith.maximumf %scan3A_665, %get3A_690 : vector<16xf32>
        %select_n3A_692 = arith.select %and3A_673, %max3A_691, %scan3A_665 : vector<16xf32>
        %get3A_693 = arith.index_cast %scan3A_661 : i32 to index
        %get3A_694 = arith.constant 64 : index
        %get3A_695 = tpu.vector_load %arg9[%get3A_693, %get3A_694] {strides = array<i32>} : memref<32x128xf32, #tpu.memory_space<vmem>>, vector<16xf32>,
        %max3A_696 = arith.maximumf %scan3A_666, %get3A_695 : vector<16xf32>
        %select_n3A_697 = arith.select %and3A_673, %max3A_696, %scan3A_666 : vector<16xf32>
        %get3A_698 = arith.index_cast %scan3A_661 : i32 to index
        %get3A_699 = arith.constant 80 : index
        %get3A_700 = tpu.vector_load %arg9[%get3A_698, %get3A_699] {strides = array<i32>} : memref<32x128xf32, #tpu.memory_space<vmem>>, vector<16xf32>,
        %max3A_701 = arith.maximumf %scan3A_667, %get3A_700 : vector<16xf32>
        %select_n3A_702 = arith.select %and3A_673, %max3A_701, %scan3A_667 : vector<16xf32>
        %get3A_703 = arith.index_cast %scan3A_661 : i32 to index
        %get3A_704 = arith.constant 96 : index
        %get3A_705 = tpu.vector_load %arg9[%get3A_703, %get3A_704] {strides = array<i32>} : memref<32x128xf32, #tpu.memory_space<vmem>>, vector<16xf32>,
        %max3A_706 = arith.maximumf %scan3A_668, %get3A_705 : vector<16xf32>
        %select_n3A_707 = arith.select %and3A_673, %max3A_706, %scan3A_668 : vector<16xf32>
        %get3A_708 = arith.index_cast %scan3A_661 : i32 to index
        %get3A_709 = arith.constant 112 : index
        %get3A_710 = tpu.vector_load %arg9[%get3A_708, %get3A_709] {strides = array<i32>} : memref<32x128xf32, #tpu.memory_space<vmem>>, vector<16xf32>,
        %max3A_711 = arith.maximumf %scan3A_669, %get3A_710 : vector<16xf32>
        %select_n3A_712 = arith.select %and3A_673, %max3A_711, %scan3A_669 : vector<16xf32>
        scf.yield %select_n3A_677, %select_n3A_682, %select_n3A_687, %select_n3A_692, %select_n3A_697, %select_n3A_702, %select_n3A_707, %select_n3A_712 : vector<16xf32>, vector<16xf32>, vector<16xf32>, vector<16xf32>, vector<16xf32>, vector<16xf32>, vector<16xf32>, vector<16xf32>
      }
      %scan3A_654 = arith.constant 32 : i32
      %add3A_655 = arith.constant 1 : i32
      %add3A_656 = arith.addi %while3A_604, %add3A_655 : i32
      %lt3A_657 = arith.cmpi slt, %add3A_656, %select_n3A_104 : i32
      %convert_element_type3A_658 = arith.extui %lt3A_657 : i1 to i32
      %cond3A_659 = arith.constant 0 : i32
      %cond3A_660 = arith.cmpi ne, %convert_element_type3A_658, %cond3A_659 : i32
      scf.if %cond3A_660 {
        %add3A_661 = arith.constant 3 : i32
        %add3A_662 = arith.addi %mul3A_614, %add3A_661 : i32
        %mul3A_663 = arith.constant 32 : i32
        %mul3A_664 = arith.muli %add3A_662, %mul3A_663 : i32
        %add3A_665 = arith.addi %multiple_of3A, %mul3A_664 : i32
        %min3A_666 = arith.constant 9968 : i32
        %min3A_667 = arith.minsi %add3A_665, %min3A_666 : i32
        %multiple_of3A_668 = tpu.assume_multiple %min3A_667, 8 : i32
        %dma_start3A_669 = arith.constant 0 : i32
        %dma_start3A_670 = tpu.memref_slice %arg2[%multiple_of3A_668, %dma_start3A_669] : memref<10000x128xf32, #tpu.memory_space<hbm>> -> memref<32x128xf32, #tpu.memory_space<hbm>>
        %dma_start3A_671 = arith.constant 0 : i32
        %dma_start3A_672 = tpu.memref_slice %arg2[%multiple_of3A_668, %dma_start3A_671] : memref<10000x128xf32, #tpu.memory_space<hbm>> -> memref<32x128xf32, #tpu.memory_space<hbm>>
        tpu.enqueue_dma source(%dma_start3A_672 : memref<32x128xf32, #tpu.memory_space<hbm>>) target(%arg9 : memref<32x128xf32, #tpu.memory_space<vmem>>) target_semaphore(%arg13 : memref<!tpu.dma_semaphore, #tpu.memory_space<semaphore_mem>>)
      } else {
      }
      scf.yield %scan3A_653#0, %scan3A_653#1, %scan3A_653#2, %scan3A_653#3, %scan3A_653#4, %scan3A_653#5, %scan3A_653#6, %scan3A_653#7 : vector<16xf32>, vector<16xf32>, vector<16xf32>, vector<16xf32>, vector<16xf32>, vector<16xf32>, vector<16xf32>, vector<16xf32>
    }
    %while3A_130 = arith.constant 1 : i32
    %while3A_131:8 = scf.for %while3A_604 = %while3A_127 to %while3A_123 step %while3A_130 iter_args(%while3A_605 = %while3A_129#0, %while3A_606 = %while3A_129#1, %while3A_607 = %while3A_129#2, %while3A_608 = %while3A_129#3, %while3A_609 = %while3A_129#4, %while3A_610 = %while3A_129#5, %while3A_611 = %while3A_129#6, %while3A_612 = %while3A_129#7) -> (vector<16xf32>, vector<16xf32>, vector<16xf32>, vector<16xf32>, vector<16xf32>, vector<16xf32>, vector<16xf32>, vector<16xf32>)  : i32 {
      %mul3A_613 = arith.constant 2 : i32
      %mul3A_614 = arith.muli %mul3A_613, %while3A_604 : i32
      %dma_wait3A = arith.constant 0 : i32
      %dma_wait3A_615 = arith.constant 0 : i32
      %dma_wait3A_616 = tpu.memref_slice %arg2[%dma_wait3A, %dma_wait3A_615] : memref<10000x128xf32, #tpu.memory_space<hbm>> -> memref<32x128xf32, #tpu.memory_space<hbm>>
      %dma_wait3A_617 = arith.constant 0 : i32
      %dma_wait3A_618 = arith.constant 0 : i32
      %dma_wait3A_619 = tpu.memref_slice %arg2[%dma_wait3A_617, %dma_wait3A_618] : memref<10000x128xf32, #tpu.memory_space<hbm>> -> memref<32x128xf32, #tpu.memory_space<hbm>>
      tpu.wait_dma2 semaphore(%arg12 : memref<!tpu.dma_semaphore, #tpu.memory_space<semaphore_mem>>) src(%dma_wait3A_619 : memref<32x128xf32, #tpu.memory_space<hbm>>) dst(%arg8 : memref<32x128xf32, #tpu.memory_space<vmem>>)
      %mul3A_620 = arith.constant 32 : i32
      %mul3A_621 = arith.muli %mul3A_614, %mul3A_620 : i32
      %add3A_622 = arith.addi %multiple_of3A, %mul3A_621 : i32
      %min3A_623 = arith.constant 9968 : i32
      %min3A_624 = arith.minsi %add3A_622, %min3A_623 : i32
      %multiple_of3A_625 = tpu.assume_multiple %min3A_624, 8 : i32
      %scan3A_626 = arith.constant 0 : i32
      %scan3A_627 = arith.constant 32 : i32
      %scan3A_628 = arith.addi %scan3A_626, %scan3A_627 : i32
      %scan3A_629 = arith.constant 1 : i32
      %scan3A_630:8 = scf.for %scan3A_661 = %scan3A_626 to %scan3A_628 step %scan3A_629 iter_args(%scan3A_662 = %while3A_605, %scan3A_663 = %while3A_606, %scan3A_664 = %while3A_607, %scan3A_665 = %while3A_608, %scan3A_666 = %while3A_609, %scan3A_667 = %while3A_610, %scan3A_668 = %while3A_611, %scan3A_669 = %while3A_612) -> (vector<16xf32>, vector<16xf32>, vector<16xf32>, vector<16xf32>, vector<16xf32>, vector<16xf32>, vector<16xf32>, vector<16xf32>)  : i32 {
        %add3A_670 = arith.addi %multiple_of3A_625, %scan3A_661 : i32
        %ge3A = arith.cmpi sge, %add3A_670, %reduce_sum3A_11 : i32
        %add3A_671 = arith.addi %multiple_of3A_625, %scan3A_661 : i32
        %lt3A_672 = arith.cmpi slt, %add3A_671, %reduce_sum3A_15 : i32
        %and3A_673 = arith.andi %ge3A, %lt3A_672 : i1
        %get3A = arith.index_cast %scan3A_661 : i32 to index
        %get3A_674 = arith.constant 0 : index
        %get3A_675 = tpu.vector_load %arg8[%get3A, %get3A_674] {strides = array<i32>} : memref<32x128xf32, #tpu.memory_space<vmem>>, vector<16xf32>,
        %max3A_676 = arith.maximumf %scan3A_662, %get3A_675 : vector<16xf32>
        %select_n3A_677 = arith.select %and3A_673, %max3A_676, %scan3A_662 : vector<16xf32>
        %get3A_678 = arith.index_cast %scan3A_661 : i32 to index
        %get3A_679 = arith.constant 16 : index
        %get3A_680 = tpu.vector_load %arg8[%get3A_678, %get3A_679] {strides = array<i32>} : memref<32x128xf32, #tpu.memory_space<vmem>>, vector<16xf32>,
        %max3A_681 = arith.maximumf %scan3A_663, %get3A_680 : vector<16xf32>
        %select_n3A_682 = arith.select %and3A_673, %max3A_681, %scan3A_663 : vector<16xf32>
        %get3A_683 = arith.index_cast %scan3A_661 : i32 to index
        %get3A_684 = arith.constant 32 : index
        %get3A_685 = tpu.vector_load %arg8[%get3A_683, %get3A_684] {strides = array<i32>} : memref<32x128xf32, #tpu.memory_space<vmem>>, vector<16xf32>,
        %max3A_686 = arith.maximumf %scan3A_664, %get3A_685 : vector<16xf32>
        %select_n3A_687 = arith.select %and3A_673, %max3A_686, %scan3A_664 : vector<16xf32>
        %get3A_688 = arith.index_cast %scan3A_661 : i32 to index
        %get3A_689 = arith.constant 48 : index
        %get3A_690 = tpu.vector_load %arg8[%get3A_688, %get3A_689] {strides = array<i32>} : memref<32x128xf32, #tpu.memory_space<vmem>>, vector<16xf32>,
        %max3A_691 = arith.maximumf %scan3A_665, %get3A_690 : vector<16xf32>
        %select_n3A_692 = arith.select %and3A_673, %max3A_691, %scan3A_665 : vector<16xf32>
        %get3A_693 = arith.index_cast %scan3A_661 : i32 to index
        %get3A_694 = arith.constant 64 : index
        %get3A_695 = tpu.vector_load %arg8[%get3A_693, %get3A_694] {strides = array<i32>} : memref<32x128xf32, #tpu.memory_space<vmem>>, vector<16xf32>,
        %max3A_696 = arith.maximumf %scan3A_666, %get3A_695 : vector<16xf32>
        %select_n3A_697 = arith.select %and3A_673, %max3A_696, %scan3A_666 : vector<16xf32>
        %get3A_698 = arith.index_cast %scan3A_661 : i32 to index
        %get3A_699 = arith.constant 80 : index
        %get3A_700 = tpu.vector_load %arg8[%get3A_698, %get3A_699] {strides = array<i32>} : memref<32x128xf32, #tpu.memory_space<vmem>>, vector<16xf32>,
        %max3A_701 = arith.maximumf %scan3A_667, %get3A_700 : vector<16xf32>
        %select_n3A_702 = arith.select %and3A_673, %max3A_701, %scan3A_667 : vector<16xf32>
        %get3A_703 = arith.index_cast %scan3A_661 : i32 to index
        %get3A_704 = arith.constant 96 : index
        %get3A_705 = tpu.vector_load %arg8[%get3A_703, %get3A_704] {strides = array<i32>} : memref<32x128xf32, #tpu.memory_space<vmem>>, vector<16xf32>,
        %max3A_706 = arith.maximumf %scan3A_668, %get3A_705 : vector<16xf32>
        %select_n3A_707 = arith.select %and3A_673, %max3A_706, %scan3A_668 : vector<16xf32>
        %get3A_708 = arith.index_cast %scan3A_661 : i32 to index
        %get3A_709 = arith.constant 112 : index
        %get3A_710 = tpu.vector_load %arg8[%get3A_708, %get3A_709] {strides = array<i32>} : memref<32x128xf32, #tpu.memory_space<vmem>>, vector<16xf32>,
        %max3A_711 = arith.maximumf %scan3A_669, %get3A_710 : vector<16xf32>
        %select_n3A_712 = arith.select %and3A_673, %max3A_711, %scan3A_669 : vector<16xf32>
        scf.yield %select_n3A_677, %select_n3A_682, %select_n3A_687, %select_n3A_692, %select_n3A_697, %select_n3A_702, %select_n3A_707, %select_n3A_712 : vector<16xf32>, vector<16xf32>, vector<16xf32>, vector<16xf32>, vector<16xf32>, vector<16xf32>, vector<16xf32>, vector<16xf32>
      }
      %scan3A_631 = arith.constant 32 : i32
      %add3A_632 = arith.constant 1 : i32
      %add3A_633 = arith.addi %while3A_604, %add3A_632 : i32
      %lt3A = arith.cmpi slt, %add3A_633, %select_n3A_104 : i32
      %convert_element_type3A = arith.extui %lt3A : i1 to i32
      %cond3A = arith.constant 0 : i32
      %cond3A_634 = arith.cmpi ne, %convert_element_type3A, %cond3A : i32
      scf.if %cond3A_634 {
        %add3A_661 = arith.constant 2 : i32
        %add3A_662 = arith.addi %mul3A_614, %add3A_661 : i32
        %mul3A_663 = arith.constant 32 : i32
        %mul3A_664 = arith.muli %add3A_662, %mul3A_663 : i32
        %add3A_665 = arith.addi %multiple_of3A, %mul3A_664 : i32
        %min3A_666 = arith.constant 9968 : i32
        %min3A_667 = arith.minsi %add3A_665, %min3A_666 : i32
        %multiple_of3A_668 = tpu.assume_multiple %min3A_667, 8 : i32
        %dma_start3A_669 = arith.constant 0 : i32
        %dma_start3A_670 = tpu.memref_slice %arg2[%multiple_of3A_668, %dma_start3A_669] : memref<10000x128xf32, #tpu.memory_space<hbm>> -> memref<32x128xf32, #tpu.memory_space<hbm>>
        %dma_start3A_671 = arith.constant 0 : i32
        %dma_start3A_672 = tpu.memref_slice %arg2[%multiple_of3A_668, %dma_start3A_671] : memref<10000x128xf32, #tpu.memory_space<hbm>> -> memref<32x128xf32, #tpu.memory_space<hbm>>
        tpu.enqueue_dma source(%dma_start3A_672 : memref<32x128xf32, #tpu.memory_space<hbm>>) target(%arg8 : memref<32x128xf32, #tpu.memory_space<vmem>>) target_semaphore(%arg12 : memref<!tpu.dma_semaphore, #tpu.memory_space<semaphore_mem>>)
      } else {
      }
      %dma_wait3A_635 = arith.constant 0 : i32
      %dma_wait3A_636 = arith.constant 0 : i32
      %dma_wait3A_637 = tpu.memref_slice %arg2[%dma_wait3A_635, %dma_wait3A_636] : memref<10000x128xf32, #tpu.memory_space<hbm>> -> memref<32x128xf32, #tpu.memory_space<hbm>>
      %dma_wait3A_638 = arith.constant 0 : i32
      %dma_wait3A_639 = arith.constant 0 : i32
      %dma_wait3A_640 = tpu.memref_slice %arg2[%dma_wait3A_638, %dma_wait3A_639] : memref<10000x128xf32, #tpu.memory_space<hbm>> -> memref<32x128xf32, #tpu.memory_space<hbm>>
      tpu.wait_dma2 semaphore(%arg13 : memref<!tpu.dma_semaphore, #tpu.memory_space<semaphore_mem>>) src(%dma_wait3A_640 : memref<32x128xf32, #tpu.memory_space<hbm>>) dst(%arg9 : memref<32x128xf32, #tpu.memory_space<vmem>>)
      %add3A_641 = arith.constant 1 : i32
      %add3A_642 = arith.addi %mul3A_614, %add3A_641 : i32
      %mul3A_643 = arith.constant 32 : i32
      %mul3A_644 = arith.muli %add3A_642, %mul3A_643 : i32
      %add3A_645 = arith.addi %multiple_of3A, %mul3A_644 : i32
      %min3A_646 = arith.constant 9968 : i32
      %min3A_647 = arith.minsi %add3A_645, %min3A_646 : i32
      %multiple_of3A_648 = tpu.assume_multiple %min3A_647, 8 : i32
      %scan3A_649 = arith.constant 0 : i32
      %scan3A_650 = arith.constant 32 : i32
      %scan3A_651 = arith.addi %scan3A_649, %scan3A_650 : i32
      %scan3A_652 = arith.constant 1 : i32
      %scan3A_653:8 = scf.for %scan3A_661 = %scan3A_649 to %scan3A_651 step %scan3A_652 iter_args(%scan3A_662 = %scan3A_630#0, %scan3A_663 = %scan3A_630#1, %scan3A_664 = %scan3A_630#2, %scan3A_665 = %scan3A_630#3, %scan3A_666 = %scan3A_630#4, %scan3A_667 = %scan3A_630#5, %scan3A_668 = %scan3A_630#6, %scan3A_669 = %scan3A_630#7) -> (vector<16xf32>, vector<16xf32>, vector<16xf32>, vector<16xf32>, vector<16xf32>, vector<16xf32>, vector<16xf32>, vector<16xf32>)  : i32 {
        %add3A_670 = arith.addi %multiple_of3A_648, %scan3A_661 : i32
        %ge3A = arith.cmpi sge, %add3A_670, %reduce_sum3A_11 : i32
        %add3A_671 = arith.addi %multiple_of3A_648, %scan3A_661 : i32
        %lt3A_672 = arith.cmpi slt, %add3A_671, %reduce_sum3A_15 : i32
        %and3A_673 = arith.andi %ge3A, %lt3A_672 : i1
        %get3A = arith.index_cast %scan3A_661 : i32 to index
        %get3A_674 = arith.constant 0 : index
        %get3A_675 = tpu.vector_load %arg9[%get3A, %get3A_674] {strides = array<i32>} : memref<32x128xf32, #tpu.memory_space<vmem>>, vector<16xf32>,
        %max3A_676 = arith.maximumf %scan3A_662, %get3A_675 : vector<16xf32>
        %select_n3A_677 = arith.select %and3A_673, %max3A_676, %scan3A_662 : vector<16xf32>
        %get3A_678 = arith.index_cast %scan3A_661 : i32 to index
        %get3A_679 = arith.constant 16 : index
        %get3A_680 = tpu.vector_load %arg9[%get3A_678, %get3A_679] {strides = array<i32>} : memref<32x128xf32, #tpu.memory_space<vmem>>, vector<16xf32>,
        %max3A_681 = arith.maximumf %scan3A_663, %get3A_680 : vector<16xf32>
        %select_n3A_682 = arith.select %and3A_673, %max3A_681, %scan3A_663 : vector<16xf32>
        %get3A_683 = arith.index_cast %scan3A_661 : i32 to index
        %get3A_684 = arith.constant 32 : index
        %get3A_685 = tpu.vector_load %arg9[%get3A_683, %get3A_684] {strides = array<i32>} : memref<32x128xf32, #tpu.memory_space<vmem>>, vector<16xf32>,
        %max3A_686 = arith.maximumf %scan3A_664, %get3A_685 : vector<16xf32>
        %select_n3A_687 = arith.select %and3A_673, %max3A_686, %scan3A_664 : vector<16xf32>
        %get3A_688 = arith.index_cast %scan3A_661 : i32 to index
        %get3A_689 = arith.constant 48 : index
        %get3A_690 = tpu.vector_load %arg9[%get3A_688, %get3A_689] {strides = array<i32>} : memref<32x128xf32, #tpu.memory_space<vmem>>, vector<16xf32>,
        %max3A_691 = arith.maximumf %scan3A_665, %get3A_690 : vector<16xf32>
        %select_n3A_692 = arith.select %and3A_673, %max3A_691, %scan3A_665 : vector<16xf32>
        %get3A_693 = arith.index_cast %scan3A_661 : i32 to index
        %get3A_694 = arith.constant 64 : index
        %get3A_695 = tpu.vector_load %arg9[%get3A_693, %get3A_694] {strides = array<i32>} : memref<32x128xf32, #tpu.memory_space<vmem>>, vector<16xf32>,
        %max3A_696 = arith.maximumf %scan3A_666, %get3A_695 : vector<16xf32>
        %select_n3A_697 = arith.select %and3A_673, %max3A_696, %scan3A_666 : vector<16xf32>
        %get3A_698 = arith.index_cast %scan3A_661 : i32 to index
        %get3A_699 = arith.constant 80 : index
        %get3A_700 = tpu.vector_load %arg9[%get3A_698, %get3A_699] {strides = array<i32>} : memref<32x128xf32, #tpu.memory_space<vmem>>, vector<16xf32>,
        %max3A_701 = arith.maximumf %scan3A_667, %get3A_700 : vector<16xf32>
        %select_n3A_702 = arith.select %and3A_673, %max3A_701, %scan3A_667 : vector<16xf32>
        %get3A_703 = arith.index_cast %scan3A_661 : i32 to index
        %get3A_704 = arith.constant 96 : index
        %get3A_705 = tpu.vector_load %arg9[%get3A_703, %get3A_704] {strides = array<i32>} : memref<32x128xf32, #tpu.memory_space<vmem>>, vector<16xf32>,
        %max3A_706 = arith.maximumf %scan3A_668, %get3A_705 : vector<16xf32>
        %select_n3A_707 = arith.select %and3A_673, %max3A_706, %scan3A_668 : vector<16xf32>
        %get3A_708 = arith.index_cast %scan3A_661 : i32 to index
        %get3A_709 = arith.constant 112 : index
        %get3A_710 = tpu.vector_load %arg9[%get3A_708, %get3A_709] {strides = array<i32>} : memref<32x128xf32, #tpu.memory_space<vmem>>, vector<16xf32>,
        %max3A_711 = arith.maximumf %scan3A_669, %get3A_710 : vector<16xf32>
        %select_n3A_712 = arith.select %and3A_673, %max3A_711, %scan3A_669 : vector<16xf32>
        scf.yield %select_n3A_677, %select_n3A_682, %select_n3A_687, %select_n3A_692, %select_n3A_697, %select_n3A_702, %select_n3A_707, %select_n3A_712 : vector<16xf32>, vector<16xf32>, vector<16xf32>, vector<16xf32>, vector<16xf32>, vector<16xf32>, vector<16xf32>, vector<16xf32>
      }
      %scan3A_654 = arith.constant 32 : i32
      %add3A_655 = arith.constant 1 : i32
      %add3A_656 = arith.addi %while3A_604, %add3A_655 : i32
      %lt3A_657 = arith.cmpi slt, %add3A_656, %select_n3A_104 : i32
      %convert_element_type3A_658 = arith.extui %lt3A_657 : i1 to i32
      %cond3A_659 = arith.constant 0 : i32
      %cond3A_660 = arith.cmpi ne, %convert_element_type3A_658, %cond3A_659 : i32
      scf.if %cond3A_660 {
        %add3A_661 = arith.constant 3 : i32
        %add3A_662 = arith.addi %mul3A_614, %add3A_661 : i32
        %mul3A_663 = arith.constant 32 : i32
        %mul3A_664 = arith.muli %add3A_662, %mul3A_663 : i32
        %add3A_665 = arith.addi %multiple_of3A, %mul3A_664 : i32
        %min3A_666 = arith.constant 9968 : i32
        %min3A_667 = arith.minsi %add3A_665, %min3A_666 : i32
        %multiple_of3A_668 = tpu.assume_multiple %min3A_667, 8 : i32
        %dma_start3A_669 = arith.constant 0 : i32
        %dma_start3A_670 = tpu.memref_slice %arg2[%multiple_of3A_668, %dma_start3A_669] : memref<10000x128xf32, #tpu.memory_space<hbm>> -> memref<32x128xf32, #tpu.memory_space<hbm>>
        %dma_start3A_671 = arith.constant 0 : i32
        %dma_start3A_672 = tpu.memref_slice %arg2[%multiple_of3A_668, %dma_start3A_671] : memref<10000x128xf32, #tpu.memory_space<hbm>> -> memref<32x128xf32, #tpu.memory_space<hbm>>
        tpu.enqueue_dma source(%dma_start3A_672 : memref<32x128xf32, #tpu.memory_space<hbm>>) target(%arg9 : memref<32x128xf32, #tpu.memory_space<vmem>>) target_semaphore(%arg13 : memref<!tpu.dma_semaphore, #tpu.memory_space<semaphore_mem>>)
      } else {
      }
      scf.yield %scan3A_653#0, %scan3A_653#1, %scan3A_653#2, %scan3A_653#3, %scan3A_653#4, %scan3A_653#5, %scan3A_653#6, %scan3A_653#7 : vector<16xf32>, vector<16xf32>, vector<16xf32>, vector<16xf32>, vector<16xf32>, vector<16xf32>, vector<16xf32>, vector<16xf32>
    }
    %swap3A = arith.constant 0 : i32
    %swap3A_132 = arith.index_cast %swap3A : i32 to index
    %swap3A_133 = arith.constant 0 : index
    %swap3A_134 = tpu.vector_load %arg10[%swap3A_132, %swap3A_133] {strides = array<i32>} : memref<4x128xf32, #tpu.memory_space<vmem>>, vector<16xf32>,
    tpu.vector_store %arg10[%swap3A_132, %swap3A_133], %while3A_131#0 {strides = array<i32>} : memref<4x128xf32, #tpu.memory_space<vmem>>, vector<16xf32>,
    %swap3A_135 = arith.constant 0 : i32
    %swap3A_136 = arith.index_cast %swap3A_135 : i32 to index
    %swap3A_137 = arith.constant 16 : index
    %swap3A_138 = tpu.vector_load %arg10[%swap3A_136, %swap3A_137] {strides = array<i32>} : memref<4x128xf32, #tpu.memory_space<vmem>>, vector<16xf32>,
    tpu.vector_store %arg10[%swap3A_136, %swap3A_137], %while3A_131#1 {strides = array<i32>} : memref<4x128xf32, #tpu.memory_space<vmem>>, vector<16xf32>,
    %swap3A_139 = arith.constant 0 : i32
    %swap3A_140 = arith.index_cast %swap3A_139 : i32 to index
    %swap3A_141 = arith.constant 32 : index
    %swap3A_142 = tpu.vector_load %arg10[%swap3A_140, %swap3A_141] {strides = array<i32>} : memref<4x128xf32, #tpu.memory_space<vmem>>, vector<16xf32>,
    tpu.vector_store %arg10[%swap3A_140, %swap3A_141], %while3A_131#2 {strides = array<i32>} : memref<4x128xf32, #tpu.memory_space<vmem>>, vector<16xf32>,
    %swap3A_143 = arith.constant 0 : i32
    %swap3A_144 = arith.index_cast %swap3A_143 : i32 to index
    %swap3A_145 = arith.constant 48 : index
    %swap3A_146 = tpu.vector_load %arg10[%swap3A_144, %swap3A_145] {strides = array<i32>} : memref<4x128xf32, #tpu.memory_space<vmem>>, vector<16xf32>,
    tpu.vector_store %arg10[%swap3A_144, %swap3A_145], %while3A_131#3 {strides = array<i32>} : memref<4x128xf32, #tpu.memory_space<vmem>>, vector<16xf32>,
    %swap3A_147 = arith.constant 0 : i32
    %swap3A_148 = arith.index_cast %swap3A_147 : i32 to index
    %swap3A_149 = arith.constant 64 : index
    %swap3A_150 = tpu.vector_load %arg10[%swap3A_148, %swap3A_149] {strides = array<i32>} : memref<4x128xf32, #tpu.memory_space<vmem>>, vector<16xf32>,
    tpu.vector_store %arg10[%swap3A_148, %swap3A_149], %while3A_131#4 {strides = array<i32>} : memref<4x128xf32, #tpu.memory_space<vmem>>, vector<16xf32>,
    %swap3A_151 = arith.constant 0 : i32
    %swap3A_152 = arith.index_cast %swap3A_151 : i32 to index
    %swap3A_153 = arith.constant 80 : index
    %swap3A_154 = tpu.vector_load %arg10[%swap3A_152, %swap3A_153] {strides = array<i32>} : memref<4x128xf32, #tpu.memory_space<vmem>>, vector<16xf32>,
    tpu.vector_store %arg10[%swap3A_152, %swap3A_153], %while3A_131#5 {strides = array<i32>} : memref<4x128xf32, #tpu.memory_space<vmem>>, vector<16xf32>,
    %swap3A_155 = arith.constant 0 : i32
    %swap3A_156 = arith.index_cast %swap3A_155 : i32 to index
    %swap3A_157 = arith.constant 96 : index
    %swap3A_158 = tpu.vector_load %arg10[%swap3A_156, %swap3A_157] {strides = array<i32>} : memref<4x128xf32, #tpu.memory_space<vmem>>, vector<16xf32>,
    tpu.vector_store %arg10[%swap3A_156, %swap3A_157], %while3A_131#6 {strides = array<i32>} : memref<4x128xf32, #tpu.memory_space<vmem>>, vector<16xf32>,
    %swap3A_159 = arith.constant 0 : i32
    %swap3A_160 = arith.index_cast %swap3A_159 : i32 to index
    %swap3A_161 = arith.constant 112 : index
    %swap3A_162 = tpu.vector_load %arg10[%swap3A_160, %swap3A_161] {strides = array<i32>} : memref<4x128xf32, #tpu.memory_space<vmem>>, vector<16xf32>,
    tpu.vector_store %arg10[%swap3A_160, %swap3A_161], %while3A_131#7 {strides = array<i32>} : memref<4x128xf32, #tpu.memory_space<vmem>>, vector<16xf32>,
    %add3A_163 = arith.constant 1 : i32
    %add3A_164 = arith.addi %mul3A_2, %add3A_163 : i32
    %jit3A_165 = arith.constant 8 : i32
    %div3A_166 = arith.divsi %reduce_sum3A_15, %jit3A_165 : i32
    %sign3A_167 = arith.constant 0 : i32
    %sign3A_168 = arith.cmpi sgt, %reduce_sum3A_15, %sign3A_167 : i32
    %sign3A_169 = arith.extui %sign3A_168 : i1 to i32
    %sign3A_170 = arith.constant 0 : i32
    %sign3A_171 = arith.cmpi slt, %reduce_sum3A_15, %sign3A_170 : i32
    %sign3A_172 = arith.extui %sign3A_171 : i1 to i32
    %sign3A_173 = arith.subi %sign3A_169, %sign3A_172 : i32
    %sign3A_174 = arith.constant 0 : i32
    %sign3A_175 = arith.cmpi sgt, %jit3A_165, %sign3A_174 : i32
    %sign3A_176 = arith.extui %sign3A_175 : i1 to i32
    %sign3A_177 = arith.constant 0 : i32
    %sign3A_178 = arith.cmpi slt, %jit3A_165, %sign3A_177 : i32
    %sign3A_179 = arith.extui %sign3A_178 : i1 to i32
    %sign3A_180 = arith.subi %sign3A_176, %sign3A_179 : i32
    %ne3A_181 = arith.cmpi ne, %sign3A_173, %sign3A_180 : i32
    %rem3A_182 = arith.remsi %reduce_sum3A_15, %jit3A_165 : i32
    %ne3A_183 = arith.constant 0 : i32
    %ne3A_184 = arith.cmpi ne, %rem3A_182, %ne3A_183 : i32
    %and3A_185 = arith.andi %ne3A_181, %ne3A_184 : i1
    %sub3A_186 = arith.constant 1 : i32
    %sub3A_187 = arith.subi %div3A_166, %sub3A_186 : i32
    %select_n3A_188 = arith.select %and3A_185, %sub3A_187, %div3A_166 : i32
    %mul3A_189 = arith.constant 8 : i32
    %mul3A_190 = arith.muli %select_n3A_188, %mul3A_189 : i32
    %multiple_of3A_191 = tpu.assume_multiple %mul3A_190, 8 : i32
    %sub3A_192 = arith.subi %reduce_sum3A_19, %multiple_of3A_191 : i32
    %add3A_193 = arith.constant 32 : i32
    %add3A_194 = arith.addi %sub3A_192, %add3A_193 : i32
    %sub3A_195 = arith.constant 1 : i32
    %sub3A_196 = arith.subi %add3A_194, %sub3A_195 : i32
    %jit3A_197 = arith.constant 32 : i32
    %div3A_198 = arith.divsi %sub3A_196, %jit3A_197 : i32
    %sign3A_199 = arith.constant 0 : i32
    %sign3A_200 = arith.cmpi sgt, %sub3A_196, %sign3A_199 : i32
    %sign3A_201 = arith.extui %sign3A_200 : i1 to i32
    %sign3A_202 = arith.constant 0 : i32
    %sign3A_203 = arith.cmpi slt, %sub3A_196, %sign3A_202 : i32
    %sign3A_204 = arith.extui %sign3A_203 : i1 to i32
    %sign3A_205 = arith.subi %sign3A_201, %sign3A_204 : i32
    %sign3A_206 = arith.constant 0 : i32
    %sign3A_207 = arith.cmpi sgt, %jit3A_197, %sign3A_206 : i32
    %sign3A_208 = arith.extui %sign3A_207 : i1 to i32
    %sign3A_209 = arith.constant 0 : i32
    %sign3A_210 = arith.cmpi slt, %jit3A_197, %sign3A_209 : i32
    %sign3A_211 = arith.extui %sign3A_210 : i1 to i32
    %sign3A_212 = arith.subi %sign3A_208, %sign3A_211 : i32
    %ne3A_213 = arith.cmpi ne, %sign3A_205, %sign3A_212 : i32
    %rem3A_214 = arith.remsi %sub3A_196, %jit3A_197 : i32
    %ne3A_215 = arith.constant 0 : i32
    %ne3A_216 = arith.cmpi ne, %rem3A_214, %ne3A_215 : i32
    %and3A_217 = arith.andi %ne3A_213, %ne3A_216 : i1
    %sub3A_218 = arith.constant 1 : i32
    %sub3A_219 = arith.subi %div3A_198, %sub3A_218 : i32
    %select_n3A_220 = arith.select %and3A_217, %sub3A_219, %div3A_198 : i32
    %add3A_221 = arith.constant 1 : i32
    %add3A_222 = arith.addi %select_n3A_220, %add3A_221 : i32
    %jit3A_223 = arith.constant 2 : i32
    %div3A_224 = arith.divsi %add3A_222, %jit3A_223 : i32
    %sign3A_225 = arith.constant 0 : i32
    %sign3A_226 = arith.cmpi sgt, %add3A_222, %sign3A_225 : i32
    %sign3A_227 = arith.extui %sign3A_226 : i1 to i32
    %sign3A_228 = arith.constant 0 : i32
    %sign3A_229 = arith.cmpi slt, %add3A_222, %sign3A_228 : i32
    %sign3A_230 = arith.extui %sign3A_229 : i1 to i32
    %sign3A_231 = arith.subi %sign3A_227, %sign3A_230 : i32
    %sign3A_232 = arith.constant 0 : i32
    %sign3A_233 = arith.cmpi sgt, %jit3A_223, %sign3A_232 : i32
    %sign3A_234 = arith.extui %sign3A_233 : i1 to i32
    %sign3A_235 = arith.constant 0 : i32
    %sign3A_236 = arith.cmpi slt, %jit3A_223, %sign3A_235 : i32
    %sign3A_237 = arith.extui %sign3A_236 : i1 to i32
    %sign3A_238 = arith.subi %sign3A_234, %sign3A_237 : i32
    %ne3A_239 = arith.cmpi ne, %sign3A_231, %sign3A_238 : i32
    %rem3A_240 = arith.remsi %add3A_222, %jit3A_223 : i32
    %ne3A_241 = arith.constant 0 : i32
    %ne3A_242 = arith.cmpi ne, %rem3A_240, %ne3A_241 : i32
    %and3A_243 = arith.andi %ne3A_239, %ne3A_242 : i1
    %sub3A_244 = arith.constant 1 : i32
    %sub3A_245 = arith.subi %div3A_224, %sub3A_244 : i32
    %select_n3A_246 = arith.select %and3A_243, %sub3A_245, %div3A_224 : i32
    %add3A_247 = arith.constant 0 : i32
    %add3A_248 = arith.addi %multiple_of3A_191, %add3A_247 : i32
    %min3A_249 = arith.constant 9968 : i32
    %min3A_250 = arith.minsi %add3A_248, %min3A_249 : i32
    %multiple_of3A_251 = tpu.assume_multiple %min3A_250, 8 : i32
    %dma_start3A_252 = arith.constant 0 : i32
    %dma_start3A_253 = tpu.memref_slice %arg2[%multiple_of3A_251, %dma_start3A_252] : memref<10000x128xf32, #tpu.memory_space<hbm>> -> memref<32x128xf32, #tpu.memory_space<hbm>>
    %dma_start3A_254 = arith.constant 0 : i32
    %dma_start3A_255 = tpu.memref_slice %arg2[%multiple_of3A_251, %dma_start3A_254] : memref<10000x128xf32, #tpu.memory_space<hbm>> -> memref<32x128xf32, #tpu.memory_space<hbm>>
    tpu.enqueue_dma source(%dma_start3A_255 : memref<32x128xf32, #tpu.memory_space<hbm>>) target(%arg8 : memref<32x128xf32, #tpu.memory_space<vmem>>) target_semaphore(%arg12 : memref<!tpu.dma_semaphore, #tpu.memory_space<semaphore_mem>>)
    %add3A_256 = arith.constant 32 : i32
    %add3A_257 = arith.addi %multiple_of3A_191, %add3A_256 : i32
    %min3A_258 = arith.constant 9968 : i32
    %min3A_259 = arith.minsi %add3A_257, %min3A_258 : i32
    %multiple_of3A_260 = tpu.assume_multiple %min3A_259, 8 : i32
    %dma_start3A_261 = arith.constant 0 : i32
    %dma_start3A_262 = tpu.memref_slice %arg2[%multiple_of3A_260, %dma_start3A_261] : memref<10000x128xf32, #tpu.memory_space<hbm>> -> memref<32x128xf32, #tpu.memory_space<hbm>>
    %dma_start3A_263 = arith.constant 0 : i32
    %dma_start3A_264 = tpu.memref_slice %arg2[%multiple_of3A_260, %dma_start3A_263] : memref<10000x128xf32, #tpu.memory_space<hbm>> -> memref<32x128xf32, #tpu.memory_space<hbm>>
    tpu.enqueue_dma source(%dma_start3A_264 : memref<32x128xf32, #tpu.memory_space<hbm>>) target(%arg9 : memref<32x128xf32, #tpu.memory_space<vmem>>) target_semaphore(%arg13 : memref<!tpu.dma_semaphore, #tpu.memory_space<semaphore_mem>>)
    %max3A_265 = arith.constant 1 : i32
    %max3A_266 = arith.maxsi %select_n3A_246, %max3A_265 : i32
    %while3A_267 = arith.constant 0 : i32
    %while3A_268 = arith.subi %max3A_266, %while3A_267 : i32
    %while3A_269 = arith.addi %while3A_267, %while3A_268 : i32
    %while3A_270 = arith.constant 1 : i32
    %while3A_271 = arith.divsi %while3A_268, %while3A_270 : i32
    %while3A_272 = arith.muli %while3A_271, %while3A_270 : i32
    %while3A_273 = arith.addi %while3A_267, %while3A_272 : i32
    %while3A_274 = arith.constant 1 : i32
    %while3A_275:8 = scf.for %while3A_604 = %while3A_267 to %while3A_273 step %while3A_274 iter_args(%while3A_605 = %broadcast_in_dim3A_29, %while3A_606 = %broadcast_in_dim3A_29, %while3A_607 = %broadcast_in_dim3A_29, %while3A_608 = %broadcast_in_dim3A_29, %while3A_609 = %broadcast_in_dim3A_29, %while3A_610 = %broadcast_in_dim3A_29, %while3A_611 = %broadcast_in_dim3A_29, %while3A_612 = %broadcast_in_dim3A_29) -> (vector<16xf32>, vector<16xf32>, vector<16xf32>, vector<16xf32>, vector<16xf32>, vector<16xf32>, vector<16xf32>, vector<16xf32>)  : i32 {
      %mul3A_613 = arith.constant 2 : i32
      %mul3A_614 = arith.muli %mul3A_613, %while3A_604 : i32
      %dma_wait3A = arith.constant 0 : i32
      %dma_wait3A_615 = arith.constant 0 : i32
      %dma_wait3A_616 = tpu.memref_slice %arg2[%dma_wait3A, %dma_wait3A_615] : memref<10000x128xf32, #tpu.memory_space<hbm>> -> memref<32x128xf32, #tpu.memory_space<hbm>>
      %dma_wait3A_617 = arith.constant 0 : i32
      %dma_wait3A_618 = arith.constant 0 : i32
      %dma_wait3A_619 = tpu.memref_slice %arg2[%dma_wait3A_617, %dma_wait3A_618] : memref<10000x128xf32, #tpu.memory_space<hbm>> -> memref<32x128xf32, #tpu.memory_space<hbm>>
      tpu.wait_dma2 semaphore(%arg12 : memref<!tpu.dma_semaphore, #tpu.memory_space<semaphore_mem>>) src(%dma_wait3A_619 : memref<32x128xf32, #tpu.memory_space<hbm>>) dst(%arg8 : memref<32x128xf32, #tpu.memory_space<vmem>>)
      %mul3A_620 = arith.constant 32 : i32
      %mul3A_621 = arith.muli %mul3A_614, %mul3A_620 : i32
      %add3A_622 = arith.addi %multiple_of3A_191, %mul3A_621 : i32
      %min3A_623 = arith.constant 9968 : i32
      %min3A_624 = arith.minsi %add3A_622, %min3A_623 : i32
      %multiple_of3A_625 = tpu.assume_multiple %min3A_624, 8 : i32
      %scan3A_626 = arith.constant 0 : i32
      %scan3A_627 = arith.constant 32 : i32
      %scan3A_628 = arith.addi %scan3A_626, %scan3A_627 : i32
      %scan3A_629 = arith.constant 1 : i32
      %scan3A_630:8 = scf.for %scan3A_661 = %scan3A_626 to %scan3A_628 step %scan3A_629 iter_args(%scan3A_662 = %while3A_605, %scan3A_663 = %while3A_606, %scan3A_664 = %while3A_607, %scan3A_665 = %while3A_608, %scan3A_666 = %while3A_609, %scan3A_667 = %while3A_610, %scan3A_668 = %while3A_611, %scan3A_669 = %while3A_612) -> (vector<16xf32>, vector<16xf32>, vector<16xf32>, vector<16xf32>, vector<16xf32>, vector<16xf32>, vector<16xf32>, vector<16xf32>)  : i32 {
        %add3A_670 = arith.addi %multiple_of3A_625, %scan3A_661 : i32
        %ge3A = arith.cmpi sge, %add3A_670, %reduce_sum3A_15 : i32
        %add3A_671 = arith.addi %multiple_of3A_625, %scan3A_661 : i32
        %lt3A_672 = arith.cmpi slt, %add3A_671, %reduce_sum3A_19 : i32
        %and3A_673 = arith.andi %ge3A, %lt3A_672 : i1
        %get3A = arith.index_cast %scan3A_661 : i32 to index
        %get3A_674 = arith.constant 0 : index
        %get3A_675 = tpu.vector_load %arg8[%get3A, %get3A_674] {strides = array<i32>} : memref<32x128xf32, #tpu.memory_space<vmem>>, vector<16xf32>,
        %max3A_676 = arith.maximumf %scan3A_662, %get3A_675 : vector<16xf32>
        %select_n3A_677 = arith.select %and3A_673, %max3A_676, %scan3A_662 : vector<16xf32>
        %get3A_678 = arith.index_cast %scan3A_661 : i32 to index
        %get3A_679 = arith.constant 16 : index
        %get3A_680 = tpu.vector_load %arg8[%get3A_678, %get3A_679] {strides = array<i32>} : memref<32x128xf32, #tpu.memory_space<vmem>>, vector<16xf32>,
        %max3A_681 = arith.maximumf %scan3A_663, %get3A_680 : vector<16xf32>
        %select_n3A_682 = arith.select %and3A_673, %max3A_681, %scan3A_663 : vector<16xf32>
        %get3A_683 = arith.index_cast %scan3A_661 : i32 to index
        %get3A_684 = arith.constant 32 : index
        %get3A_685 = tpu.vector_load %arg8[%get3A_683, %get3A_684] {strides = array<i32>} : memref<32x128xf32, #tpu.memory_space<vmem>>, vector<16xf32>,
        %max3A_686 = arith.maximumf %scan3A_664, %get3A_685 : vector<16xf32>
        %select_n3A_687 = arith.select %and3A_673, %max3A_686, %scan3A_664 : vector<16xf32>
        %get3A_688 = arith.index_cast %scan3A_661 : i32 to index
        %get3A_689 = arith.constant 48 : index
        %get3A_690 = tpu.vector_load %arg8[%get3A_688, %get3A_689] {strides = array<i32>} : memref<32x128xf32, #tpu.memory_space<vmem>>, vector<16xf32>,
        %max3A_691 = arith.maximumf %scan3A_665, %get3A_690 : vector<16xf32>
        %select_n3A_692 = arith.select %and3A_673, %max3A_691, %scan3A_665 : vector<16xf32>
        %get3A_693 = arith.index_cast %scan3A_661 : i32 to index
        %get3A_694 = arith.constant 64 : index
        %get3A_695 = tpu.vector_load %arg8[%get3A_693, %get3A_694] {strides = array<i32>} : memref<32x128xf32, #tpu.memory_space<vmem>>, vector<16xf32>,
        %max3A_696 = arith.maximumf %scan3A_666, %get3A_695 : vector<16xf32>
        %select_n3A_697 = arith.select %and3A_673, %max3A_696, %scan3A_666 : vector<16xf32>
        %get3A_698 = arith.index_cast %scan3A_661 : i32 to index
        %get3A_699 = arith.constant 80 : index
        %get3A_700 = tpu.vector_load %arg8[%get3A_698, %get3A_699] {strides = array<i32>} : memref<32x128xf32, #tpu.memory_space<vmem>>, vector<16xf32>,
        %max3A_701 = arith.maximumf %scan3A_667, %get3A_700 : vector<16xf32>
        %select_n3A_702 = arith.select %and3A_673, %max3A_701, %scan3A_667 : vector<16xf32>
        %get3A_703 = arith.index_cast %scan3A_661 : i32 to index
        %get3A_704 = arith.constant 96 : index
        %get3A_705 = tpu.vector_load %arg8[%get3A_703, %get3A_704] {strides = array<i32>} : memref<32x128xf32, #tpu.memory_space<vmem>>, vector<16xf32>,
        %max3A_706 = arith.maximumf %scan3A_668, %get3A_705 : vector<16xf32>
        %select_n3A_707 = arith.select %and3A_673, %max3A_706, %scan3A_668 : vector<16xf32>
        %get3A_708 = arith.index_cast %scan3A_661 : i32 to index
        %get3A_709 = arith.constant 112 : index
        %get3A_710 = tpu.vector_load %arg8[%get3A_708, %get3A_709] {strides = array<i32>} : memref<32x128xf32, #tpu.memory_space<vmem>>, vector<16xf32>,
        %max3A_711 = arith.maximumf %scan3A_669, %get3A_710 : vector<16xf32>
        %select_n3A_712 = arith.select %and3A_673, %max3A_711, %scan3A_669 : vector<16xf32>
        scf.yield %select_n3A_677, %select_n3A_682, %select_n3A_687, %select_n3A_692, %select_n3A_697, %select_n3A_702, %select_n3A_707, %select_n3A_712 : vector<16xf32>, vector<16xf32>, vector<16xf32>, vector<16xf32>, vector<16xf32>, vector<16xf32>, vector<16xf32>, vector<16xf32>
      }
      %scan3A_631 = arith.constant 32 : i32
      %add3A_632 = arith.constant 1 : i32
      %add3A_633 = arith.addi %while3A_604, %add3A_632 : i32
      %lt3A = arith.cmpi slt, %add3A_633, %select_n3A_246 : i32
      %convert_element_type3A = arith.extui %lt3A : i1 to i32
      %cond3A = arith.constant 0 : i32
      %cond3A_634 = arith.cmpi ne, %convert_element_type3A, %cond3A : i32
      scf.if %cond3A_634 {
        %add3A_661 = arith.constant 2 : i32
        %add3A_662 = arith.addi %mul3A_614, %add3A_661 : i32
        %mul3A_663 = arith.constant 32 : i32
        %mul3A_664 = arith.muli %add3A_662, %mul3A_663 : i32
        %add3A_665 = arith.addi %multiple_of3A_191, %mul3A_664 : i32
        %min3A_666 = arith.constant 9968 : i32
        %min3A_667 = arith.minsi %add3A_665, %min3A_666 : i32
        %multiple_of3A_668 = tpu.assume_multiple %min3A_667, 8 : i32
        %dma_start3A_669 = arith.constant 0 : i32
        %dma_start3A_670 = tpu.memref_slice %arg2[%multiple_of3A_668, %dma_start3A_669] : memref<10000x128xf32, #tpu.memory_space<hbm>> -> memref<32x128xf32, #tpu.memory_space<hbm>>
        %dma_start3A_671 = arith.constant 0 : i32
        %dma_start3A_672 = tpu.memref_slice %arg2[%multiple_of3A_668, %dma_start3A_671] : memref<10000x128xf32, #tpu.memory_space<hbm>> -> memref<32x128xf32, #tpu.memory_space<hbm>>
        tpu.enqueue_dma source(%dma_start3A_672 : memref<32x128xf32, #tpu.memory_space<hbm>>) target(%arg8 : memref<32x128xf32, #tpu.memory_space<vmem>>) target_semaphore(%arg12 : memref<!tpu.dma_semaphore, #tpu.memory_space<semaphore_mem>>)
      } else {
      }
      %dma_wait3A_635 = arith.constant 0 : i32
      %dma_wait3A_636 = arith.constant 0 : i32
      %dma_wait3A_637 = tpu.memref_slice %arg2[%dma_wait3A_635, %dma_wait3A_636] : memref<10000x128xf32, #tpu.memory_space<hbm>> -> memref<32x128xf32, #tpu.memory_space<hbm>>
      %dma_wait3A_638 = arith.constant 0 : i32
      %dma_wait3A_639 = arith.constant 0 : i32
      %dma_wait3A_640 = tpu.memref_slice %arg2[%dma_wait3A_638, %dma_wait3A_639] : memref<10000x128xf32, #tpu.memory_space<hbm>> -> memref<32x128xf32, #tpu.memory_space<hbm>>
      tpu.wait_dma2 semaphore(%arg13 : memref<!tpu.dma_semaphore, #tpu.memory_space<semaphore_mem>>) src(%dma_wait3A_640 : memref<32x128xf32, #tpu.memory_space<hbm>>) dst(%arg9 : memref<32x128xf32, #tpu.memory_space<vmem>>)
      %add3A_641 = arith.constant 1 : i32
      %add3A_642 = arith.addi %mul3A_614, %add3A_641 : i32
      %mul3A_643 = arith.constant 32 : i32
      %mul3A_644 = arith.muli %add3A_642, %mul3A_643 : i32
      %add3A_645 = arith.addi %multiple_of3A_191, %mul3A_644 : i32
      %min3A_646 = arith.constant 9968 : i32
      %min3A_647 = arith.minsi %add3A_645, %min3A_646 : i32
      %multiple_of3A_648 = tpu.assume_multiple %min3A_647, 8 : i32
      %scan3A_649 = arith.constant 0 : i32
      %scan3A_650 = arith.constant 32 : i32
      %scan3A_651 = arith.addi %scan3A_649, %scan3A_650 : i32
      %scan3A_652 = arith.constant 1 : i32
      %scan3A_653:8 = scf.for %scan3A_661 = %scan3A_649 to %scan3A_651 step %scan3A_652 iter_args(%scan3A_662 = %scan3A_630#0, %scan3A_663 = %scan3A_630#1, %scan3A_664 = %scan3A_630#2, %scan3A_665 = %scan3A_630#3, %scan3A_666 = %scan3A_630#4, %scan3A_667 = %scan3A_630#5, %scan3A_668 = %scan3A_630#6, %scan3A_669 = %scan3A_630#7) -> (vector<16xf32>, vector<16xf32>, vector<16xf32>, vector<16xf32>, vector<16xf32>, vector<16xf32>, vector<16xf32>, vector<16xf32>)  : i32 {
        %add3A_670 = arith.addi %multiple_of3A_648, %scan3A_661 : i32
        %ge3A = arith.cmpi sge, %add3A_670, %reduce_sum3A_15 : i32
        %add3A_671 = arith.addi %multiple_of3A_648, %scan3A_661 : i32
        %lt3A_672 = arith.cmpi slt, %add3A_671, %reduce_sum3A_19 : i32
        %and3A_673 = arith.andi %ge3A, %lt3A_672 : i1
        %get3A = arith.index_cast %scan3A_661 : i32 to index
        %get3A_674 = arith.constant 0 : index
        %get3A_675 = tpu.vector_load %arg9[%get3A, %get3A_674] {strides = array<i32>} : memref<32x128xf32, #tpu.memory_space<vmem>>, vector<16xf32>,
        %max3A_676 = arith.maximumf %scan3A_662, %get3A_675 : vector<16xf32>
        %select_n3A_677 = arith.select %and3A_673, %max3A_676, %scan3A_662 : vector<16xf32>
        %get3A_678 = arith.index_cast %scan3A_661 : i32 to index
        %get3A_679 = arith.constant 16 : index
        %get3A_680 = tpu.vector_load %arg9[%get3A_678, %get3A_679] {strides = array<i32>} : memref<32x128xf32, #tpu.memory_space<vmem>>, vector<16xf32>,
        %max3A_681 = arith.maximumf %scan3A_663, %get3A_680 : vector<16xf32>
        %select_n3A_682 = arith.select %and3A_673, %max3A_681, %scan3A_663 : vector<16xf32>
        %get3A_683 = arith.index_cast %scan3A_661 : i32 to index
        %get3A_684 = arith.constant 32 : index
        %get3A_685 = tpu.vector_load %arg9[%get3A_683, %get3A_684] {strides = array<i32>} : memref<32x128xf32, #tpu.memory_space<vmem>>, vector<16xf32>,
        %max3A_686 = arith.maximumf %scan3A_664, %get3A_685 : vector<16xf32>
        %select_n3A_687 = arith.select %and3A_673, %max3A_686, %scan3A_664 : vector<16xf32>
        %get3A_688 = arith.index_cast %scan3A_661 : i32 to index
        %get3A_689 = arith.constant 48 : index
        %get3A_690 = tpu.vector_load %arg9[%get3A_688, %get3A_689] {strides = array<i32>} : memref<32x128xf32, #tpu.memory_space<vmem>>, vector<16xf32>,
        %max3A_691 = arith.maximumf %scan3A_665, %get3A_690 : vector<16xf32>
        %select_n3A_692 = arith.select %and3A_673, %max3A_691, %scan3A_665 : vector<16xf32>
        %get3A_693 = arith.index_cast %scan3A_661 : i32 to index
        %get3A_694 = arith.constant 64 : index
        %get3A_695 = tpu.vector_load %arg9[%get3A_693, %get3A_694] {strides = array<i32>} : memref<32x128xf32, #tpu.memory_space<vmem>>, vector<16xf32>,
        %max3A_696 = arith.maximumf %scan3A_666, %get3A_695 : vector<16xf32>
        %select_n3A_697 = arith.select %and3A_673, %max3A_696, %scan3A_666 : vector<16xf32>
        %get3A_698 = arith.index_cast %scan3A_661 : i32 to index
        %get3A_699 = arith.constant 80 : index
        %get3A_700 = tpu.vector_load %arg9[%get3A_698, %get3A_699] {strides = array<i32>} : memref<32x128xf32, #tpu.memory_space<vmem>>, vector<16xf32>,
        %max3A_701 = arith.maximumf %scan3A_667, %get3A_700 : vector<16xf32>
        %select_n3A_702 = arith.select %and3A_673, %max3A_701, %scan3A_667 : vector<16xf32>
        %get3A_703 = arith.index_cast %scan3A_661 : i32 to index
        %get3A_704 = arith.constant 96 : index
        %get3A_705 = tpu.vector_load %arg9[%get3A_703, %get3A_704] {strides = array<i32>} : memref<32x128xf32, #tpu.memory_space<vmem>>, vector<16xf32>,
        %max3A_706 = arith.maximumf %scan3A_668, %get3A_705 : vector<16xf32>
        %select_n3A_707 = arith.select %and3A_673, %max3A_706, %scan3A_668 : vector<16xf32>
        %get3A_708 = arith.index_cast %scan3A_661 : i32 to index
        %get3A_709 = arith.constant 112 : index
        %get3A_710 = tpu.vector_load %arg9[%get3A_708, %get3A_709] {strides = array<i32>} : memref<32x128xf32, #tpu.memory_space<vmem>>, vector<16xf32>,
        %max3A_711 = arith.maximumf %scan3A_669, %get3A_710 : vector<16xf32>
        %select_n3A_712 = arith.select %and3A_673, %max3A_711, %scan3A_669 : vector<16xf32>
        scf.yield %select_n3A_677, %select_n3A_682, %select_n3A_687, %select_n3A_692, %select_n3A_697, %select_n3A_702, %select_n3A_707, %select_n3A_712 : vector<16xf32>, vector<16xf32>, vector<16xf32>, vector<16xf32>, vector<16xf32>, vector<16xf32>, vector<16xf32>, vector<16xf32>
      }
      %scan3A_654 = arith.constant 32 : i32
      %add3A_655 = arith.constant 1 : i32
      %add3A_656 = arith.addi %while3A_604, %add3A_655 : i32
      %lt3A_657 = arith.cmpi slt, %add3A_656, %select_n3A_246 : i32
      %convert_element_type3A_658 = arith.extui %lt3A_657 : i1 to i32
      %cond3A_659 = arith.constant 0 : i32
      %cond3A_660 = arith.cmpi ne, %convert_element_type3A_658, %cond3A_659 : i32
      scf.if %cond3A_660 {
        %add3A_661 = arith.constant 3 : i32
        %add3A_662 = arith.addi %mul3A_614, %add3A_661 : i32
        %mul3A_663 = arith.constant 32 : i32
        %mul3A_664 = arith.muli %add3A_662, %mul3A_663 : i32
        %add3A_665 = arith.addi %multiple_of3A_191, %mul3A_664 : i32
        %min3A_666 = arith.constant 9968 : i32
        %min3A_667 = arith.minsi %add3A_665, %min3A_666 : i32
        %multiple_of3A_668 = tpu.assume_multiple %min3A_667, 8 : i32
        %dma_start3A_669 = arith.constant 0 : i32
        %dma_start3A_670 = tpu.memref_slice %arg2[%multiple_of3A_668, %dma_start3A_669] : memref<10000x128xf32, #tpu.memory_space<hbm>> -> memref<32x128xf32, #tpu.memory_space<hbm>>
        %dma_start3A_671 = arith.constant 0 : i32
        %dma_start3A_672 = tpu.memref_slice %arg2[%multiple_of3A_668, %dma_start3A_671] : memref<10000x128xf32, #tpu.memory_space<hbm>> -> memref<32x128xf32, #tpu.memory_space<hbm>>
        tpu.enqueue_dma source(%dma_start3A_672 : memref<32x128xf32, #tpu.memory_space<hbm>>) target(%arg9 : memref<32x128xf32, #tpu.memory_space<vmem>>) target_semaphore(%arg13 : memref<!tpu.dma_semaphore, #tpu.memory_space<semaphore_mem>>)
      } else {
      }
      scf.yield %scan3A_653#0, %scan3A_653#1, %scan3A_653#2, %scan3A_653#3, %scan3A_653#4, %scan3A_653#5, %scan3A_653#6, %scan3A_653#7 : vector<16xf32>, vector<16xf32>, vector<16xf32>, vector<16xf32>, vector<16xf32>, vector<16xf32>, vector<16xf32>, vector<16xf32>
    }
    %while3A_276 = arith.constant 1 : i32
    %while3A_277:8 = scf.for %while3A_604 = %while3A_273 to %while3A_269 step %while3A_276 iter_args(%while3A_605 = %while3A_275#0, %while3A_606 = %while3A_275#1, %while3A_607 = %while3A_275#2, %while3A_608 = %while3A_275#3, %while3A_609 = %while3A_275#4, %while3A_610 = %while3A_275#5, %while3A_611 = %while3A_275#6, %while3A_612 = %while3A_275#7) -> (vector<16xf32>, vector<16xf32>, vector<16xf32>, vector<16xf32>, vector<16xf32>, vector<16xf32>, vector<16xf32>, vector<16xf32>)  : i32 {
      %mul3A_613 = arith.constant 2 : i32
      %mul3A_614 = arith.muli %mul3A_613, %while3A_604 : i32
      %dma_wait3A = arith.constant 0 : i32
      %dma_wait3A_615 = arith.constant 0 : i32
      %dma_wait3A_616 = tpu.memref_slice %arg2[%dma_wait3A, %dma_wait3A_615] : memref<10000x128xf32, #tpu.memory_space<hbm>> -> memref<32x128xf32, #tpu.memory_space<hbm>>
      %dma_wait3A_617 = arith.constant 0 : i32
      %dma_wait3A_618 = arith.constant 0 : i32
      %dma_wait3A_619 = tpu.memref_slice %arg2[%dma_wait3A_617, %dma_wait3A_618] : memref<10000x128xf32, #tpu.memory_space<hbm>> -> memref<32x128xf32, #tpu.memory_space<hbm>>
      tpu.wait_dma2 semaphore(%arg12 : memref<!tpu.dma_semaphore, #tpu.memory_space<semaphore_mem>>) src(%dma_wait3A_619 : memref<32x128xf32, #tpu.memory_space<hbm>>) dst(%arg8 : memref<32x128xf32, #tpu.memory_space<vmem>>)
      %mul3A_620 = arith.constant 32 : i32
      %mul3A_621 = arith.muli %mul3A_614, %mul3A_620 : i32
      %add3A_622 = arith.addi %multiple_of3A_191, %mul3A_621 : i32
      %min3A_623 = arith.constant 9968 : i32
      %min3A_624 = arith.minsi %add3A_622, %min3A_623 : i32
      %multiple_of3A_625 = tpu.assume_multiple %min3A_624, 8 : i32
      %scan3A_626 = arith.constant 0 : i32
      %scan3A_627 = arith.constant 32 : i32
      %scan3A_628 = arith.addi %scan3A_626, %scan3A_627 : i32
      %scan3A_629 = arith.constant 1 : i32
      %scan3A_630:8 = scf.for %scan3A_661 = %scan3A_626 to %scan3A_628 step %scan3A_629 iter_args(%scan3A_662 = %while3A_605, %scan3A_663 = %while3A_606, %scan3A_664 = %while3A_607, %scan3A_665 = %while3A_608, %scan3A_666 = %while3A_609, %scan3A_667 = %while3A_610, %scan3A_668 = %while3A_611, %scan3A_669 = %while3A_612) -> (vector<16xf32>, vector<16xf32>, vector<16xf32>, vector<16xf32>, vector<16xf32>, vector<16xf32>, vector<16xf32>, vector<16xf32>)  : i32 {
        %add3A_670 = arith.addi %multiple_of3A_625, %scan3A_661 : i32
        %ge3A = arith.cmpi sge, %add3A_670, %reduce_sum3A_15 : i32
        %add3A_671 = arith.addi %multiple_of3A_625, %scan3A_661 : i32
        %lt3A_672 = arith.cmpi slt, %add3A_671, %reduce_sum3A_19 : i32
        %and3A_673 = arith.andi %ge3A, %lt3A_672 : i1
        %get3A = arith.index_cast %scan3A_661 : i32 to index
        %get3A_674 = arith.constant 0 : index
        %get3A_675 = tpu.vector_load %arg8[%get3A, %get3A_674] {strides = array<i32>} : memref<32x128xf32, #tpu.memory_space<vmem>>, vector<16xf32>,
        %max3A_676 = arith.maximumf %scan3A_662, %get3A_675 : vector<16xf32>
        %select_n3A_677 = arith.select %and3A_673, %max3A_676, %scan3A_662 : vector<16xf32>
        %get3A_678 = arith.index_cast %scan3A_661 : i32 to index
        %get3A_679 = arith.constant 16 : index
        %get3A_680 = tpu.vector_load %arg8[%get3A_678, %get3A_679] {strides = array<i32>} : memref<32x128xf32, #tpu.memory_space<vmem>>, vector<16xf32>,
        %max3A_681 = arith.maximumf %scan3A_663, %get3A_680 : vector<16xf32>
        %select_n3A_682 = arith.select %and3A_673, %max3A_681, %scan3A_663 : vector<16xf32>
        %get3A_683 = arith.index_cast %scan3A_661 : i32 to index
        %get3A_684 = arith.constant 32 : index
        %get3A_685 = tpu.vector_load %arg8[%get3A_683, %get3A_684] {strides = array<i32>} : memref<32x128xf32, #tpu.memory_space<vmem>>, vector<16xf32>,
        %max3A_686 = arith.maximumf %scan3A_664, %get3A_685 : vector<16xf32>
        %select_n3A_687 = arith.select %and3A_673, %max3A_686, %scan3A_664 : vector<16xf32>
        %get3A_688 = arith.index_cast %scan3A_661 : i32 to index
        %get3A_689 = arith.constant 48 : index
        %get3A_690 = tpu.vector_load %arg8[%get3A_688, %get3A_689] {strides = array<i32>} : memref<32x128xf32, #tpu.memory_space<vmem>>, vector<16xf32>,
        %max3A_691 = arith.maximumf %scan3A_665, %get3A_690 : vector<16xf32>
        %select_n3A_692 = arith.select %and3A_673, %max3A_691, %scan3A_665 : vector<16xf32>
        %get3A_693 = arith.index_cast %scan3A_661 : i32 to index
        %get3A_694 = arith.constant 64 : index
        %get3A_695 = tpu.vector_load %arg8[%get3A_693, %get3A_694] {strides = array<i32>} : memref<32x128xf32, #tpu.memory_space<vmem>>, vector<16xf32>,
        %max3A_696 = arith.maximumf %scan3A_666, %get3A_695 : vector<16xf32>
        %select_n3A_697 = arith.select %and3A_673, %max3A_696, %scan3A_666 : vector<16xf32>
        %get3A_698 = arith.index_cast %scan3A_661 : i32 to index
        %get3A_699 = arith.constant 80 : index
        %get3A_700 = tpu.vector_load %arg8[%get3A_698, %get3A_699] {strides = array<i32>} : memref<32x128xf32, #tpu.memory_space<vmem>>, vector<16xf32>,
        %max3A_701 = arith.maximumf %scan3A_667, %get3A_700 : vector<16xf32>
        %select_n3A_702 = arith.select %and3A_673, %max3A_701, %scan3A_667 : vector<16xf32>
        %get3A_703 = arith.index_cast %scan3A_661 : i32 to index
        %get3A_704 = arith.constant 96 : index
        %get3A_705 = tpu.vector_load %arg8[%get3A_703, %get3A_704] {strides = array<i32>} : memref<32x128xf32, #tpu.memory_space<vmem>>, vector<16xf32>,
        %max3A_706 = arith.maximumf %scan3A_668, %get3A_705 : vector<16xf32>
        %select_n3A_707 = arith.select %and3A_673, %max3A_706, %scan3A_668 : vector<16xf32>
        %get3A_708 = arith.index_cast %scan3A_661 : i32 to index
        %get3A_709 = arith.constant 112 : index
        %get3A_710 = tpu.vector_load %arg8[%get3A_708, %get3A_709] {strides = array<i32>} : memref<32x128xf32, #tpu.memory_space<vmem>>, vector<16xf32>,
        %max3A_711 = arith.maximumf %scan3A_669, %get3A_710 : vector<16xf32>
        %select_n3A_712 = arith.select %and3A_673, %max3A_711, %scan3A_669 : vector<16xf32>
        scf.yield %select_n3A_677, %select_n3A_682, %select_n3A_687, %select_n3A_692, %select_n3A_697, %select_n3A_702, %select_n3A_707, %select_n3A_712 : vector<16xf32>, vector<16xf32>, vector<16xf32>, vector<16xf32>, vector<16xf32>, vector<16xf32>, vector<16xf32>, vector<16xf32>
      }
      %scan3A_631 = arith.constant 32 : i32
      %add3A_632 = arith.constant 1 : i32
      %add3A_633 = arith.addi %while3A_604, %add3A_632 : i32
      %lt3A = arith.cmpi slt, %add3A_633, %select_n3A_246 : i32
      %convert_element_type3A = arith.extui %lt3A : i1 to i32
      %cond3A = arith.constant 0 : i32
      %cond3A_634 = arith.cmpi ne, %convert_element_type3A, %cond3A : i32
      scf.if %cond3A_634 {
        %add3A_661 = arith.constant 2 : i32
        %add3A_662 = arith.addi %mul3A_614, %add3A_661 : i32
        %mul3A_663 = arith.constant 32 : i32
        %mul3A_664 = arith.muli %add3A_662, %mul3A_663 : i32
        %add3A_665 = arith.addi %multiple_of3A_191, %mul3A_664 : i32
        %min3A_666 = arith.constant 9968 : i32
        %min3A_667 = arith.minsi %add3A_665, %min3A_666 : i32
        %multiple_of3A_668 = tpu.assume_multiple %min3A_667, 8 : i32
        %dma_start3A_669 = arith.constant 0 : i32
        %dma_start3A_670 = tpu.memref_slice %arg2[%multiple_of3A_668, %dma_start3A_669] : memref<10000x128xf32, #tpu.memory_space<hbm>> -> memref<32x128xf32, #tpu.memory_space<hbm>>
        %dma_start3A_671 = arith.constant 0 : i32
        %dma_start3A_672 = tpu.memref_slice %arg2[%multiple_of3A_668, %dma_start3A_671] : memref<10000x128xf32, #tpu.memory_space<hbm>> -> memref<32x128xf32, #tpu.memory_space<hbm>>
        tpu.enqueue_dma source(%dma_start3A_672 : memref<32x128xf32, #tpu.memory_space<hbm>>) target(%arg8 : memref<32x128xf32, #tpu.memory_space<vmem>>) target_semaphore(%arg12 : memref<!tpu.dma_semaphore, #tpu.memory_space<semaphore_mem>>)
      } else {
      }
      %dma_wait3A_635 = arith.constant 0 : i32
      %dma_wait3A_636 = arith.constant 0 : i32
      %dma_wait3A_637 = tpu.memref_slice %arg2[%dma_wait3A_635, %dma_wait3A_636] : memref<10000x128xf32, #tpu.memory_space<hbm>> -> memref<32x128xf32, #tpu.memory_space<hbm>>
      %dma_wait3A_638 = arith.constant 0 : i32
      %dma_wait3A_639 = arith.constant 0 : i32
      %dma_wait3A_640 = tpu.memref_slice %arg2[%dma_wait3A_638, %dma_wait3A_639] : memref<10000x128xf32, #tpu.memory_space<hbm>> -> memref<32x128xf32, #tpu.memory_space<hbm>>
      tpu.wait_dma2 semaphore(%arg13 : memref<!tpu.dma_semaphore, #tpu.memory_space<semaphore_mem>>) src(%dma_wait3A_640 : memref<32x128xf32, #tpu.memory_space<hbm>>) dst(%arg9 : memref<32x128xf32, #tpu.memory_space<vmem>>)
      %add3A_641 = arith.constant 1 : i32
      %add3A_642 = arith.addi %mul3A_614, %add3A_641 : i32
      %mul3A_643 = arith.constant 32 : i32
      %mul3A_644 = arith.muli %add3A_642, %mul3A_643 : i32
      %add3A_645 = arith.addi %multiple_of3A_191, %mul3A_644 : i32
      %min3A_646 = arith.constant 9968 : i32
      %min3A_647 = arith.minsi %add3A_645, %min3A_646 : i32
      %multiple_of3A_648 = tpu.assume_multiple %min3A_647, 8 : i32
      %scan3A_649 = arith.constant 0 : i32
      %scan3A_650 = arith.constant 32 : i32
      %scan3A_651 = arith.addi %scan3A_649, %scan3A_650 : i32
      %scan3A_652 = arith.constant 1 : i32
      %scan3A_653:8 = scf.for %scan3A_661 = %scan3A_649 to %scan3A_651 step %scan3A_652 iter_args(%scan3A_662 = %scan3A_630#0, %scan3A_663 = %scan3A_630#1, %scan3A_664 = %scan3A_630#2, %scan3A_665 = %scan3A_630#3, %scan3A_666 = %scan3A_630#4, %scan3A_667 = %scan3A_630#5, %scan3A_668 = %scan3A_630#6, %scan3A_669 = %scan3A_630#7) -> (vector<16xf32>, vector<16xf32>, vector<16xf32>, vector<16xf32>, vector<16xf32>, vector<16xf32>, vector<16xf32>, vector<16xf32>)  : i32 {
        %add3A_670 = arith.addi %multiple_of3A_648, %scan3A_661 : i32
        %ge3A = arith.cmpi sge, %add3A_670, %reduce_sum3A_15 : i32
        %add3A_671 = arith.addi %multiple_of3A_648, %scan3A_661 : i32
        %lt3A_672 = arith.cmpi slt, %add3A_671, %reduce_sum3A_19 : i32
        %and3A_673 = arith.andi %ge3A, %lt3A_672 : i1
        %get3A = arith.index_cast %scan3A_661 : i32 to index
        %get3A_674 = arith.constant 0 : index
        %get3A_675 = tpu.vector_load %arg9[%get3A, %get3A_674] {strides = array<i32>} : memref<32x128xf32, #tpu.memory_space<vmem>>, vector<16xf32>,
        %max3A_676 = arith.maximumf %scan3A_662, %get3A_675 : vector<16xf32>
        %select_n3A_677 = arith.select %and3A_673, %max3A_676, %scan3A_662 : vector<16xf32>
        %get3A_678 = arith.index_cast %scan3A_661 : i32 to index
        %get3A_679 = arith.constant 16 : index
        %get3A_680 = tpu.vector_load %arg9[%get3A_678, %get3A_679] {strides = array<i32>} : memref<32x128xf32, #tpu.memory_space<vmem>>, vector<16xf32>,
        %max3A_681 = arith.maximumf %scan3A_663, %get3A_680 : vector<16xf32>
        %select_n3A_682 = arith.select %and3A_673, %max3A_681, %scan3A_663 : vector<16xf32>
        %get3A_683 = arith.index_cast %scan3A_661 : i32 to index
        %get3A_684 = arith.constant 32 : index
        %get3A_685 = tpu.vector_load %arg9[%get3A_683, %get3A_684] {strides = array<i32>} : memref<32x128xf32, #tpu.memory_space<vmem>>, vector<16xf32>,
        %max3A_686 = arith.maximumf %scan3A_664, %get3A_685 : vector<16xf32>
        %select_n3A_687 = arith.select %and3A_673, %max3A_686, %scan3A_664 : vector<16xf32>
        %get3A_688 = arith.index_cast %scan3A_661 : i32 to index
        %get3A_689 = arith.constant 48 : index
        %get3A_690 = tpu.vector_load %arg9[%get3A_688, %get3A_689] {strides = array<i32>} : memref<32x128xf32, #tpu.memory_space<vmem>>, vector<16xf32>,
        %max3A_691 = arith.maximumf %scan3A_665, %get3A_690 : vector<16xf32>
        %select_n3A_692 = arith.select %and3A_673, %max3A_691, %scan3A_665 : vector<16xf32>
        %get3A_693 = arith.index_cast %scan3A_661 : i32 to index
        %get3A_694 = arith.constant 64 : index
        %get3A_695 = tpu.vector_load %arg9[%get3A_693, %get3A_694] {strides = array<i32>} : memref<32x128xf32, #tpu.memory_space<vmem>>, vector<16xf32>,
        %max3A_696 = arith.maximumf %scan3A_666, %get3A_695 : vector<16xf32>
        %select_n3A_697 = arith.select %and3A_673, %max3A_696, %scan3A_666 : vector<16xf32>
        %get3A_698 = arith.index_cast %scan3A_661 : i32 to index
        %get3A_699 = arith.constant 80 : index
        %get3A_700 = tpu.vector_load %arg9[%get3A_698, %get3A_699] {strides = array<i32>} : memref<32x128xf32, #tpu.memory_space<vmem>>, vector<16xf32>,
        %max3A_701 = arith.maximumf %scan3A_667, %get3A_700 : vector<16xf32>
        %select_n3A_702 = arith.select %and3A_673, %max3A_701, %scan3A_667 : vector<16xf32>
        %get3A_703 = arith.index_cast %scan3A_661 : i32 to index
        %get3A_704 = arith.constant 96 : index
        %get3A_705 = tpu.vector_load %arg9[%get3A_703, %get3A_704] {strides = array<i32>} : memref<32x128xf32, #tpu.memory_space<vmem>>, vector<16xf32>,
        %max3A_706 = arith.maximumf %scan3A_668, %get3A_705 : vector<16xf32>
        %select_n3A_707 = arith.select %and3A_673, %max3A_706, %scan3A_668 : vector<16xf32>
        %get3A_708 = arith.index_cast %scan3A_661 : i32 to index
        %get3A_709 = arith.constant 112 : index
        %get3A_710 = tpu.vector_load %arg9[%get3A_708, %get3A_709] {strides = array<i32>} : memref<32x128xf32, #tpu.memory_space<vmem>>, vector<16xf32>,
        %max3A_711 = arith.maximumf %scan3A_669, %get3A_710 : vector<16xf32>
        %select_n3A_712 = arith.select %and3A_673, %max3A_711, %scan3A_669 : vector<16xf32>
        scf.yield %select_n3A_677, %select_n3A_682, %select_n3A_687, %select_n3A_692, %select_n3A_697, %select_n3A_702, %select_n3A_707, %select_n3A_712 : vector<16xf32>, vector<16xf32>, vector<16xf32>, vector<16xf32>, vector<16xf32>, vector<16xf32>, vector<16xf32>, vector<16xf32>
      }
      %scan3A_654 = arith.constant 32 : i32
      %add3A_655 = arith.constant 1 : i32
      %add3A_656 = arith.addi %while3A_604, %add3A_655 : i32
      %lt3A_657 = arith.cmpi slt, %add3A_656, %select_n3A_246 : i32
      %convert_element_type3A_658 = arith.extui %lt3A_657 : i1 to i32
      %cond3A_659 = arith.constant 0 : i32
      %cond3A_660 = arith.cmpi ne, %convert_element_type3A_658, %cond3A_659 : i32
      scf.if %cond3A_660 {
        %add3A_661 = arith.constant 3 : i32
        %add3A_662 = arith.addi %mul3A_614, %add3A_661 : i32
        %mul3A_663 = arith.constant 32 : i32
        %mul3A_664 = arith.muli %add3A_662, %mul3A_663 : i32
        %add3A_665 = arith.addi %multiple_of3A_191, %mul3A_664 : i32
        %min3A_666 = arith.constant 9968 : i32
        %min3A_667 = arith.minsi %add3A_665, %min3A_666 : i32
        %multiple_of3A_668 = tpu.assume_multiple %min3A_667, 8 : i32
        %dma_start3A_669 = arith.constant 0 : i32
        %dma_start3A_670 = tpu.memref_slice %arg2[%multiple_of3A_668, %dma_start3A_669] : memref<10000x128xf32, #tpu.memory_space<hbm>> -> memref<32x128xf32, #tpu.memory_space<hbm>>
        %dma_start3A_671 = arith.constant 0 : i32
        %dma_start3A_672 = tpu.memref_slice %arg2[%multiple_of3A_668, %dma_start3A_671] : memref<10000x128xf32, #tpu.memory_space<hbm>> -> memref<32x128xf32, #tpu.memory_space<hbm>>
        tpu.enqueue_dma source(%dma_start3A_672 : memref<32x128xf32, #tpu.memory_space<hbm>>) target(%arg9 : memref<32x128xf32, #tpu.memory_space<vmem>>) target_semaphore(%arg13 : memref<!tpu.dma_semaphore, #tpu.memory_space<semaphore_mem>>)
      } else {
      }
      scf.yield %scan3A_653#0, %scan3A_653#1, %scan3A_653#2, %scan3A_653#3, %scan3A_653#4, %scan3A_653#5, %scan3A_653#6, %scan3A_653#7 : vector<16xf32>, vector<16xf32>, vector<16xf32>, vector<16xf32>, vector<16xf32>, vector<16xf32>, vector<16xf32>, vector<16xf32>
    }
    %swap3A_278 = arith.constant 1 : i32
    %swap3A_279 = arith.index_cast %swap3A_278 : i32 to index
    %swap3A_280 = arith.constant 0 : index
    %swap3A_281 = tpu.vector_load %arg10[%swap3A_279, %swap3A_280] {strides = array<i32>} : memref<4x128xf32, #tpu.memory_space<vmem>>, vector<16xf32>,
    tpu.vector_store %arg10[%swap3A_279, %swap3A_280], %while3A_277#0 {strides = array<i32>} : memref<4x128xf32, #tpu.memory_space<vmem>>, vector<16xf32>,
    %swap3A_282 = arith.constant 1 : i32
    %swap3A_283 = arith.index_cast %swap3A_282 : i32 to index
    %swap3A_284 = arith.constant 16 : index
    %swap3A_285 = tpu.vector_load %arg10[%swap3A_283, %swap3A_284] {strides = array<i32>} : memref<4x128xf32, #tpu.memory_space<vmem>>, vector<16xf32>,
    tpu.vector_store %arg10[%swap3A_283, %swap3A_284], %while3A_277#1 {strides = array<i32>} : memref<4x128xf32, #tpu.memory_space<vmem>>, vector<16xf32>,
    %swap3A_286 = arith.constant 1 : i32
    %swap3A_287 = arith.index_cast %swap3A_286 : i32 to index
    %swap3A_288 = arith.constant 32 : index
    %swap3A_289 = tpu.vector_load %arg10[%swap3A_287, %swap3A_288] {strides = array<i32>} : memref<4x128xf32, #tpu.memory_space<vmem>>, vector<16xf32>,
    tpu.vector_store %arg10[%swap3A_287, %swap3A_288], %while3A_277#2 {strides = array<i32>} : memref<4x128xf32, #tpu.memory_space<vmem>>, vector<16xf32>,
    %swap3A_290 = arith.constant 1 : i32
    %swap3A_291 = arith.index_cast %swap3A_290 : i32 to index
    %swap3A_292 = arith.constant 48 : index
    %swap3A_293 = tpu.vector_load %arg10[%swap3A_291, %swap3A_292] {strides = array<i32>} : memref<4x128xf32, #tpu.memory_space<vmem>>, vector<16xf32>,
    tpu.vector_store %arg10[%swap3A_291, %swap3A_292], %while3A_277#3 {strides = array<i32>} : memref<4x128xf32, #tpu.memory_space<vmem>>, vector<16xf32>,
    %swap3A_294 = arith.constant 1 : i32
    %swap3A_295 = arith.index_cast %swap3A_294 : i32 to index
    %swap3A_296 = arith.constant 64 : index
    %swap3A_297 = tpu.vector_load %arg10[%swap3A_295, %swap3A_296] {strides = array<i32>} : memref<4x128xf32, #tpu.memory_space<vmem>>, vector<16xf32>,
    tpu.vector_store %arg10[%swap3A_295, %swap3A_296], %while3A_277#4 {strides = array<i32>} : memref<4x128xf32, #tpu.memory_space<vmem>>, vector<16xf32>,
    %swap3A_298 = arith.constant 1 : i32
    %swap3A_299 = arith.index_cast %swap3A_298 : i32 to index
    %swap3A_300 = arith.constant 80 : index
    %swap3A_301 = tpu.vector_load %arg10[%swap3A_299, %swap3A_300] {strides = array<i32>} : memref<4x128xf32, #tpu.memory_space<vmem>>, vector<16xf32>,
    tpu.vector_store %arg10[%swap3A_299, %swap3A_300], %while3A_277#5 {strides = array<i32>} : memref<4x128xf32, #tpu.memory_space<vmem>>, vector<16xf32>,
    %swap3A_302 = arith.constant 1 : i32
    %swap3A_303 = arith.index_cast %swap3A_302 : i32 to index
    %swap3A_304 = arith.constant 96 : index
    %swap3A_305 = tpu.vector_load %arg10[%swap3A_303, %swap3A_304] {strides = array<i32>} : memref<4x128xf32, #tpu.memory_space<vmem>>, vector<16xf32>,
    tpu.vector_store %arg10[%swap3A_303, %swap3A_304], %while3A_277#6 {strides = array<i32>} : memref<4x128xf32, #tpu.memory_space<vmem>>, vector<16xf32>,
    %swap3A_306 = arith.constant 1 : i32
    %swap3A_307 = arith.index_cast %swap3A_306 : i32 to index
    %swap3A_308 = arith.constant 112 : index
    %swap3A_309 = tpu.vector_load %arg10[%swap3A_307, %swap3A_308] {strides = array<i32>} : memref<4x128xf32, #tpu.memory_space<vmem>>, vector<16xf32>,
    tpu.vector_store %arg10[%swap3A_307, %swap3A_308], %while3A_277#7 {strides = array<i32>} : memref<4x128xf32, #tpu.memory_space<vmem>>, vector<16xf32>,
    %add3A_310 = arith.constant 2 : i32
    %add3A_311 = arith.addi %mul3A_2, %add3A_310 : i32
    %jit3A_312 = arith.constant 8 : i32
    %div3A_313 = arith.divsi %reduce_sum3A_19, %jit3A_312 : i32
    %sign3A_314 = arith.constant 0 : i32
    %sign3A_315 = arith.cmpi sgt, %reduce_sum3A_19, %sign3A_314 : i32
    %sign3A_316 = arith.extui %sign3A_315 : i1 to i32
    %sign3A_317 = arith.constant 0 : i32
    %sign3A_318 = arith.cmpi slt, %reduce_sum3A_19, %sign3A_317 : i32
    %sign3A_319 = arith.extui %sign3A_318 : i1 to i32
    %sign3A_320 = arith.subi %sign3A_316, %sign3A_319 : i32
    %sign3A_321 = arith.constant 0 : i32
    %sign3A_322 = arith.cmpi sgt, %jit3A_312, %sign3A_321 : i32
    %sign3A_323 = arith.extui %sign3A_322 : i1 to i32
    %sign3A_324 = arith.constant 0 : i32
    %sign3A_325 = arith.cmpi slt, %jit3A_312, %sign3A_324 : i32
    %sign3A_326 = arith.extui %sign3A_325 : i1 to i32
    %sign3A_327 = arith.subi %sign3A_323, %sign3A_326 : i32
    %ne3A_328 = arith.cmpi ne, %sign3A_320, %sign3A_327 : i32
    %rem3A_329 = arith.remsi %reduce_sum3A_19, %jit3A_312 : i32
    %ne3A_330 = arith.constant 0 : i32
    %ne3A_331 = arith.cmpi ne, %rem3A_329, %ne3A_330 : i32
    %and3A_332 = arith.andi %ne3A_328, %ne3A_331 : i1
    %sub3A_333 = arith.constant 1 : i32
    %sub3A_334 = arith.subi %div3A_313, %sub3A_333 : i32
    %select_n3A_335 = arith.select %and3A_332, %sub3A_334, %div3A_313 : i32
    %mul3A_336 = arith.constant 8 : i32
    %mul3A_337 = arith.muli %select_n3A_335, %mul3A_336 : i32
    %multiple_of3A_338 = tpu.assume_multiple %mul3A_337, 8 : i32
    %sub3A_339 = arith.subi %reduce_sum3A_23, %multiple_of3A_338 : i32
    %add3A_340 = arith.constant 32 : i32
    %add3A_341 = arith.addi %sub3A_339, %add3A_340 : i32
    %sub3A_342 = arith.constant 1 : i32
    %sub3A_343 = arith.subi %add3A_341, %sub3A_342 : i32
    %jit3A_344 = arith.constant 32 : i32
    %div3A_345 = arith.divsi %sub3A_343, %jit3A_344 : i32
    %sign3A_346 = arith.constant 0 : i32
    %sign3A_347 = arith.cmpi sgt, %sub3A_343, %sign3A_346 : i32
    %sign3A_348 = arith.extui %sign3A_347 : i1 to i32
    %sign3A_349 = arith.constant 0 : i32
    %sign3A_350 = arith.cmpi slt, %sub3A_343, %sign3A_349 : i32
    %sign3A_351 = arith.extui %sign3A_350 : i1 to i32
    %sign3A_352 = arith.subi %sign3A_348, %sign3A_351 : i32
    %sign3A_353 = arith.constant 0 : i32
    %sign3A_354 = arith.cmpi sgt, %jit3A_344, %sign3A_353 : i32
    %sign3A_355 = arith.extui %sign3A_354 : i1 to i32
    %sign3A_356 = arith.constant 0 : i32
    %sign3A_357 = arith.cmpi slt, %jit3A_344, %sign3A_356 : i32
    %sign3A_358 = arith.extui %sign3A_357 : i1 to i32
    %sign3A_359 = arith.subi %sign3A_355, %sign3A_358 : i32
    %ne3A_360 = arith.cmpi ne, %sign3A_352, %sign3A_359 : i32
    %rem3A_361 = arith.remsi %sub3A_343, %jit3A_344 : i32
    %ne3A_362 = arith.constant 0 : i32
    %ne3A_363 = arith.cmpi ne, %rem3A_361, %ne3A_362 : i32
    %and3A_364 = arith.andi %ne3A_360, %ne3A_363 : i1
    %sub3A_365 = arith.constant 1 : i32
    %sub3A_366 = arith.subi %div3A_345, %sub3A_365 : i32
    %select_n3A_367 = arith.select %and3A_364, %sub3A_366, %div3A_345 : i32
    %add3A_368 = arith.constant 1 : i32
    %add3A_369 = arith.addi %select_n3A_367, %add3A_368 : i32
    %jit3A_370 = arith.constant 2 : i32
    %div3A_371 = arith.divsi %add3A_369, %jit3A_370 : i32
    %sign3A_372 = arith.constant 0 : i32
    %sign3A_373 = arith.cmpi sgt, %add3A_369, %sign3A_372 : i32
    %sign3A_374 = arith.extui %sign3A_373 : i1 to i32
    %sign3A_375 = arith.constant 0 : i32
    %sign3A_376 = arith.cmpi slt, %add3A_369, %sign3A_375 : i32
    %sign3A_377 = arith.extui %sign3A_376 : i1 to i32
    %sign3A_378 = arith.subi %sign3A_374, %sign3A_377 : i32
    %sign3A_379 = arith.constant 0 : i32
    %sign3A_380 = arith.cmpi sgt, %jit3A_370, %sign3A_379 : i32
    %sign3A_381 = arith.extui %sign3A_380 : i1 to i32
    %sign3A_382 = arith.constant 0 : i32
    %sign3A_383 = arith.cmpi slt, %jit3A_370, %sign3A_382 : i32
    %sign3A_384 = arith.extui %sign3A_383 : i1 to i32
    %sign3A_385 = arith.subi %sign3A_381, %sign3A_384 : i32
    %ne3A_386 = arith.cmpi ne, %sign3A_378, %sign3A_385 : i32
    %rem3A_387 = arith.remsi %add3A_369, %jit3A_370 : i32
    %ne3A_388 = arith.constant 0 : i32
    %ne3A_389 = arith.cmpi ne, %rem3A_387, %ne3A_388 : i32
    %and3A_390 = arith.andi %ne3A_386, %ne3A_389 : i1
    %sub3A_391 = arith.constant 1 : i32
    %sub3A_392 = arith.subi %div3A_371, %sub3A_391 : i32
    %select_n3A_393 = arith.select %and3A_390, %sub3A_392, %div3A_371 : i32
    %add3A_394 = arith.constant 0 : i32
    %add3A_395 = arith.addi %multiple_of3A_338, %add3A_394 : i32
    %min3A_396 = arith.constant 9968 : i32
    %min3A_397 = arith.minsi %add3A_395, %min3A_396 : i32
    %multiple_of3A_398 = tpu.assume_multiple %min3A_397, 8 : i32
    %dma_start3A_399 = arith.constant 0 : i32
    %dma_start3A_400 = tpu.memref_slice %arg2[%multiple_of3A_398, %dma_start3A_399] : memref<10000x128xf32, #tpu.memory_space<hbm>> -> memref<32x128xf32, #tpu.memory_space<hbm>>
    %dma_start3A_401 = arith.constant 0 : i32
    %dma_start3A_402 = tpu.memref_slice %arg2[%multiple_of3A_398, %dma_start3A_401] : memref<10000x128xf32, #tpu.memory_space<hbm>> -> memref<32x128xf32, #tpu.memory_space<hbm>>
    tpu.enqueue_dma source(%dma_start3A_402 : memref<32x128xf32, #tpu.memory_space<hbm>>) target(%arg8 : memref<32x128xf32, #tpu.memory_space<vmem>>) target_semaphore(%arg12 : memref<!tpu.dma_semaphore, #tpu.memory_space<semaphore_mem>>)
    %add3A_403 = arith.constant 32 : i32
    %add3A_404 = arith.addi %multiple_of3A_338, %add3A_403 : i32
    %min3A_405 = arith.constant 9968 : i32
    %min3A_406 = arith.minsi %add3A_404, %min3A_405 : i32
    %multiple_of3A_407 = tpu.assume_multiple %min3A_406, 8 : i32
    %dma_start3A_408 = arith.constant 0 : i32
    %dma_start3A_409 = tpu.memref_slice %arg2[%multiple_of3A_407, %dma_start3A_408] : memref<10000x128xf32, #tpu.memory_space<hbm>> -> memref<32x128xf32, #tpu.memory_space<hbm>>
    %dma_start3A_410 = arith.constant 0 : i32
    %dma_start3A_411 = tpu.memref_slice %arg2[%multiple_of3A_407, %dma_start3A_410] : memref<10000x128xf32, #tpu.memory_space<hbm>> -> memref<32x128xf32, #tpu.memory_space<hbm>>
    tpu.enqueue_dma source(%dma_start3A_411 : memref<32x128xf32, #tpu.memory_space<hbm>>) target(%arg9 : memref<32x128xf32, #tpu.memory_space<vmem>>) target_semaphore(%arg13 : memref<!tpu.dma_semaphore, #tpu.memory_space<semaphore_mem>>)
    %max3A_412 = arith.constant 1 : i32
    %max3A_413 = arith.maxsi %select_n3A_393, %max3A_412 : i32
    %while3A_414 = arith.constant 0 : i32
    %while3A_415 = arith.subi %max3A_413, %while3A_414 : i32
    %while3A_416 = arith.addi %while3A_414, %while3A_415 : i32
    %while3A_417 = arith.constant 1 : i32
    %while3A_418 = arith.divsi %while3A_415, %while3A_417 : i32
    %while3A_419 = arith.muli %while3A_418, %while3A_417 : i32
    %while3A_420 = arith.addi %while3A_414, %while3A_419 : i32
    %while3A_421 = arith.constant 1 : i32
    %while3A_422:8 = scf.for %while3A_604 = %while3A_414 to %while3A_420 step %while3A_421 iter_args(%while3A_605 = %broadcast_in_dim3A_29, %while3A_606 = %broadcast_in_dim3A_29, %while3A_607 = %broadcast_in_dim3A_29, %while3A_608 = %broadcast_in_dim3A_29, %while3A_609 = %broadcast_in_dim3A_29, %while3A_610 = %broadcast_in_dim3A_29, %while3A_611 = %broadcast_in_dim3A_29, %while3A_612 = %broadcast_in_dim3A_29) -> (vector<16xf32>, vector<16xf32>, vector<16xf32>, vector<16xf32>, vector<16xf32>, vector<16xf32>, vector<16xf32>, vector<16xf32>)  : i32 {
      %mul3A_613 = arith.constant 2 : i32
      %mul3A_614 = arith.muli %mul3A_613, %while3A_604 : i32
      %dma_wait3A = arith.constant 0 : i32
      %dma_wait3A_615 = arith.constant 0 : i32
      %dma_wait3A_616 = tpu.memref_slice %arg2[%dma_wait3A, %dma_wait3A_615] : memref<10000x128xf32, #tpu.memory_space<hbm>> -> memref<32x128xf32, #tpu.memory_space<hbm>>
      %dma_wait3A_617 = arith.constant 0 : i32
      %dma_wait3A_618 = arith.constant 0 : i32
      %dma_wait3A_619 = tpu.memref_slice %arg2[%dma_wait3A_617, %dma_wait3A_618] : memref<10000x128xf32, #tpu.memory_space<hbm>> -> memref<32x128xf32, #tpu.memory_space<hbm>>
      tpu.wait_dma2 semaphore(%arg12 : memref<!tpu.dma_semaphore, #tpu.memory_space<semaphore_mem>>) src(%dma_wait3A_619 : memref<32x128xf32, #tpu.memory_space<hbm>>) dst(%arg8 : memref<32x128xf32, #tpu.memory_space<vmem>>)
      %mul3A_620 = arith.constant 32 : i32
      %mul3A_621 = arith.muli %mul3A_614, %mul3A_620 : i32
      %add3A_622 = arith.addi %multiple_of3A_338, %mul3A_621 : i32
      %min3A_623 = arith.constant 9968 : i32
      %min3A_624 = arith.minsi %add3A_622, %min3A_623 : i32
      %multiple_of3A_625 = tpu.assume_multiple %min3A_624, 8 : i32
      %scan3A_626 = arith.constant 0 : i32
      %scan3A_627 = arith.constant 32 : i32
      %scan3A_628 = arith.addi %scan3A_626, %scan3A_627 : i32
      %scan3A_629 = arith.constant 1 : i32
      %scan3A_630:8 = scf.for %scan3A_661 = %scan3A_626 to %scan3A_628 step %scan3A_629 iter_args(%scan3A_662 = %while3A_605, %scan3A_663 = %while3A_606, %scan3A_664 = %while3A_607, %scan3A_665 = %while3A_608, %scan3A_666 = %while3A_609, %scan3A_667 = %while3A_610, %scan3A_668 = %while3A_611, %scan3A_669 = %while3A_612) -> (vector<16xf32>, vector<16xf32>, vector<16xf32>, vector<16xf32>, vector<16xf32>, vector<16xf32>, vector<16xf32>, vector<16xf32>)  : i32 {
        %add3A_670 = arith.addi %multiple_of3A_625, %scan3A_661 : i32
        %ge3A = arith.cmpi sge, %add3A_670, %reduce_sum3A_19 : i32
        %add3A_671 = arith.addi %multiple_of3A_625, %scan3A_661 : i32
        %lt3A_672 = arith.cmpi slt, %add3A_671, %reduce_sum3A_23 : i32
        %and3A_673 = arith.andi %ge3A, %lt3A_672 : i1
        %get3A = arith.index_cast %scan3A_661 : i32 to index
        %get3A_674 = arith.constant 0 : index
        %get3A_675 = tpu.vector_load %arg8[%get3A, %get3A_674] {strides = array<i32>} : memref<32x128xf32, #tpu.memory_space<vmem>>, vector<16xf32>,
        %max3A_676 = arith.maximumf %scan3A_662, %get3A_675 : vector<16xf32>
        %select_n3A_677 = arith.select %and3A_673, %max3A_676, %scan3A_662 : vector<16xf32>
        %get3A_678 = arith.index_cast %scan3A_661 : i32 to index
        %get3A_679 = arith.constant 16 : index
        %get3A_680 = tpu.vector_load %arg8[%get3A_678, %get3A_679] {strides = array<i32>} : memref<32x128xf32, #tpu.memory_space<vmem>>, vector<16xf32>,
        %max3A_681 = arith.maximumf %scan3A_663, %get3A_680 : vector<16xf32>
        %select_n3A_682 = arith.select %and3A_673, %max3A_681, %scan3A_663 : vector<16xf32>
        %get3A_683 = arith.index_cast %scan3A_661 : i32 to index
        %get3A_684 = arith.constant 32 : index
        %get3A_685 = tpu.vector_load %arg8[%get3A_683, %get3A_684] {strides = array<i32>} : memref<32x128xf32, #tpu.memory_space<vmem>>, vector<16xf32>,
        %max3A_686 = arith.maximumf %scan3A_664, %get3A_685 : vector<16xf32>
        %select_n3A_687 = arith.select %and3A_673, %max3A_686, %scan3A_664 : vector<16xf32>
        %get3A_688 = arith.index_cast %scan3A_661 : i32 to index
        %get3A_689 = arith.constant 48 : index
        %get3A_690 = tpu.vector_load %arg8[%get3A_688, %get3A_689] {strides = array<i32>} : memref<32x128xf32, #tpu.memory_space<vmem>>, vector<16xf32>,
        %max3A_691 = arith.maximumf %scan3A_665, %get3A_690 : vector<16xf32>
        %select_n3A_692 = arith.select %and3A_673, %max3A_691, %scan3A_665 : vector<16xf32>
        %get3A_693 = arith.index_cast %scan3A_661 : i32 to index
        %get3A_694 = arith.constant 64 : index
        %get3A_695 = tpu.vector_load %arg8[%get3A_693, %get3A_694] {strides = array<i32>} : memref<32x128xf32, #tpu.memory_space<vmem>>, vector<16xf32>,
        %max3A_696 = arith.maximumf %scan3A_666, %get3A_695 : vector<16xf32>
        %select_n3A_697 = arith.select %and3A_673, %max3A_696, %scan3A_666 : vector<16xf32>
        %get3A_698 = arith.index_cast %scan3A_661 : i32 to index
        %get3A_699 = arith.constant 80 : index
        %get3A_700 = tpu.vector_load %arg8[%get3A_698, %get3A_699] {strides = array<i32>} : memref<32x128xf32, #tpu.memory_space<vmem>>, vector<16xf32>,
        %max3A_701 = arith.maximumf %scan3A_667, %get3A_700 : vector<16xf32>
        %select_n3A_702 = arith.select %and3A_673, %max3A_701, %scan3A_667 : vector<16xf32>
        %get3A_703 = arith.index_cast %scan3A_661 : i32 to index
        %get3A_704 = arith.constant 96 : index
        %get3A_705 = tpu.vector_load %arg8[%get3A_703, %get3A_704] {strides = array<i32>} : memref<32x128xf32, #tpu.memory_space<vmem>>, vector<16xf32>,
        %max3A_706 = arith.maximumf %scan3A_668, %get3A_705 : vector<16xf32>
        %select_n3A_707 = arith.select %and3A_673, %max3A_706, %scan3A_668 : vector<16xf32>
        %get3A_708 = arith.index_cast %scan3A_661 : i32 to index
        %get3A_709 = arith.constant 112 : index
        %get3A_710 = tpu.vector_load %arg8[%get3A_708, %get3A_709] {strides = array<i32>} : memref<32x128xf32, #tpu.memory_space<vmem>>, vector<16xf32>,
        %max3A_711 = arith.maximumf %scan3A_669, %get3A_710 : vector<16xf32>
        %select_n3A_712 = arith.select %and3A_673, %max3A_711, %scan3A_669 : vector<16xf32>
        scf.yield %select_n3A_677, %select_n3A_682, %select_n3A_687, %select_n3A_692, %select_n3A_697, %select_n3A_702, %select_n3A_707, %select_n3A_712 : vector<16xf32>, vector<16xf32>, vector<16xf32>, vector<16xf32>, vector<16xf32>, vector<16xf32>, vector<16xf32>, vector<16xf32>
      }
      %scan3A_631 = arith.constant 32 : i32
      %add3A_632 = arith.constant 1 : i32
      %add3A_633 = arith.addi %while3A_604, %add3A_632 : i32
      %lt3A = arith.cmpi slt, %add3A_633, %select_n3A_393 : i32
      %convert_element_type3A = arith.extui %lt3A : i1 to i32
      %cond3A = arith.constant 0 : i32
      %cond3A_634 = arith.cmpi ne, %convert_element_type3A, %cond3A : i32
      scf.if %cond3A_634 {
        %add3A_661 = arith.constant 2 : i32
        %add3A_662 = arith.addi %mul3A_614, %add3A_661 : i32
        %mul3A_663 = arith.constant 32 : i32
        %mul3A_664 = arith.muli %add3A_662, %mul3A_663 : i32
        %add3A_665 = arith.addi %multiple_of3A_338, %mul3A_664 : i32
        %min3A_666 = arith.constant 9968 : i32
        %min3A_667 = arith.minsi %add3A_665, %min3A_666 : i32
        %multiple_of3A_668 = tpu.assume_multiple %min3A_667, 8 : i32
        %dma_start3A_669 = arith.constant 0 : i32
        %dma_start3A_670 = tpu.memref_slice %arg2[%multiple_of3A_668, %dma_start3A_669] : memref<10000x128xf32, #tpu.memory_space<hbm>> -> memref<32x128xf32, #tpu.memory_space<hbm>>
        %dma_start3A_671 = arith.constant 0 : i32
        %dma_start3A_672 = tpu.memref_slice %arg2[%multiple_of3A_668, %dma_start3A_671] : memref<10000x128xf32, #tpu.memory_space<hbm>> -> memref<32x128xf32, #tpu.memory_space<hbm>>
        tpu.enqueue_dma source(%dma_start3A_672 : memref<32x128xf32, #tpu.memory_space<hbm>>) target(%arg8 : memref<32x128xf32, #tpu.memory_space<vmem>>) target_semaphore(%arg12 : memref<!tpu.dma_semaphore, #tpu.memory_space<semaphore_mem>>)
      } else {
      }
      %dma_wait3A_635 = arith.constant 0 : i32
      %dma_wait3A_636 = arith.constant 0 : i32
      %dma_wait3A_637 = tpu.memref_slice %arg2[%dma_wait3A_635, %dma_wait3A_636] : memref<10000x128xf32, #tpu.memory_space<hbm>> -> memref<32x128xf32, #tpu.memory_space<hbm>>
      %dma_wait3A_638 = arith.constant 0 : i32
      %dma_wait3A_639 = arith.constant 0 : i32
      %dma_wait3A_640 = tpu.memref_slice %arg2[%dma_wait3A_638, %dma_wait3A_639] : memref<10000x128xf32, #tpu.memory_space<hbm>> -> memref<32x128xf32, #tpu.memory_space<hbm>>
      tpu.wait_dma2 semaphore(%arg13 : memref<!tpu.dma_semaphore, #tpu.memory_space<semaphore_mem>>) src(%dma_wait3A_640 : memref<32x128xf32, #tpu.memory_space<hbm>>) dst(%arg9 : memref<32x128xf32, #tpu.memory_space<vmem>>)
      %add3A_641 = arith.constant 1 : i32
      %add3A_642 = arith.addi %mul3A_614, %add3A_641 : i32
      %mul3A_643 = arith.constant 32 : i32
      %mul3A_644 = arith.muli %add3A_642, %mul3A_643 : i32
      %add3A_645 = arith.addi %multiple_of3A_338, %mul3A_644 : i32
      %min3A_646 = arith.constant 9968 : i32
      %min3A_647 = arith.minsi %add3A_645, %min3A_646 : i32
      %multiple_of3A_648 = tpu.assume_multiple %min3A_647, 8 : i32
      %scan3A_649 = arith.constant 0 : i32
      %scan3A_650 = arith.constant 32 : i32
      %scan3A_651 = arith.addi %scan3A_649, %scan3A_650 : i32
      %scan3A_652 = arith.constant 1 : i32
      %scan3A_653:8 = scf.for %scan3A_661 = %scan3A_649 to %scan3A_651 step %scan3A_652 iter_args(%scan3A_662 = %scan3A_630#0, %scan3A_663 = %scan3A_630#1, %scan3A_664 = %scan3A_630#2, %scan3A_665 = %scan3A_630#3, %scan3A_666 = %scan3A_630#4, %scan3A_667 = %scan3A_630#5, %scan3A_668 = %scan3A_630#6, %scan3A_669 = %scan3A_630#7) -> (vector<16xf32>, vector<16xf32>, vector<16xf32>, vector<16xf32>, vector<16xf32>, vector<16xf32>, vector<16xf32>, vector<16xf32>)  : i32 {
        %add3A_670 = arith.addi %multiple_of3A_648, %scan3A_661 : i32
        %ge3A = arith.cmpi sge, %add3A_670, %reduce_sum3A_19 : i32
        %add3A_671 = arith.addi %multiple_of3A_648, %scan3A_661 : i32
        %lt3A_672 = arith.cmpi slt, %add3A_671, %reduce_sum3A_23 : i32
        %and3A_673 = arith.andi %ge3A, %lt3A_672 : i1
        %get3A = arith.index_cast %scan3A_661 : i32 to index
        %get3A_674 = arith.constant 0 : index
        %get3A_675 = tpu.vector_load %arg9[%get3A, %get3A_674] {strides = array<i32>} : memref<32x128xf32, #tpu.memory_space<vmem>>, vector<16xf32>,
        %max3A_676 = arith.maximumf %scan3A_662, %get3A_675 : vector<16xf32>
        %select_n3A_677 = arith.select %and3A_673, %max3A_676, %scan3A_662 : vector<16xf32>
        %get3A_678 = arith.index_cast %scan3A_661 : i32 to index
        %get3A_679 = arith.constant 16 : index
        %get3A_680 = tpu.vector_load %arg9[%get3A_678, %get3A_679] {strides = array<i32>} : memref<32x128xf32, #tpu.memory_space<vmem>>, vector<16xf32>,
        %max3A_681 = arith.maximumf %scan3A_663, %get3A_680 : vector<16xf32>
        %select_n3A_682 = arith.select %and3A_673, %max3A_681, %scan3A_663 : vector<16xf32>
        %get3A_683 = arith.index_cast %scan3A_661 : i32 to index
        %get3A_684 = arith.constant 32 : index
        %get3A_685 = tpu.vector_load %arg9[%get3A_683, %get3A_684] {strides = array<i32>} : memref<32x128xf32, #tpu.memory_space<vmem>>, vector<16xf32>,
        %max3A_686 = arith.maximumf %scan3A_664, %get3A_685 : vector<16xf32>
        %select_n3A_687 = arith.select %and3A_673, %max3A_686, %scan3A_664 : vector<16xf32>
        %get3A_688 = arith.index_cast %scan3A_661 : i32 to index
        %get3A_689 = arith.constant 48 : index
        %get3A_690 = tpu.vector_load %arg9[%get3A_688, %get3A_689] {strides = array<i32>} : memref<32x128xf32, #tpu.memory_space<vmem>>, vector<16xf32>,
        %max3A_691 = arith.maximumf %scan3A_665, %get3A_690 : vector<16xf32>
        %select_n3A_692 = arith.select %and3A_673, %max3A_691, %scan3A_665 : vector<16xf32>
        %get3A_693 = arith.index_cast %scan3A_661 : i32 to index
        %get3A_694 = arith.constant 64 : index
        %get3A_695 = tpu.vector_load %arg9[%get3A_693, %get3A_694] {strides = array<i32>} : memref<32x128xf32, #tpu.memory_space<vmem>>, vector<16xf32>,
        %max3A_696 = arith.maximumf %scan3A_666, %get3A_695 : vector<16xf32>
        %select_n3A_697 = arith.select %and3A_673, %max3A_696, %scan3A_666 : vector<16xf32>
        %get3A_698 = arith.index_cast %scan3A_661 : i32 to index
        %get3A_699 = arith.constant 80 : index
        %get3A_700 = tpu.vector_load %arg9[%get3A_698, %get3A_699] {strides = array<i32>} : memref<32x128xf32, #tpu.memory_space<vmem>>, vector<16xf32>,
        %max3A_701 = arith.maximumf %scan3A_667, %get3A_700 : vector<16xf32>
        %select_n3A_702 = arith.select %and3A_673, %max3A_701, %scan3A_667 : vector<16xf32>
        %get3A_703 = arith.index_cast %scan3A_661 : i32 to index
        %get3A_704 = arith.constant 96 : index
        %get3A_705 = tpu.vector_load %arg9[%get3A_703, %get3A_704] {strides = array<i32>} : memref<32x128xf32, #tpu.memory_space<vmem>>, vector<16xf32>,
        %max3A_706 = arith.maximumf %scan3A_668, %get3A_705 : vector<16xf32>
        %select_n3A_707 = arith.select %and3A_673, %max3A_706, %scan3A_668 : vector<16xf32>
        %get3A_708 = arith.index_cast %scan3A_661 : i32 to index
        %get3A_709 = arith.constant 112 : index
        %get3A_710 = tpu.vector_load %arg9[%get3A_708, %get3A_709] {strides = array<i32>} : memref<32x128xf32, #tpu.memory_space<vmem>>, vector<16xf32>,
        %max3A_711 = arith.maximumf %scan3A_669, %get3A_710 : vector<16xf32>
        %select_n3A_712 = arith.select %and3A_673, %max3A_711, %scan3A_669 : vector<16xf32>
        scf.yield %select_n3A_677, %select_n3A_682, %select_n3A_687, %select_n3A_692, %select_n3A_697, %select_n3A_702, %select_n3A_707, %select_n3A_712 : vector<16xf32>, vector<16xf32>, vector<16xf32>, vector<16xf32>, vector<16xf32>, vector<16xf32>, vector<16xf32>, vector<16xf32>
      }
      %scan3A_654 = arith.constant 32 : i32
      %add3A_655 = arith.constant 1 : i32
      %add3A_656 = arith.addi %while3A_604, %add3A_655 : i32
      %lt3A_657 = arith.cmpi slt, %add3A_656, %select_n3A_393 : i32
      %convert_element_type3A_658 = arith.extui %lt3A_657 : i1 to i32
      %cond3A_659 = arith.constant 0 : i32
      %cond3A_660 = arith.cmpi ne, %convert_element_type3A_658, %cond3A_659 : i32
      scf.if %cond3A_660 {
        %add3A_661 = arith.constant 3 : i32
        %add3A_662 = arith.addi %mul3A_614, %add3A_661 : i32
        %mul3A_663 = arith.constant 32 : i32
        %mul3A_664 = arith.muli %add3A_662, %mul3A_663 : i32
        %add3A_665 = arith.addi %multiple_of3A_338, %mul3A_664 : i32
        %min3A_666 = arith.constant 9968 : i32
        %min3A_667 = arith.minsi %add3A_665, %min3A_666 : i32
        %multiple_of3A_668 = tpu.assume_multiple %min3A_667, 8 : i32
        %dma_start3A_669 = arith.constant 0 : i32
        %dma_start3A_670 = tpu.memref_slice %arg2[%multiple_of3A_668, %dma_start3A_669] : memref<10000x128xf32, #tpu.memory_space<hbm>> -> memref<32x128xf32, #tpu.memory_space<hbm>>
        %dma_start3A_671 = arith.constant 0 : i32
        %dma_start3A_672 = tpu.memref_slice %arg2[%multiple_of3A_668, %dma_start3A_671] : memref<10000x128xf32, #tpu.memory_space<hbm>> -> memref<32x128xf32, #tpu.memory_space<hbm>>
        tpu.enqueue_dma source(%dma_start3A_672 : memref<32x128xf32, #tpu.memory_space<hbm>>) target(%arg9 : memref<32x128xf32, #tpu.memory_space<vmem>>) target_semaphore(%arg13 : memref<!tpu.dma_semaphore, #tpu.memory_space<semaphore_mem>>)
      } else {
      }
      scf.yield %scan3A_653#0, %scan3A_653#1, %scan3A_653#2, %scan3A_653#3, %scan3A_653#4, %scan3A_653#5, %scan3A_653#6, %scan3A_653#7 : vector<16xf32>, vector<16xf32>, vector<16xf32>, vector<16xf32>, vector<16xf32>, vector<16xf32>, vector<16xf32>, vector<16xf32>
    }
    %while3A_423 = arith.constant 1 : i32
    %while3A_424:8 = scf.for %while3A_604 = %while3A_420 to %while3A_416 step %while3A_423 iter_args(%while3A_605 = %while3A_422#0, %while3A_606 = %while3A_422#1, %while3A_607 = %while3A_422#2, %while3A_608 = %while3A_422#3, %while3A_609 = %while3A_422#4, %while3A_610 = %while3A_422#5, %while3A_611 = %while3A_422#6, %while3A_612 = %while3A_422#7) -> (vector<16xf32>, vector<16xf32>, vector<16xf32>, vector<16xf32>, vector<16xf32>, vector<16xf32>, vector<16xf32>, vector<16xf32>)  : i32 {
      %mul3A_613 = arith.constant 2 : i32
      %mul3A_614 = arith.muli %mul3A_613, %while3A_604 : i32
      %dma_wait3A = arith.constant 0 : i32
      %dma_wait3A_615 = arith.constant 0 : i32
      %dma_wait3A_616 = tpu.memref_slice %arg2[%dma_wait3A, %dma_wait3A_615] : memref<10000x128xf32, #tpu.memory_space<hbm>> -> memref<32x128xf32, #tpu.memory_space<hbm>>
      %dma_wait3A_617 = arith.constant 0 : i32
      %dma_wait3A_618 = arith.constant 0 : i32
      %dma_wait3A_619 = tpu.memref_slice %arg2[%dma_wait3A_617, %dma_wait3A_618] : memref<10000x128xf32, #tpu.memory_space<hbm>> -> memref<32x128xf32, #tpu.memory_space<hbm>>
      tpu.wait_dma2 semaphore(%arg12 : memref<!tpu.dma_semaphore, #tpu.memory_space<semaphore_mem>>) src(%dma_wait3A_619 : memref<32x128xf32, #tpu.memory_space<hbm>>) dst(%arg8 : memref<32x128xf32, #tpu.memory_space<vmem>>)
      %mul3A_620 = arith.constant 32 : i32
      %mul3A_621 = arith.muli %mul3A_614, %mul3A_620 : i32
      %add3A_622 = arith.addi %multiple_of3A_338, %mul3A_621 : i32
      %min3A_623 = arith.constant 9968 : i32
      %min3A_624 = arith.minsi %add3A_622, %min3A_623 : i32
      %multiple_of3A_625 = tpu.assume_multiple %min3A_624, 8 : i32
      %scan3A_626 = arith.constant 0 : i32
      %scan3A_627 = arith.constant 32 : i32
      %scan3A_628 = arith.addi %scan3A_626, %scan3A_627 : i32
      %scan3A_629 = arith.constant 1 : i32
      %scan3A_630:8 = scf.for %scan3A_661 = %scan3A_626 to %scan3A_628 step %scan3A_629 iter_args(%scan3A_662 = %while3A_605, %scan3A_663 = %while3A_606, %scan3A_664 = %while3A_607, %scan3A_665 = %while3A_608, %scan3A_666 = %while3A_609, %scan3A_667 = %while3A_610, %scan3A_668 = %while3A_611, %scan3A_669 = %while3A_612) -> (vector<16xf32>, vector<16xf32>, vector<16xf32>, vector<16xf32>, vector<16xf32>, vector<16xf32>, vector<16xf32>, vector<16xf32>)  : i32 {
        %add3A_670 = arith.addi %multiple_of3A_625, %scan3A_661 : i32
        %ge3A = arith.cmpi sge, %add3A_670, %reduce_sum3A_19 : i32
        %add3A_671 = arith.addi %multiple_of3A_625, %scan3A_661 : i32
        %lt3A_672 = arith.cmpi slt, %add3A_671, %reduce_sum3A_23 : i32
        %and3A_673 = arith.andi %ge3A, %lt3A_672 : i1
        %get3A = arith.index_cast %scan3A_661 : i32 to index
        %get3A_674 = arith.constant 0 : index
        %get3A_675 = tpu.vector_load %arg8[%get3A, %get3A_674] {strides = array<i32>} : memref<32x128xf32, #tpu.memory_space<vmem>>, vector<16xf32>,
        %max3A_676 = arith.maximumf %scan3A_662, %get3A_675 : vector<16xf32>
        %select_n3A_677 = arith.select %and3A_673, %max3A_676, %scan3A_662 : vector<16xf32>
        %get3A_678 = arith.index_cast %scan3A_661 : i32 to index
        %get3A_679 = arith.constant 16 : index
        %get3A_680 = tpu.vector_load %arg8[%get3A_678, %get3A_679] {strides = array<i32>} : memref<32x128xf32, #tpu.memory_space<vmem>>, vector<16xf32>,
        %max3A_681 = arith.maximumf %scan3A_663, %get3A_680 : vector<16xf32>
        %select_n3A_682 = arith.select %and3A_673, %max3A_681, %scan3A_663 : vector<16xf32>
        %get3A_683 = arith.index_cast %scan3A_661 : i32 to index
        %get3A_684 = arith.constant 32 : index
        %get3A_685 = tpu.vector_load %arg8[%get3A_683, %get3A_684] {strides = array<i32>} : memref<32x128xf32, #tpu.memory_space<vmem>>, vector<16xf32>,
        %max3A_686 = arith.maximumf %scan3A_664, %get3A_685 : vector<16xf32>
        %select_n3A_687 = arith.select %and3A_673, %max3A_686, %scan3A_664 : vector<16xf32>
        %get3A_688 = arith.index_cast %scan3A_661 : i32 to index
        %get3A_689 = arith.constant 48 : index
        %get3A_690 = tpu.vector_load %arg8[%get3A_688, %get3A_689] {strides = array<i32>} : memref<32x128xf32, #tpu.memory_space<vmem>>, vector<16xf32>,
        %max3A_691 = arith.maximumf %scan3A_665, %get3A_690 : vector<16xf32>
        %select_n3A_692 = arith.select %and3A_673, %max3A_691, %scan3A_665 : vector<16xf32>
        %get3A_693 = arith.index_cast %scan3A_661 : i32 to index
        %get3A_694 = arith.constant 64 : index
        %get3A_695 = tpu.vector_load %arg8[%get3A_693, %get3A_694] {strides = array<i32>} : memref<32x128xf32, #tpu.memory_space<vmem>>, vector<16xf32>,
        %max3A_696 = arith.maximumf %scan3A_666, %get3A_695 : vector<16xf32>
        %select_n3A_697 = arith.select %and3A_673, %max3A_696, %scan3A_666 : vector<16xf32>
        %get3A_698 = arith.index_cast %scan3A_661 : i32 to index
        %get3A_699 = arith.constant 80 : index
        %get3A_700 = tpu.vector_load %arg8[%get3A_698, %get3A_699] {strides = array<i32>} : memref<32x128xf32, #tpu.memory_space<vmem>>, vector<16xf32>,
        %max3A_701 = arith.maximumf %scan3A_667, %get3A_700 : vector<16xf32>
        %select_n3A_702 = arith.select %and3A_673, %max3A_701, %scan3A_667 : vector<16xf32>
        %get3A_703 = arith.index_cast %scan3A_661 : i32 to index
        %get3A_704 = arith.constant 96 : index
        %get3A_705 = tpu.vector_load %arg8[%get3A_703, %get3A_704] {strides = array<i32>} : memref<32x128xf32, #tpu.memory_space<vmem>>, vector<16xf32>,
        %max3A_706 = arith.maximumf %scan3A_668, %get3A_705 : vector<16xf32>
        %select_n3A_707 = arith.select %and3A_673, %max3A_706, %scan3A_668 : vector<16xf32>
        %get3A_708 = arith.index_cast %scan3A_661 : i32 to index
        %get3A_709 = arith.constant 112 : index
        %get3A_710 = tpu.vector_load %arg8[%get3A_708, %get3A_709] {strides = array<i32>} : memref<32x128xf32, #tpu.memory_space<vmem>>, vector<16xf32>,
        %max3A_711 = arith.maximumf %scan3A_669, %get3A_710 : vector<16xf32>
        %select_n3A_712 = arith.select %and3A_673, %max3A_711, %scan3A_669 : vector<16xf32>
        scf.yield %select_n3A_677, %select_n3A_682, %select_n3A_687, %select_n3A_692, %select_n3A_697, %select_n3A_702, %select_n3A_707, %select_n3A_712 : vector<16xf32>, vector<16xf32>, vector<16xf32>, vector<16xf32>, vector<16xf32>, vector<16xf32>, vector<16xf32>, vector<16xf32>
      }
      %scan3A_631 = arith.constant 32 : i32
      %add3A_632 = arith.constant 1 : i32
      %add3A_633 = arith.addi %while3A_604, %add3A_632 : i32
      %lt3A = arith.cmpi slt, %add3A_633, %select_n3A_393 : i32
      %convert_element_type3A = arith.extui %lt3A : i1 to i32
      %cond3A = arith.constant 0 : i32
      %cond3A_634 = arith.cmpi ne, %convert_element_type3A, %cond3A : i32
      scf.if %cond3A_634 {
        %add3A_661 = arith.constant 2 : i32
        %add3A_662 = arith.addi %mul3A_614, %add3A_661 : i32
        %mul3A_663 = arith.constant 32 : i32
        %mul3A_664 = arith.muli %add3A_662, %mul3A_663 : i32
        %add3A_665 = arith.addi %multiple_of3A_338, %mul3A_664 : i32
        %min3A_666 = arith.constant 9968 : i32
        %min3A_667 = arith.minsi %add3A_665, %min3A_666 : i32
        %multiple_of3A_668 = tpu.assume_multiple %min3A_667, 8 : i32
        %dma_start3A_669 = arith.constant 0 : i32
        %dma_start3A_670 = tpu.memref_slice %arg2[%multiple_of3A_668, %dma_start3A_669] : memref<10000x128xf32, #tpu.memory_space<hbm>> -> memref<32x128xf32, #tpu.memory_space<hbm>>
        %dma_start3A_671 = arith.constant 0 : i32
        %dma_start3A_672 = tpu.memref_slice %arg2[%multiple_of3A_668, %dma_start3A_671] : memref<10000x128xf32, #tpu.memory_space<hbm>> -> memref<32x128xf32, #tpu.memory_space<hbm>>
        tpu.enqueue_dma source(%dma_start3A_672 : memref<32x128xf32, #tpu.memory_space<hbm>>) target(%arg8 : memref<32x128xf32, #tpu.memory_space<vmem>>) target_semaphore(%arg12 : memref<!tpu.dma_semaphore, #tpu.memory_space<semaphore_mem>>)
      } else {
      }
      %dma_wait3A_635 = arith.constant 0 : i32
      %dma_wait3A_636 = arith.constant 0 : i32
      %dma_wait3A_637 = tpu.memref_slice %arg2[%dma_wait3A_635, %dma_wait3A_636] : memref<10000x128xf32, #tpu.memory_space<hbm>> -> memref<32x128xf32, #tpu.memory_space<hbm>>
      %dma_wait3A_638 = arith.constant 0 : i32
      %dma_wait3A_639 = arith.constant 0 : i32
      %dma_wait3A_640 = tpu.memref_slice %arg2[%dma_wait3A_638, %dma_wait3A_639] : memref<10000x128xf32, #tpu.memory_space<hbm>> -> memref<32x128xf32, #tpu.memory_space<hbm>>
      tpu.wait_dma2 semaphore(%arg13 : memref<!tpu.dma_semaphore, #tpu.memory_space<semaphore_mem>>) src(%dma_wait3A_640 : memref<32x128xf32, #tpu.memory_space<hbm>>) dst(%arg9 : memref<32x128xf32, #tpu.memory_space<vmem>>)
      %add3A_641 = arith.constant 1 : i32
      %add3A_642 = arith.addi %mul3A_614, %add3A_641 : i32
      %mul3A_643 = arith.constant 32 : i32
      %mul3A_644 = arith.muli %add3A_642, %mul3A_643 : i32
      %add3A_645 = arith.addi %multiple_of3A_338, %mul3A_644 : i32
      %min3A_646 = arith.constant 9968 : i32
      %min3A_647 = arith.minsi %add3A_645, %min3A_646 : i32
      %multiple_of3A_648 = tpu.assume_multiple %min3A_647, 8 : i32
      %scan3A_649 = arith.constant 0 : i32
      %scan3A_650 = arith.constant 32 : i32
      %scan3A_651 = arith.addi %scan3A_649, %scan3A_650 : i32
      %scan3A_652 = arith.constant 1 : i32
      %scan3A_653:8 = scf.for %scan3A_661 = %scan3A_649 to %scan3A_651 step %scan3A_652 iter_args(%scan3A_662 = %scan3A_630#0, %scan3A_663 = %scan3A_630#1, %scan3A_664 = %scan3A_630#2, %scan3A_665 = %scan3A_630#3, %scan3A_666 = %scan3A_630#4, %scan3A_667 = %scan3A_630#5, %scan3A_668 = %scan3A_630#6, %scan3A_669 = %scan3A_630#7) -> (vector<16xf32>, vector<16xf32>, vector<16xf32>, vector<16xf32>, vector<16xf32>, vector<16xf32>, vector<16xf32>, vector<16xf32>)  : i32 {
        %add3A_670 = arith.addi %multiple_of3A_648, %scan3A_661 : i32
        %ge3A = arith.cmpi sge, %add3A_670, %reduce_sum3A_19 : i32
        %add3A_671 = arith.addi %multiple_of3A_648, %scan3A_661 : i32
        %lt3A_672 = arith.cmpi slt, %add3A_671, %reduce_sum3A_23 : i32
        %and3A_673 = arith.andi %ge3A, %lt3A_672 : i1
        %get3A = arith.index_cast %scan3A_661 : i32 to index
        %get3A_674 = arith.constant 0 : index
        %get3A_675 = tpu.vector_load %arg9[%get3A, %get3A_674] {strides = array<i32>} : memref<32x128xf32, #tpu.memory_space<vmem>>, vector<16xf32>,
        %max3A_676 = arith.maximumf %scan3A_662, %get3A_675 : vector<16xf32>
        %select_n3A_677 = arith.select %and3A_673, %max3A_676, %scan3A_662 : vector<16xf32>
        %get3A_678 = arith.index_cast %scan3A_661 : i32 to index
        %get3A_679 = arith.constant 16 : index
        %get3A_680 = tpu.vector_load %arg9[%get3A_678, %get3A_679] {strides = array<i32>} : memref<32x128xf32, #tpu.memory_space<vmem>>, vector<16xf32>,
        %max3A_681 = arith.maximumf %scan3A_663, %get3A_680 : vector<16xf32>
        %select_n3A_682 = arith.select %and3A_673, %max3A_681, %scan3A_663 : vector<16xf32>
        %get3A_683 = arith.index_cast %scan3A_661 : i32 to index
        %get3A_684 = arith.constant 32 : index
        %get3A_685 = tpu.vector_load %arg9[%get3A_683, %get3A_684] {strides = array<i32>} : memref<32x128xf32, #tpu.memory_space<vmem>>, vector<16xf32>,
        %max3A_686 = arith.maximumf %scan3A_664, %get3A_685 : vector<16xf32>
        %select_n3A_687 = arith.select %and3A_673, %max3A_686, %scan3A_664 : vector<16xf32>
        %get3A_688 = arith.index_cast %scan3A_661 : i32 to index
        %get3A_689 = arith.constant 48 : index
        %get3A_690 = tpu.vector_load %arg9[%get3A_688, %get3A_689] {strides = array<i32>} : memref<32x128xf32, #tpu.memory_space<vmem>>, vector<16xf32>,
        %max3A_691 = arith.maximumf %scan3A_665, %get3A_690 : vector<16xf32>
        %select_n3A_692 = arith.select %and3A_673, %max3A_691, %scan3A_665 : vector<16xf32>
        %get3A_693 = arith.index_cast %scan3A_661 : i32 to index
        %get3A_694 = arith.constant 64 : index
        %get3A_695 = tpu.vector_load %arg9[%get3A_693, %get3A_694] {strides = array<i32>} : memref<32x128xf32, #tpu.memory_space<vmem>>, vector<16xf32>,
        %max3A_696 = arith.maximumf %scan3A_666, %get3A_695 : vector<16xf32>
        %select_n3A_697 = arith.select %and3A_673, %max3A_696, %scan3A_666 : vector<16xf32>
        %get3A_698 = arith.index_cast %scan3A_661 : i32 to index
        %get3A_699 = arith.constant 80 : index
        %get3A_700 = tpu.vector_load %arg9[%get3A_698, %get3A_699] {strides = array<i32>} : memref<32x128xf32, #tpu.memory_space<vmem>>, vector<16xf32>,
        %max3A_701 = arith.maximumf %scan3A_667, %get3A_700 : vector<16xf32>
        %select_n3A_702 = arith.select %and3A_673, %max3A_701, %scan3A_667 : vector<16xf32>
        %get3A_703 = arith.index_cast %scan3A_661 : i32 to index
        %get3A_704 = arith.constant 96 : index
        %get3A_705 = tpu.vector_load %arg9[%get3A_703, %get3A_704] {strides = array<i32>} : memref<32x128xf32, #tpu.memory_space<vmem>>, vector<16xf32>,
        %max3A_706 = arith.maximumf %scan3A_668, %get3A_705 : vector<16xf32>
        %select_n3A_707 = arith.select %and3A_673, %max3A_706, %scan3A_668 : vector<16xf32>
        %get3A_708 = arith.index_cast %scan3A_661 : i32 to index
        %get3A_709 = arith.constant 112 : index
        %get3A_710 = tpu.vector_load %arg9[%get3A_708, %get3A_709] {strides = array<i32>} : memref<32x128xf32, #tpu.memory_space<vmem>>, vector<16xf32>,
        %max3A_711 = arith.maximumf %scan3A_669, %get3A_710 : vector<16xf32>
        %select_n3A_712 = arith.select %and3A_673, %max3A_711, %scan3A_669 : vector<16xf32>
        scf.yield %select_n3A_677, %select_n3A_682, %select_n3A_687, %select_n3A_692, %select_n3A_697, %select_n3A_702, %select_n3A_707, %select_n3A_712 : vector<16xf32>, vector<16xf32>, vector<16xf32>, vector<16xf32>, vector<16xf32>, vector<16xf32>, vector<16xf32>, vector<16xf32>
      }
      %scan3A_654 = arith.constant 32 : i32
      %add3A_655 = arith.constant 1 : i32
      %add3A_656 = arith.addi %while3A_604, %add3A_655 : i32
      %lt3A_657 = arith.cmpi slt, %add3A_656, %select_n3A_393 : i32
      %convert_element_type3A_658 = arith.extui %lt3A_657 : i1 to i32
      %cond3A_659 = arith.constant 0 : i32
      %cond3A_660 = arith.cmpi ne, %convert_element_type3A_658, %cond3A_659 : i32
      scf.if %cond3A_660 {
        %add3A_661 = arith.constant 3 : i32
        %add3A_662 = arith.addi %mul3A_614, %add3A_661 : i32
        %mul3A_663 = arith.constant 32 : i32
        %mul3A_664 = arith.muli %add3A_662, %mul3A_663 : i32
        %add3A_665 = arith.addi %multiple_of3A_338, %mul3A_664 : i32
        %min3A_666 = arith.constant 9968 : i32
        %min3A_667 = arith.minsi %add3A_665, %min3A_666 : i32
        %multiple_of3A_668 = tpu.assume_multiple %min3A_667, 8 : i32
        %dma_start3A_669 = arith.constant 0 : i32
        %dma_start3A_670 = tpu.memref_slice %arg2[%multiple_of3A_668, %dma_start3A_669] : memref<10000x128xf32, #tpu.memory_space<hbm>> -> memref<32x128xf32, #tpu.memory_space<hbm>>
        %dma_start3A_671 = arith.constant 0 : i32
        %dma_start3A_672 = tpu.memref_slice %arg2[%multiple_of3A_668, %dma_start3A_671] : memref<10000x128xf32, #tpu.memory_space<hbm>> -> memref<32x128xf32, #tpu.memory_space<hbm>>
        tpu.enqueue_dma source(%dma_start3A_672 : memref<32x128xf32, #tpu.memory_space<hbm>>) target(%arg9 : memref<32x128xf32, #tpu.memory_space<vmem>>) target_semaphore(%arg13 : memref<!tpu.dma_semaphore, #tpu.memory_space<semaphore_mem>>)
      } else {
      }
      scf.yield %scan3A_653#0, %scan3A_653#1, %scan3A_653#2, %scan3A_653#3, %scan3A_653#4, %scan3A_653#5, %scan3A_653#6, %scan3A_653#7 : vector<16xf32>, vector<16xf32>, vector<16xf32>, vector<16xf32>, vector<16xf32>, vector<16xf32>, vector<16xf32>, vector<16xf32>
    }
    %swap3A_425 = arith.constant 2 : i32
    %swap3A_426 = arith.index_cast %swap3A_425 : i32 to index
    %swap3A_427 = arith.constant 0 : index
    %swap3A_428 = tpu.vector_load %arg10[%swap3A_426, %swap3A_427] {strides = array<i32>} : memref<4x128xf32, #tpu.memory_space<vmem>>, vector<16xf32>,
    tpu.vector_store %arg10[%swap3A_426, %swap3A_427], %while3A_424#0 {strides = array<i32>} : memref<4x128xf32, #tpu.memory_space<vmem>>, vector<16xf32>,
    %swap3A_429 = arith.constant 2 : i32
    %swap3A_430 = arith.index_cast %swap3A_429 : i32 to index
    %swap3A_431 = arith.constant 16 : index
    %swap3A_432 = tpu.vector_load %arg10[%swap3A_430, %swap3A_431] {strides = array<i32>} : memref<4x128xf32, #tpu.memory_space<vmem>>, vector<16xf32>,
    tpu.vector_store %arg10[%swap3A_430, %swap3A_431], %while3A_424#1 {strides = array<i32>} : memref<4x128xf32, #tpu.memory_space<vmem>>, vector<16xf32>,
    %swap3A_433 = arith.constant 2 : i32
    %swap3A_434 = arith.index_cast %swap3A_433 : i32 to index
    %swap3A_435 = arith.constant 32 : index
    %swap3A_436 = tpu.vector_load %arg10[%swap3A_434, %swap3A_435] {strides = array<i32>} : memref<4x128xf32, #tpu.memory_space<vmem>>, vector<16xf32>,
    tpu.vector_store %arg10[%swap3A_434, %swap3A_435], %while3A_424#2 {strides = array<i32>} : memref<4x128xf32, #tpu.memory_space<vmem>>, vector<16xf32>,
    %swap3A_437 = arith.constant 2 : i32
    %swap3A_438 = arith.index_cast %swap3A_437 : i32 to index
    %swap3A_439 = arith.constant 48 : index
    %swap3A_440 = tpu.vector_load %arg10[%swap3A_438, %swap3A_439] {strides = array<i32>} : memref<4x128xf32, #tpu.memory_space<vmem>>, vector<16xf32>,
    tpu.vector_store %arg10[%swap3A_438, %swap3A_439], %while3A_424#3 {strides = array<i32>} : memref<4x128xf32, #tpu.memory_space<vmem>>, vector<16xf32>,
    %swap3A_441 = arith.constant 2 : i32
    %swap3A_442 = arith.index_cast %swap3A_441 : i32 to index
    %swap3A_443 = arith.constant 64 : index
    %swap3A_444 = tpu.vector_load %arg10[%swap3A_442, %swap3A_443] {strides = array<i32>} : memref<4x128xf32, #tpu.memory_space<vmem>>, vector<16xf32>,
    tpu.vector_store %arg10[%swap3A_442, %swap3A_443], %while3A_424#4 {strides = array<i32>} : memref<4x128xf32, #tpu.memory_space<vmem>>, vector<16xf32>,
    %swap3A_445 = arith.constant 2 : i32
    %swap3A_446 = arith.index_cast %swap3A_445 : i32 to index
    %swap3A_447 = arith.constant 80 : index
    %swap3A_448 = tpu.vector_load %arg10[%swap3A_446, %swap3A_447] {strides = array<i32>} : memref<4x128xf32, #tpu.memory_space<vmem>>, vector<16xf32>,
    tpu.vector_store %arg10[%swap3A_446, %swap3A_447], %while3A_424#5 {strides = array<i32>} : memref<4x128xf32, #tpu.memory_space<vmem>>, vector<16xf32>,
    %swap3A_449 = arith.constant 2 : i32
    %swap3A_450 = arith.index_cast %swap3A_449 : i32 to index
    %swap3A_451 = arith.constant 96 : index
    %swap3A_452 = tpu.vector_load %arg10[%swap3A_450, %swap3A_451] {strides = array<i32>} : memref<4x128xf32, #tpu.memory_space<vmem>>, vector<16xf32>,
    tpu.vector_store %arg10[%swap3A_450, %swap3A_451], %while3A_424#6 {strides = array<i32>} : memref<4x128xf32, #tpu.memory_space<vmem>>, vector<16xf32>,
    %swap3A_453 = arith.constant 2 : i32
    %swap3A_454 = arith.index_cast %swap3A_453 : i32 to index
    %swap3A_455 = arith.constant 112 : index
    %swap3A_456 = tpu.vector_load %arg10[%swap3A_454, %swap3A_455] {strides = array<i32>} : memref<4x128xf32, #tpu.memory_space<vmem>>, vector<16xf32>,
    tpu.vector_store %arg10[%swap3A_454, %swap3A_455], %while3A_424#7 {strides = array<i32>} : memref<4x128xf32, #tpu.memory_space<vmem>>, vector<16xf32>,
    %add3A_457 = arith.constant 3 : i32
    %add3A_458 = arith.addi %mul3A_2, %add3A_457 : i32
    %jit3A_459 = arith.constant 8 : i32
    %div3A_460 = arith.divsi %reduce_sum3A_23, %jit3A_459 : i32
    %sign3A_461 = arith.constant 0 : i32
    %sign3A_462 = arith.cmpi sgt, %reduce_sum3A_23, %sign3A_461 : i32
    %sign3A_463 = arith.extui %sign3A_462 : i1 to i32
    %sign3A_464 = arith.constant 0 : i32
    %sign3A_465 = arith.cmpi slt, %reduce_sum3A_23, %sign3A_464 : i32
    %sign3A_466 = arith.extui %sign3A_465 : i1 to i32
    %sign3A_467 = arith.subi %sign3A_463, %sign3A_466 : i32
    %sign3A_468 = arith.constant 0 : i32
    %sign3A_469 = arith.cmpi sgt, %jit3A_459, %sign3A_468 : i32
    %sign3A_470 = arith.extui %sign3A_469 : i1 to i32
    %sign3A_471 = arith.constant 0 : i32
    %sign3A_472 = arith.cmpi slt, %jit3A_459, %sign3A_471 : i32
    %sign3A_473 = arith.extui %sign3A_472 : i1 to i32
    %sign3A_474 = arith.subi %sign3A_470, %sign3A_473 : i32
    %ne3A_475 = arith.cmpi ne, %sign3A_467, %sign3A_474 : i32
    %rem3A_476 = arith.remsi %reduce_sum3A_23, %jit3A_459 : i32
    %ne3A_477 = arith.constant 0 : i32
    %ne3A_478 = arith.cmpi ne, %rem3A_476, %ne3A_477 : i32
    %and3A_479 = arith.andi %ne3A_475, %ne3A_478 : i1
    %sub3A_480 = arith.constant 1 : i32
    %sub3A_481 = arith.subi %div3A_460, %sub3A_480 : i32
    %select_n3A_482 = arith.select %and3A_479, %sub3A_481, %div3A_460 : i32
    %mul3A_483 = arith.constant 8 : i32
    %mul3A_484 = arith.muli %select_n3A_482, %mul3A_483 : i32
    %multiple_of3A_485 = tpu.assume_multiple %mul3A_484, 8 : i32
    %sub3A_486 = arith.subi %reduce_sum3A_27, %multiple_of3A_485 : i32
    %add3A_487 = arith.constant 32 : i32
    %add3A_488 = arith.addi %sub3A_486, %add3A_487 : i32
    %sub3A_489 = arith.constant 1 : i32
    %sub3A_490 = arith.subi %add3A_488, %sub3A_489 : i32
    %jit3A_491 = arith.constant 32 : i32
    %div3A_492 = arith.divsi %sub3A_490, %jit3A_491 : i32
    %sign3A_493 = arith.constant 0 : i32
    %sign3A_494 = arith.cmpi sgt, %sub3A_490, %sign3A_493 : i32
    %sign3A_495 = arith.extui %sign3A_494 : i1 to i32
    %sign3A_496 = arith.constant 0 : i32
    %sign3A_497 = arith.cmpi slt, %sub3A_490, %sign3A_496 : i32
    %sign3A_498 = arith.extui %sign3A_497 : i1 to i32
    %sign3A_499 = arith.subi %sign3A_495, %sign3A_498 : i32
    %sign3A_500 = arith.constant 0 : i32
    %sign3A_501 = arith.cmpi sgt, %jit3A_491, %sign3A_500 : i32
    %sign3A_502 = arith.extui %sign3A_501 : i1 to i32
    %sign3A_503 = arith.constant 0 : i32
    %sign3A_504 = arith.cmpi slt, %jit3A_491, %sign3A_503 : i32
    %sign3A_505 = arith.extui %sign3A_504 : i1 to i32
    %sign3A_506 = arith.subi %sign3A_502, %sign3A_505 : i32
    %ne3A_507 = arith.cmpi ne, %sign3A_499, %sign3A_506 : i32
    %rem3A_508 = arith.remsi %sub3A_490, %jit3A_491 : i32
    %ne3A_509 = arith.constant 0 : i32
    %ne3A_510 = arith.cmpi ne, %rem3A_508, %ne3A_509 : i32
    %and3A_511 = arith.andi %ne3A_507, %ne3A_510 : i1
    %sub3A_512 = arith.constant 1 : i32
    %sub3A_513 = arith.subi %div3A_492, %sub3A_512 : i32
    %select_n3A_514 = arith.select %and3A_511, %sub3A_513, %div3A_492 : i32
    %add3A_515 = arith.constant 1 : i32
    %add3A_516 = arith.addi %select_n3A_514, %add3A_515 : i32
    %jit3A_517 = arith.constant 2 : i32
    %div3A_518 = arith.divsi %add3A_516, %jit3A_517 : i32
    %sign3A_519 = arith.constant 0 : i32
    %sign3A_520 = arith.cmpi sgt, %add3A_516, %sign3A_519 : i32
    %sign3A_521 = arith.extui %sign3A_520 : i1 to i32
    %sign3A_522 = arith.constant 0 : i32
    %sign3A_523 = arith.cmpi slt, %add3A_516, %sign3A_522 : i32
    %sign3A_524 = arith.extui %sign3A_523 : i1 to i32
    %sign3A_525 = arith.subi %sign3A_521, %sign3A_524 : i32
    %sign3A_526 = arith.constant 0 : i32
    %sign3A_527 = arith.cmpi sgt, %jit3A_517, %sign3A_526 : i32
    %sign3A_528 = arith.extui %sign3A_527 : i1 to i32
    %sign3A_529 = arith.constant 0 : i32
    %sign3A_530 = arith.cmpi slt, %jit3A_517, %sign3A_529 : i32
    %sign3A_531 = arith.extui %sign3A_530 : i1 to i32
    %sign3A_532 = arith.subi %sign3A_528, %sign3A_531 : i32
    %ne3A_533 = arith.cmpi ne, %sign3A_525, %sign3A_532 : i32
    %rem3A_534 = arith.remsi %add3A_516, %jit3A_517 : i32
    %ne3A_535 = arith.constant 0 : i32
    %ne3A_536 = arith.cmpi ne, %rem3A_534, %ne3A_535 : i32
    %and3A_537 = arith.andi %ne3A_533, %ne3A_536 : i1
    %sub3A_538 = arith.constant 1 : i32
    %sub3A_539 = arith.subi %div3A_518, %sub3A_538 : i32
    %select_n3A_540 = arith.select %and3A_537, %sub3A_539, %div3A_518 : i32
    %add3A_541 = arith.constant 0 : i32
    %add3A_542 = arith.addi %multiple_of3A_485, %add3A_541 : i32
    %min3A_543 = arith.constant 9968 : i32
    %min3A_544 = arith.minsi %add3A_542, %min3A_543 : i32
    %multiple_of3A_545 = tpu.assume_multiple %min3A_544, 8 : i32
    %dma_start3A_546 = arith.constant 0 : i32
    %dma_start3A_547 = tpu.memref_slice %arg2[%multiple_of3A_545, %dma_start3A_546] : memref<10000x128xf32, #tpu.memory_space<hbm>> -> memref<32x128xf32, #tpu.memory_space<hbm>>
    %dma_start3A_548 = arith.constant 0 : i32
    %dma_start3A_549 = tpu.memref_slice %arg2[%multiple_of3A_545, %dma_start3A_548] : memref<10000x128xf32, #tpu.memory_space<hbm>> -> memref<32x128xf32, #tpu.memory_space<hbm>>
    tpu.enqueue_dma source(%dma_start3A_549 : memref<32x128xf32, #tpu.memory_space<hbm>>) target(%arg8 : memref<32x128xf32, #tpu.memory_space<vmem>>) target_semaphore(%arg12 : memref<!tpu.dma_semaphore, #tpu.memory_space<semaphore_mem>>)
    %add3A_550 = arith.constant 32 : i32
    %add3A_551 = arith.addi %multiple_of3A_485, %add3A_550 : i32
    %min3A_552 = arith.constant 9968 : i32
    %min3A_553 = arith.minsi %add3A_551, %min3A_552 : i32
    %multiple_of3A_554 = tpu.assume_multiple %min3A_553, 8 : i32
    %dma_start3A_555 = arith.constant 0 : i32
    %dma_start3A_556 = tpu.memref_slice %arg2[%multiple_of3A_554, %dma_start3A_555] : memref<10000x128xf32, #tpu.memory_space<hbm>> -> memref<32x128xf32, #tpu.memory_space<hbm>>
    %dma_start3A_557 = arith.constant 0 : i32
    %dma_start3A_558 = tpu.memref_slice %arg2[%multiple_of3A_554, %dma_start3A_557] : memref<10000x128xf32, #tpu.memory_space<hbm>> -> memref<32x128xf32, #tpu.memory_space<hbm>>
    tpu.enqueue_dma source(%dma_start3A_558 : memref<32x128xf32, #tpu.memory_space<hbm>>) target(%arg9 : memref<32x128xf32, #tpu.memory_space<vmem>>) target_semaphore(%arg13 : memref<!tpu.dma_semaphore, #tpu.memory_space<semaphore_mem>>)
    %max3A_559 = arith.constant 1 : i32
    %max3A_560 = arith.maxsi %select_n3A_540, %max3A_559 : i32
    %while3A_561 = arith.constant 0 : i32
    %while3A_562 = arith.subi %max3A_560, %while3A_561 : i32
    %while3A_563 = arith.addi %while3A_561, %while3A_562 : i32
    %while3A_564 = arith.constant 1 : i32
    %while3A_565 = arith.divsi %while3A_562, %while3A_564 : i32
    %while3A_566 = arith.muli %while3A_565, %while3A_564 : i32
    %while3A_567 = arith.addi %while3A_561, %while3A_566 : i32
    %while3A_568 = arith.constant 1 : i32
    %while3A_569:8 = scf.for %while3A_604 = %while3A_561 to %while3A_567 step %while3A_568 iter_args(%while3A_605 = %broadcast_in_dim3A_29, %while3A_606 = %broadcast_in_dim3A_29, %while3A_607 = %broadcast_in_dim3A_29, %while3A_608 = %broadcast_in_dim3A_29, %while3A_609 = %broadcast_in_dim3A_29, %while3A_610 = %broadcast_in_dim3A_29, %while3A_611 = %broadcast_in_dim3A_29, %while3A_612 = %broadcast_in_dim3A_29) -> (vector<16xf32>, vector<16xf32>, vector<16xf32>, vector<16xf32>, vector<16xf32>, vector<16xf32>, vector<16xf32>, vector<16xf32>)  : i32 {
      %mul3A_613 = arith.constant 2 : i32
      %mul3A_614 = arith.muli %mul3A_613, %while3A_604 : i32
      %dma_wait3A = arith.constant 0 : i32
      %dma_wait3A_615 = arith.constant 0 : i32
      %dma_wait3A_616 = tpu.memref_slice %arg2[%dma_wait3A, %dma_wait3A_615] : memref<10000x128xf32, #tpu.memory_space<hbm>> -> memref<32x128xf32, #tpu.memory_space<hbm>>
      %dma_wait3A_617 = arith.constant 0 : i32
      %dma_wait3A_618 = arith.constant 0 : i32
      %dma_wait3A_619 = tpu.memref_slice %arg2[%dma_wait3A_617, %dma_wait3A_618] : memref<10000x128xf32, #tpu.memory_space<hbm>> -> memref<32x128xf32, #tpu.memory_space<hbm>>
      tpu.wait_dma2 semaphore(%arg12 : memref<!tpu.dma_semaphore, #tpu.memory_space<semaphore_mem>>) src(%dma_wait3A_619 : memref<32x128xf32, #tpu.memory_space<hbm>>) dst(%arg8 : memref<32x128xf32, #tpu.memory_space<vmem>>)
      %mul3A_620 = arith.constant 32 : i32
      %mul3A_621 = arith.muli %mul3A_614, %mul3A_620 : i32
      %add3A_622 = arith.addi %multiple_of3A_485, %mul3A_621 : i32
      %min3A_623 = arith.constant 9968 : i32
      %min3A_624 = arith.minsi %add3A_622, %min3A_623 : i32
      %multiple_of3A_625 = tpu.assume_multiple %min3A_624, 8 : i32
      %scan3A_626 = arith.constant 0 : i32
      %scan3A_627 = arith.constant 32 : i32
      %scan3A_628 = arith.addi %scan3A_626, %scan3A_627 : i32
      %scan3A_629 = arith.constant 1 : i32
      %scan3A_630:8 = scf.for %scan3A_661 = %scan3A_626 to %scan3A_628 step %scan3A_629 iter_args(%scan3A_662 = %while3A_605, %scan3A_663 = %while3A_606, %scan3A_664 = %while3A_607, %scan3A_665 = %while3A_608, %scan3A_666 = %while3A_609, %scan3A_667 = %while3A_610, %scan3A_668 = %while3A_611, %scan3A_669 = %while3A_612) -> (vector<16xf32>, vector<16xf32>, vector<16xf32>, vector<16xf32>, vector<16xf32>, vector<16xf32>, vector<16xf32>, vector<16xf32>)  : i32 {
        %add3A_670 = arith.addi %multiple_of3A_625, %scan3A_661 : i32
        %ge3A = arith.cmpi sge, %add3A_670, %reduce_sum3A_23 : i32
        %add3A_671 = arith.addi %multiple_of3A_625, %scan3A_661 : i32
        %lt3A_672 = arith.cmpi slt, %add3A_671, %reduce_sum3A_27 : i32
        %and3A_673 = arith.andi %ge3A, %lt3A_672 : i1
        %get3A = arith.index_cast %scan3A_661 : i32 to index
        %get3A_674 = arith.constant 0 : index
        %get3A_675 = tpu.vector_load %arg8[%get3A, %get3A_674] {strides = array<i32>} : memref<32x128xf32, #tpu.memory_space<vmem>>, vector<16xf32>,
        %max3A_676 = arith.maximumf %scan3A_662, %get3A_675 : vector<16xf32>
        %select_n3A_677 = arith.select %and3A_673, %max3A_676, %scan3A_662 : vector<16xf32>
        %get3A_678 = arith.index_cast %scan3A_661 : i32 to index
        %get3A_679 = arith.constant 16 : index
        %get3A_680 = tpu.vector_load %arg8[%get3A_678, %get3A_679] {strides = array<i32>} : memref<32x128xf32, #tpu.memory_space<vmem>>, vector<16xf32>,
        %max3A_681 = arith.maximumf %scan3A_663, %get3A_680 : vector<16xf32>
        %select_n3A_682 = arith.select %and3A_673, %max3A_681, %scan3A_663 : vector<16xf32>
        %get3A_683 = arith.index_cast %scan3A_661 : i32 to index
        %get3A_684 = arith.constant 32 : index
        %get3A_685 = tpu.vector_load %arg8[%get3A_683, %get3A_684] {strides = array<i32>} : memref<32x128xf32, #tpu.memory_space<vmem>>, vector<16xf32>,
        %max3A_686 = arith.maximumf %scan3A_664, %get3A_685 : vector<16xf32>
        %select_n3A_687 = arith.select %and3A_673, %max3A_686, %scan3A_664 : vector<16xf32>
        %get3A_688 = arith.index_cast %scan3A_661 : i32 to index
        %get3A_689 = arith.constant 48 : index
        %get3A_690 = tpu.vector_load %arg8[%get3A_688, %get3A_689] {strides = array<i32>} : memref<32x128xf32, #tpu.memory_space<vmem>>, vector<16xf32>,
        %max3A_691 = arith.maximumf %scan3A_665, %get3A_690 : vector<16xf32>
        %select_n3A_692 = arith.select %and3A_673, %max3A_691, %scan3A_665 : vector<16xf32>
        %get3A_693 = arith.index_cast %scan3A_661 : i32 to index
        %get3A_694 = arith.constant 64 : index
        %get3A_695 = tpu.vector_load %arg8[%get3A_693, %get3A_694] {strides = array<i32>} : memref<32x128xf32, #tpu.memory_space<vmem>>, vector<16xf32>,
        %max3A_696 = arith.maximumf %scan3A_666, %get3A_695 : vector<16xf32>
        %select_n3A_697 = arith.select %and3A_673, %max3A_696, %scan3A_666 : vector<16xf32>
        %get3A_698 = arith.index_cast %scan3A_661 : i32 to index
        %get3A_699 = arith.constant 80 : index
        %get3A_700 = tpu.vector_load %arg8[%get3A_698, %get3A_699] {strides = array<i32>} : memref<32x128xf32, #tpu.memory_space<vmem>>, vector<16xf32>,
        %max3A_701 = arith.maximumf %scan3A_667, %get3A_700 : vector<16xf32>
        %select_n3A_702 = arith.select %and3A_673, %max3A_701, %scan3A_667 : vector<16xf32>
        %get3A_703 = arith.index_cast %scan3A_661 : i32 to index
        %get3A_704 = arith.constant 96 : index
        %get3A_705 = tpu.vector_load %arg8[%get3A_703, %get3A_704] {strides = array<i32>} : memref<32x128xf32, #tpu.memory_space<vmem>>, vector<16xf32>,
        %max3A_706 = arith.maximumf %scan3A_668, %get3A_705 : vector<16xf32>
        %select_n3A_707 = arith.select %and3A_673, %max3A_706, %scan3A_668 : vector<16xf32>
        %get3A_708 = arith.index_cast %scan3A_661 : i32 to index
        %get3A_709 = arith.constant 112 : index
        %get3A_710 = tpu.vector_load %arg8[%get3A_708, %get3A_709] {strides = array<i32>} : memref<32x128xf32, #tpu.memory_space<vmem>>, vector<16xf32>,
        %max3A_711 = arith.maximumf %scan3A_669, %get3A_710 : vector<16xf32>
        %select_n3A_712 = arith.select %and3A_673, %max3A_711, %scan3A_669 : vector<16xf32>
        scf.yield %select_n3A_677, %select_n3A_682, %select_n3A_687, %select_n3A_692, %select_n3A_697, %select_n3A_702, %select_n3A_707, %select_n3A_712 : vector<16xf32>, vector<16xf32>, vector<16xf32>, vector<16xf32>, vector<16xf32>, vector<16xf32>, vector<16xf32>, vector<16xf32>
      }
      %scan3A_631 = arith.constant 32 : i32
      %add3A_632 = arith.constant 1 : i32
      %add3A_633 = arith.addi %while3A_604, %add3A_632 : i32
      %lt3A = arith.cmpi slt, %add3A_633, %select_n3A_540 : i32
      %convert_element_type3A = arith.extui %lt3A : i1 to i32
      %cond3A = arith.constant 0 : i32
      %cond3A_634 = arith.cmpi ne, %convert_element_type3A, %cond3A : i32
      scf.if %cond3A_634 {
        %add3A_661 = arith.constant 2 : i32
        %add3A_662 = arith.addi %mul3A_614, %add3A_661 : i32
        %mul3A_663 = arith.constant 32 : i32
        %mul3A_664 = arith.muli %add3A_662, %mul3A_663 : i32
        %add3A_665 = arith.addi %multiple_of3A_485, %mul3A_664 : i32
        %min3A_666 = arith.constant 9968 : i32
        %min3A_667 = arith.minsi %add3A_665, %min3A_666 : i32
        %multiple_of3A_668 = tpu.assume_multiple %min3A_667, 8 : i32
        %dma_start3A_669 = arith.constant 0 : i32
        %dma_start3A_670 = tpu.memref_slice %arg2[%multiple_of3A_668, %dma_start3A_669] : memref<10000x128xf32, #tpu.memory_space<hbm>> -> memref<32x128xf32, #tpu.memory_space<hbm>>
        %dma_start3A_671 = arith.constant 0 : i32
        %dma_start3A_672 = tpu.memref_slice %arg2[%multiple_of3A_668, %dma_start3A_671] : memref<10000x128xf32, #tpu.memory_space<hbm>> -> memref<32x128xf32, #tpu.memory_space<hbm>>
        tpu.enqueue_dma source(%dma_start3A_672 : memref<32x128xf32, #tpu.memory_space<hbm>>) target(%arg8 : memref<32x128xf32, #tpu.memory_space<vmem>>) target_semaphore(%arg12 : memref<!tpu.dma_semaphore, #tpu.memory_space<semaphore_mem>>)
      } else {
      }
      %dma_wait3A_635 = arith.constant 0 : i32
      %dma_wait3A_636 = arith.constant 0 : i32
      %dma_wait3A_637 = tpu.memref_slice %arg2[%dma_wait3A_635, %dma_wait3A_636] : memref<10000x128xf32, #tpu.memory_space<hbm>> -> memref<32x128xf32, #tpu.memory_space<hbm>>
      %dma_wait3A_638 = arith.constant 0 : i32
      %dma_wait3A_639 = arith.constant 0 : i32
      %dma_wait3A_640 = tpu.memref_slice %arg2[%dma_wait3A_638, %dma_wait3A_639] : memref<10000x128xf32, #tpu.memory_space<hbm>> -> memref<32x128xf32, #tpu.memory_space<hbm>>
      tpu.wait_dma2 semaphore(%arg13 : memref<!tpu.dma_semaphore, #tpu.memory_space<semaphore_mem>>) src(%dma_wait3A_640 : memref<32x128xf32, #tpu.memory_space<hbm>>) dst(%arg9 : memref<32x128xf32, #tpu.memory_space<vmem>>)
      %add3A_641 = arith.constant 1 : i32
      %add3A_642 = arith.addi %mul3A_614, %add3A_641 : i32
      %mul3A_643 = arith.constant 32 : i32
      %mul3A_644 = arith.muli %add3A_642, %mul3A_643 : i32
      %add3A_645 = arith.addi %multiple_of3A_485, %mul3A_644 : i32
      %min3A_646 = arith.constant 9968 : i32
      %min3A_647 = arith.minsi %add3A_645, %min3A_646 : i32
      %multiple_of3A_648 = tpu.assume_multiple %min3A_647, 8 : i32
      %scan3A_649 = arith.constant 0 : i32
      %scan3A_650 = arith.constant 32 : i32
      %scan3A_651 = arith.addi %scan3A_649, %scan3A_650 : i32
      %scan3A_652 = arith.constant 1 : i32
      %scan3A_653:8 = scf.for %scan3A_661 = %scan3A_649 to %scan3A_651 step %scan3A_652 iter_args(%scan3A_662 = %scan3A_630#0, %scan3A_663 = %scan3A_630#1, %scan3A_664 = %scan3A_630#2, %scan3A_665 = %scan3A_630#3, %scan3A_666 = %scan3A_630#4, %scan3A_667 = %scan3A_630#5, %scan3A_668 = %scan3A_630#6, %scan3A_669 = %scan3A_630#7) -> (vector<16xf32>, vector<16xf32>, vector<16xf32>, vector<16xf32>, vector<16xf32>, vector<16xf32>, vector<16xf32>, vector<16xf32>)  : i32 {
        %add3A_670 = arith.addi %multiple_of3A_648, %scan3A_661 : i32
        %ge3A = arith.cmpi sge, %add3A_670, %reduce_sum3A_23 : i32
        %add3A_671 = arith.addi %multiple_of3A_648, %scan3A_661 : i32
        %lt3A_672 = arith.cmpi slt, %add3A_671, %reduce_sum3A_27 : i32
        %and3A_673 = arith.andi %ge3A, %lt3A_672 : i1
        %get3A = arith.index_cast %scan3A_661 : i32 to index
        %get3A_674 = arith.constant 0 : index
        %get3A_675 = tpu.vector_load %arg9[%get3A, %get3A_674] {strides = array<i32>} : memref<32x128xf32, #tpu.memory_space<vmem>>, vector<16xf32>,
        %max3A_676 = arith.maximumf %scan3A_662, %get3A_675 : vector<16xf32>
        %select_n3A_677 = arith.select %and3A_673, %max3A_676, %scan3A_662 : vector<16xf32>
        %get3A_678 = arith.index_cast %scan3A_661 : i32 to index
        %get3A_679 = arith.constant 16 : index
        %get3A_680 = tpu.vector_load %arg9[%get3A_678, %get3A_679] {strides = array<i32>} : memref<32x128xf32, #tpu.memory_space<vmem>>, vector<16xf32>,
        %max3A_681 = arith.maximumf %scan3A_663, %get3A_680 : vector<16xf32>
        %select_n3A_682 = arith.select %and3A_673, %max3A_681, %scan3A_663 : vector<16xf32>
        %get3A_683 = arith.index_cast %scan3A_661 : i32 to index
        %get3A_684 = arith.constant 32 : index
        %get3A_685 = tpu.vector_load %arg9[%get3A_683, %get3A_684] {strides = array<i32>} : memref<32x128xf32, #tpu.memory_space<vmem>>, vector<16xf32>,
        %max3A_686 = arith.maximumf %scan3A_664, %get3A_685 : vector<16xf32>
        %select_n3A_687 = arith.select %and3A_673, %max3A_686, %scan3A_664 : vector<16xf32>
        %get3A_688 = arith.index_cast %scan3A_661 : i32 to index
        %get3A_689 = arith.constant 48 : index
        %get3A_690 = tpu.vector_load %arg9[%get3A_688, %get3A_689] {strides = array<i32>} : memref<32x128xf32, #tpu.memory_space<vmem>>, vector<16xf32>,
        %max3A_691 = arith.maximumf %scan3A_665, %get3A_690 : vector<16xf32>
        %select_n3A_692 = arith.select %and3A_673, %max3A_691, %scan3A_665 : vector<16xf32>
        %get3A_693 = arith.index_cast %scan3A_661 : i32 to index
        %get3A_694 = arith.constant 64 : index
        %get3A_695 = tpu.vector_load %arg9[%get3A_693, %get3A_694] {strides = array<i32>} : memref<32x128xf32, #tpu.memory_space<vmem>>, vector<16xf32>,
        %max3A_696 = arith.maximumf %scan3A_666, %get3A_695 : vector<16xf32>
        %select_n3A_697 = arith.select %and3A_673, %max3A_696, %scan3A_666 : vector<16xf32>
        %get3A_698 = arith.index_cast %scan3A_661 : i32 to index
        %get3A_699 = arith.constant 80 : index
        %get3A_700 = tpu.vector_load %arg9[%get3A_698, %get3A_699] {strides = array<i32>} : memref<32x128xf32, #tpu.memory_space<vmem>>, vector<16xf32>,
        %max3A_701 = arith.maximumf %scan3A_667, %get3A_700 : vector<16xf32>
        %select_n3A_702 = arith.select %and3A_673, %max3A_701, %scan3A_667 : vector<16xf32>
        %get3A_703 = arith.index_cast %scan3A_661 : i32 to index
        %get3A_704 = arith.constant 96 : index
        %get3A_705 = tpu.vector_load %arg9[%get3A_703, %get3A_704] {strides = array<i32>} : memref<32x128xf32, #tpu.memory_space<vmem>>, vector<16xf32>,
        %max3A_706 = arith.maximumf %scan3A_668, %get3A_705 : vector<16xf32>
        %select_n3A_707 = arith.select %and3A_673, %max3A_706, %scan3A_668 : vector<16xf32>
        %get3A_708 = arith.index_cast %scan3A_661 : i32 to index
        %get3A_709 = arith.constant 112 : index
        %get3A_710 = tpu.vector_load %arg9[%get3A_708, %get3A_709] {strides = array<i32>} : memref<32x128xf32, #tpu.memory_space<vmem>>, vector<16xf32>,
        %max3A_711 = arith.maximumf %scan3A_669, %get3A_710 : vector<16xf32>
        %select_n3A_712 = arith.select %and3A_673, %max3A_711, %scan3A_669 : vector<16xf32>
        scf.yield %select_n3A_677, %select_n3A_682, %select_n3A_687, %select_n3A_692, %select_n3A_697, %select_n3A_702, %select_n3A_707, %select_n3A_712 : vector<16xf32>, vector<16xf32>, vector<16xf32>, vector<16xf32>, vector<16xf32>, vector<16xf32>, vector<16xf32>, vector<16xf32>
      }
      %scan3A_654 = arith.constant 32 : i32
      %add3A_655 = arith.constant 1 : i32
      %add3A_656 = arith.addi %while3A_604, %add3A_655 : i32
      %lt3A_657 = arith.cmpi slt, %add3A_656, %select_n3A_540 : i32
      %convert_element_type3A_658 = arith.extui %lt3A_657 : i1 to i32
      %cond3A_659 = arith.constant 0 : i32
      %cond3A_660 = arith.cmpi ne, %convert_element_type3A_658, %cond3A_659 : i32
      scf.if %cond3A_660 {
        %add3A_661 = arith.constant 3 : i32
        %add3A_662 = arith.addi %mul3A_614, %add3A_661 : i32
        %mul3A_663 = arith.constant 32 : i32
        %mul3A_664 = arith.muli %add3A_662, %mul3A_663 : i32
        %add3A_665 = arith.addi %multiple_of3A_485, %mul3A_664 : i32
        %min3A_666 = arith.constant 9968 : i32
        %min3A_667 = arith.minsi %add3A_665, %min3A_666 : i32
        %multiple_of3A_668 = tpu.assume_multiple %min3A_667, 8 : i32
        %dma_start3A_669 = arith.constant 0 : i32
        %dma_start3A_670 = tpu.memref_slice %arg2[%multiple_of3A_668, %dma_start3A_669] : memref<10000x128xf32, #tpu.memory_space<hbm>> -> memref<32x128xf32, #tpu.memory_space<hbm>>
        %dma_start3A_671 = arith.constant 0 : i32
        %dma_start3A_672 = tpu.memref_slice %arg2[%multiple_of3A_668, %dma_start3A_671] : memref<10000x128xf32, #tpu.memory_space<hbm>> -> memref<32x128xf32, #tpu.memory_space<hbm>>
        tpu.enqueue_dma source(%dma_start3A_672 : memref<32x128xf32, #tpu.memory_space<hbm>>) target(%arg9 : memref<32x128xf32, #tpu.memory_space<vmem>>) target_semaphore(%arg13 : memref<!tpu.dma_semaphore, #tpu.memory_space<semaphore_mem>>)
      } else {
      }
      scf.yield %scan3A_653#0, %scan3A_653#1, %scan3A_653#2, %scan3A_653#3, %scan3A_653#4, %scan3A_653#5, %scan3A_653#6, %scan3A_653#7 : vector<16xf32>, vector<16xf32>, vector<16xf32>, vector<16xf32>, vector<16xf32>, vector<16xf32>, vector<16xf32>, vector<16xf32>
    }
    %while3A_570 = arith.constant 1 : i32
    %while3A_571:8 = scf.for %while3A_604 = %while3A_567 to %while3A_563 step %while3A_570 iter_args(%while3A_605 = %while3A_569#0, %while3A_606 = %while3A_569#1, %while3A_607 = %while3A_569#2, %while3A_608 = %while3A_569#3, %while3A_609 = %while3A_569#4, %while3A_610 = %while3A_569#5, %while3A_611 = %while3A_569#6, %while3A_612 = %while3A_569#7) -> (vector<16xf32>, vector<16xf32>, vector<16xf32>, vector<16xf32>, vector<16xf32>, vector<16xf32>, vector<16xf32>, vector<16xf32>)  : i32 {
      %mul3A_613 = arith.constant 2 : i32
      %mul3A_614 = arith.muli %mul3A_613, %while3A_604 : i32
      %dma_wait3A = arith.constant 0 : i32
      %dma_wait3A_615 = arith.constant 0 : i32
      %dma_wait3A_616 = tpu.memref_slice %arg2[%dma_wait3A, %dma_wait3A_615] : memref<10000x128xf32, #tpu.memory_space<hbm>> -> memref<32x128xf32, #tpu.memory_space<hbm>>
      %dma_wait3A_617 = arith.constant 0 : i32
      %dma_wait3A_618 = arith.constant 0 : i32
      %dma_wait3A_619 = tpu.memref_slice %arg2[%dma_wait3A_617, %dma_wait3A_618] : memref<10000x128xf32, #tpu.memory_space<hbm>> -> memref<32x128xf32, #tpu.memory_space<hbm>>
      tpu.wait_dma2 semaphore(%arg12 : memref<!tpu.dma_semaphore, #tpu.memory_space<semaphore_mem>>) src(%dma_wait3A_619 : memref<32x128xf32, #tpu.memory_space<hbm>>) dst(%arg8 : memref<32x128xf32, #tpu.memory_space<vmem>>)
      %mul3A_620 = arith.constant 32 : i32
      %mul3A_621 = arith.muli %mul3A_614, %mul3A_620 : i32
      %add3A_622 = arith.addi %multiple_of3A_485, %mul3A_621 : i32
      %min3A_623 = arith.constant 9968 : i32
      %min3A_624 = arith.minsi %add3A_622, %min3A_623 : i32
      %multiple_of3A_625 = tpu.assume_multiple %min3A_624, 8 : i32
      %scan3A_626 = arith.constant 0 : i32
      %scan3A_627 = arith.constant 32 : i32
      %scan3A_628 = arith.addi %scan3A_626, %scan3A_627 : i32
      %scan3A_629 = arith.constant 1 : i32
      %scan3A_630:8 = scf.for %scan3A_661 = %scan3A_626 to %scan3A_628 step %scan3A_629 iter_args(%scan3A_662 = %while3A_605, %scan3A_663 = %while3A_606, %scan3A_664 = %while3A_607, %scan3A_665 = %while3A_608, %scan3A_666 = %while3A_609, %scan3A_667 = %while3A_610, %scan3A_668 = %while3A_611, %scan3A_669 = %while3A_612) -> (vector<16xf32>, vector<16xf32>, vector<16xf32>, vector<16xf32>, vector<16xf32>, vector<16xf32>, vector<16xf32>, vector<16xf32>)  : i32 {
        %add3A_670 = arith.addi %multiple_of3A_625, %scan3A_661 : i32
        %ge3A = arith.cmpi sge, %add3A_670, %reduce_sum3A_23 : i32
        %add3A_671 = arith.addi %multiple_of3A_625, %scan3A_661 : i32
        %lt3A_672 = arith.cmpi slt, %add3A_671, %reduce_sum3A_27 : i32
        %and3A_673 = arith.andi %ge3A, %lt3A_672 : i1
        %get3A = arith.index_cast %scan3A_661 : i32 to index
        %get3A_674 = arith.constant 0 : index
        %get3A_675 = tpu.vector_load %arg8[%get3A, %get3A_674] {strides = array<i32>} : memref<32x128xf32, #tpu.memory_space<vmem>>, vector<16xf32>,
        %max3A_676 = arith.maximumf %scan3A_662, %get3A_675 : vector<16xf32>
        %select_n3A_677 = arith.select %and3A_673, %max3A_676, %scan3A_662 : vector<16xf32>
        %get3A_678 = arith.index_cast %scan3A_661 : i32 to index
        %get3A_679 = arith.constant 16 : index
        %get3A_680 = tpu.vector_load %arg8[%get3A_678, %get3A_679] {strides = array<i32>} : memref<32x128xf32, #tpu.memory_space<vmem>>, vector<16xf32>,
        %max3A_681 = arith.maximumf %scan3A_663, %get3A_680 : vector<16xf32>
        %select_n3A_682 = arith.select %and3A_673, %max3A_681, %scan3A_663 : vector<16xf32>
        %get3A_683 = arith.index_cast %scan3A_661 : i32 to index
        %get3A_684 = arith.constant 32 : index
        %get3A_685 = tpu.vector_load %arg8[%get3A_683, %get3A_684] {strides = array<i32>} : memref<32x128xf32, #tpu.memory_space<vmem>>, vector<16xf32>,
        %max3A_686 = arith.maximumf %scan3A_664, %get3A_685 : vector<16xf32>
        %select_n3A_687 = arith.select %and3A_673, %max3A_686, %scan3A_664 : vector<16xf32>
        %get3A_688 = arith.index_cast %scan3A_661 : i32 to index
        %get3A_689 = arith.constant 48 : index
        %get3A_690 = tpu.vector_load %arg8[%get3A_688, %get3A_689] {strides = array<i32>} : memref<32x128xf32, #tpu.memory_space<vmem>>, vector<16xf32>,
        %max3A_691 = arith.maximumf %scan3A_665, %get3A_690 : vector<16xf32>
        %select_n3A_692 = arith.select %and3A_673, %max3A_691, %scan3A_665 : vector<16xf32>
        %get3A_693 = arith.index_cast %scan3A_661 : i32 to index
        %get3A_694 = arith.constant 64 : index
        %get3A_695 = tpu.vector_load %arg8[%get3A_693, %get3A_694] {strides = array<i32>} : memref<32x128xf32, #tpu.memory_space<vmem>>, vector<16xf32>,
        %max3A_696 = arith.maximumf %scan3A_666, %get3A_695 : vector<16xf32>
        %select_n3A_697 = arith.select %and3A_673, %max3A_696, %scan3A_666 : vector<16xf32>
        %get3A_698 = arith.index_cast %scan3A_661 : i32 to index
        %get3A_699 = arith.constant 80 : index
        %get3A_700 = tpu.vector_load %arg8[%get3A_698, %get3A_699] {strides = array<i32>} : memref<32x128xf32, #tpu.memory_space<vmem>>, vector<16xf32>,
        %max3A_701 = arith.maximumf %scan3A_667, %get3A_700 : vector<16xf32>
        %select_n3A_702 = arith.select %and3A_673, %max3A_701, %scan3A_667 : vector<16xf32>
        %get3A_703 = arith.index_cast %scan3A_661 : i32 to index
        %get3A_704 = arith.constant 96 : index
        %get3A_705 = tpu.vector_load %arg8[%get3A_703, %get3A_704] {strides = array<i32>} : memref<32x128xf32, #tpu.memory_space<vmem>>, vector<16xf32>,
        %max3A_706 = arith.maximumf %scan3A_668, %get3A_705 : vector<16xf32>
        %select_n3A_707 = arith.select %and3A_673, %max3A_706, %scan3A_668 : vector<16xf32>
        %get3A_708 = arith.index_cast %scan3A_661 : i32 to index
        %get3A_709 = arith.constant 112 : index
        %get3A_710 = tpu.vector_load %arg8[%get3A_708, %get3A_709] {strides = array<i32>} : memref<32x128xf32, #tpu.memory_space<vmem>>, vector<16xf32>,
        %max3A_711 = arith.maximumf %scan3A_669, %get3A_710 : vector<16xf32>
        %select_n3A_712 = arith.select %and3A_673, %max3A_711, %scan3A_669 : vector<16xf32>
        scf.yield %select_n3A_677, %select_n3A_682, %select_n3A_687, %select_n3A_692, %select_n3A_697, %select_n3A_702, %select_n3A_707, %select_n3A_712 : vector<16xf32>, vector<16xf32>, vector<16xf32>, vector<16xf32>, vector<16xf32>, vector<16xf32>, vector<16xf32>, vector<16xf32>
      }
      %scan3A_631 = arith.constant 32 : i32
      %add3A_632 = arith.constant 1 : i32
      %add3A_633 = arith.addi %while3A_604, %add3A_632 : i32
      %lt3A = arith.cmpi slt, %add3A_633, %select_n3A_540 : i32
      %convert_element_type3A = arith.extui %lt3A : i1 to i32
      %cond3A = arith.constant 0 : i32
      %cond3A_634 = arith.cmpi ne, %convert_element_type3A, %cond3A : i32
      scf.if %cond3A_634 {
        %add3A_661 = arith.constant 2 : i32
        %add3A_662 = arith.addi %mul3A_614, %add3A_661 : i32
        %mul3A_663 = arith.constant 32 : i32
        %mul3A_664 = arith.muli %add3A_662, %mul3A_663 : i32
        %add3A_665 = arith.addi %multiple_of3A_485, %mul3A_664 : i32
        %min3A_666 = arith.constant 9968 : i32
        %min3A_667 = arith.minsi %add3A_665, %min3A_666 : i32
        %multiple_of3A_668 = tpu.assume_multiple %min3A_667, 8 : i32
        %dma_start3A_669 = arith.constant 0 : i32
        %dma_start3A_670 = tpu.memref_slice %arg2[%multiple_of3A_668, %dma_start3A_669] : memref<10000x128xf32, #tpu.memory_space<hbm>> -> memref<32x128xf32, #tpu.memory_space<hbm>>
        %dma_start3A_671 = arith.constant 0 : i32
        %dma_start3A_672 = tpu.memref_slice %arg2[%multiple_of3A_668, %dma_start3A_671] : memref<10000x128xf32, #tpu.memory_space<hbm>> -> memref<32x128xf32, #tpu.memory_space<hbm>>
        tpu.enqueue_dma source(%dma_start3A_672 : memref<32x128xf32, #tpu.memory_space<hbm>>) target(%arg8 : memref<32x128xf32, #tpu.memory_space<vmem>>) target_semaphore(%arg12 : memref<!tpu.dma_semaphore, #tpu.memory_space<semaphore_mem>>)
      } else {
      }
      %dma_wait3A_635 = arith.constant 0 : i32
      %dma_wait3A_636 = arith.constant 0 : i32
      %dma_wait3A_637 = tpu.memref_slice %arg2[%dma_wait3A_635, %dma_wait3A_636] : memref<10000x128xf32, #tpu.memory_space<hbm>> -> memref<32x128xf32, #tpu.memory_space<hbm>>
      %dma_wait3A_638 = arith.constant 0 : i32
      %dma_wait3A_639 = arith.constant 0 : i32
      %dma_wait3A_640 = tpu.memref_slice %arg2[%dma_wait3A_638, %dma_wait3A_639] : memref<10000x128xf32, #tpu.memory_space<hbm>> -> memref<32x128xf32, #tpu.memory_space<hbm>>
      tpu.wait_dma2 semaphore(%arg13 : memref<!tpu.dma_semaphore, #tpu.memory_space<semaphore_mem>>) src(%dma_wait3A_640 : memref<32x128xf32, #tpu.memory_space<hbm>>) dst(%arg9 : memref<32x128xf32, #tpu.memory_space<vmem>>)
      %add3A_641 = arith.constant 1 : i32
      %add3A_642 = arith.addi %mul3A_614, %add3A_641 : i32
      %mul3A_643 = arith.constant 32 : i32
      %mul3A_644 = arith.muli %add3A_642, %mul3A_643 : i32
      %add3A_645 = arith.addi %multiple_of3A_485, %mul3A_644 : i32
      %min3A_646 = arith.constant 9968 : i32
      %min3A_647 = arith.minsi %add3A_645, %min3A_646 : i32
      %multiple_of3A_648 = tpu.assume_multiple %min3A_647, 8 : i32
      %scan3A_649 = arith.constant 0 : i32
      %scan3A_650 = arith.constant 32 : i32
      %scan3A_651 = arith.addi %scan3A_649, %scan3A_650 : i32
      %scan3A_652 = arith.constant 1 : i32
      %scan3A_653:8 = scf.for %scan3A_661 = %scan3A_649 to %scan3A_651 step %scan3A_652 iter_args(%scan3A_662 = %scan3A_630#0, %scan3A_663 = %scan3A_630#1, %scan3A_664 = %scan3A_630#2, %scan3A_665 = %scan3A_630#3, %scan3A_666 = %scan3A_630#4, %scan3A_667 = %scan3A_630#5, %scan3A_668 = %scan3A_630#6, %scan3A_669 = %scan3A_630#7) -> (vector<16xf32>, vector<16xf32>, vector<16xf32>, vector<16xf32>, vector<16xf32>, vector<16xf32>, vector<16xf32>, vector<16xf32>)  : i32 {
        %add3A_670 = arith.addi %multiple_of3A_648, %scan3A_661 : i32
        %ge3A = arith.cmpi sge, %add3A_670, %reduce_sum3A_23 : i32
        %add3A_671 = arith.addi %multiple_of3A_648, %scan3A_661 : i32
        %lt3A_672 = arith.cmpi slt, %add3A_671, %reduce_sum3A_27 : i32
        %and3A_673 = arith.andi %ge3A, %lt3A_672 : i1
        %get3A = arith.index_cast %scan3A_661 : i32 to index
        %get3A_674 = arith.constant 0 : index
        %get3A_675 = tpu.vector_load %arg9[%get3A, %get3A_674] {strides = array<i32>} : memref<32x128xf32, #tpu.memory_space<vmem>>, vector<16xf32>,
        %max3A_676 = arith.maximumf %scan3A_662, %get3A_675 : vector<16xf32>
        %select_n3A_677 = arith.select %and3A_673, %max3A_676, %scan3A_662 : vector<16xf32>
        %get3A_678 = arith.index_cast %scan3A_661 : i32 to index
        %get3A_679 = arith.constant 16 : index
        %get3A_680 = tpu.vector_load %arg9[%get3A_678, %get3A_679] {strides = array<i32>} : memref<32x128xf32, #tpu.memory_space<vmem>>, vector<16xf32>,
        %max3A_681 = arith.maximumf %scan3A_663, %get3A_680 : vector<16xf32>
        %select_n3A_682 = arith.select %and3A_673, %max3A_681, %scan3A_663 : vector<16xf32>
        %get3A_683 = arith.index_cast %scan3A_661 : i32 to index
        %get3A_684 = arith.constant 32 : index
        %get3A_685 = tpu.vector_load %arg9[%get3A_683, %get3A_684] {strides = array<i32>} : memref<32x128xf32, #tpu.memory_space<vmem>>, vector<16xf32>,
        %max3A_686 = arith.maximumf %scan3A_664, %get3A_685 : vector<16xf32>
        %select_n3A_687 = arith.select %and3A_673, %max3A_686, %scan3A_664 : vector<16xf32>
        %get3A_688 = arith.index_cast %scan3A_661 : i32 to index
        %get3A_689 = arith.constant 48 : index
        %get3A_690 = tpu.vector_load %arg9[%get3A_688, %get3A_689] {strides = array<i32>} : memref<32x128xf32, #tpu.memory_space<vmem>>, vector<16xf32>,
        %max3A_691 = arith.maximumf %scan3A_665, %get3A_690 : vector<16xf32>
        %select_n3A_692 = arith.select %and3A_673, %max3A_691, %scan3A_665 : vector<16xf32>
        %get3A_693 = arith.index_cast %scan3A_661 : i32 to index
        %get3A_694 = arith.constant 64 : index
        %get3A_695 = tpu.vector_load %arg9[%get3A_693, %get3A_694] {strides = array<i32>} : memref<32x128xf32, #tpu.memory_space<vmem>>, vector<16xf32>,
        %max3A_696 = arith.maximumf %scan3A_666, %get3A_695 : vector<16xf32>
        %select_n3A_697 = arith.select %and3A_673, %max3A_696, %scan3A_666 : vector<16xf32>
        %get3A_698 = arith.index_cast %scan3A_661 : i32 to index
        %get3A_699 = arith.constant 80 : index
        %get3A_700 = tpu.vector_load %arg9[%get3A_698, %get3A_699] {strides = array<i32>} : memref<32x128xf32, #tpu.memory_space<vmem>>, vector<16xf32>,
        %max3A_701 = arith.maximumf %scan3A_667, %get3A_700 : vector<16xf32>
        %select_n3A_702 = arith.select %and3A_673, %max3A_701, %scan3A_667 : vector<16xf32>
        %get3A_703 = arith.index_cast %scan3A_661 : i32 to index
        %get3A_704 = arith.constant 96 : index
        %get3A_705 = tpu.vector_load %arg9[%get3A_703, %get3A_704] {strides = array<i32>} : memref<32x128xf32, #tpu.memory_space<vmem>>, vector<16xf32>,
        %max3A_706 = arith.maximumf %scan3A_668, %get3A_705 : vector<16xf32>
        %select_n3A_707 = arith.select %and3A_673, %max3A_706, %scan3A_668 : vector<16xf32>
        %get3A_708 = arith.index_cast %scan3A_661 : i32 to index
        %get3A_709 = arith.constant 112 : index
        %get3A_710 = tpu.vector_load %arg9[%get3A_708, %get3A_709] {strides = array<i32>} : memref<32x128xf32, #tpu.memory_space<vmem>>, vector<16xf32>,
        %max3A_711 = arith.maximumf %scan3A_669, %get3A_710 : vector<16xf32>
        %select_n3A_712 = arith.select %and3A_673, %max3A_711, %scan3A_669 : vector<16xf32>
        scf.yield %select_n3A_677, %select_n3A_682, %select_n3A_687, %select_n3A_692, %select_n3A_697, %select_n3A_702, %select_n3A_707, %select_n3A_712 : vector<16xf32>, vector<16xf32>, vector<16xf32>, vector<16xf32>, vector<16xf32>, vector<16xf32>, vector<16xf32>, vector<16xf32>
      }
      %scan3A_654 = arith.constant 32 : i32
      %add3A_655 = arith.constant 1 : i32
      %add3A_656 = arith.addi %while3A_604, %add3A_655 : i32
      %lt3A_657 = arith.cmpi slt, %add3A_656, %select_n3A_540 : i32
      %convert_element_type3A_658 = arith.extui %lt3A_657 : i1 to i32
      %cond3A_659 = arith.constant 0 : i32
      %cond3A_660 = arith.cmpi ne, %convert_element_type3A_658, %cond3A_659 : i32
      scf.if %cond3A_660 {
        %add3A_661 = arith.constant 3 : i32
        %add3A_662 = arith.addi %mul3A_614, %add3A_661 : i32
        %mul3A_663 = arith.constant 32 : i32
        %mul3A_664 = arith.muli %add3A_662, %mul3A_663 : i32
        %add3A_665 = arith.addi %multiple_of3A_485, %mul3A_664 : i32
        %min3A_666 = arith.constant 9968 : i32
        %min3A_667 = arith.minsi %add3A_665, %min3A_666 : i32
        %multiple_of3A_668 = tpu.assume_multiple %min3A_667, 8 : i32
        %dma_start3A_669 = arith.constant 0 : i32
        %dma_start3A_670 = tpu.memref_slice %arg2[%multiple_of3A_668, %dma_start3A_669] : memref<10000x128xf32, #tpu.memory_space<hbm>> -> memref<32x128xf32, #tpu.memory_space<hbm>>
        %dma_start3A_671 = arith.constant 0 : i32
        %dma_start3A_672 = tpu.memref_slice %arg2[%multiple_of3A_668, %dma_start3A_671] : memref<10000x128xf32, #tpu.memory_space<hbm>> -> memref<32x128xf32, #tpu.memory_space<hbm>>
        tpu.enqueue_dma source(%dma_start3A_672 : memref<32x128xf32, #tpu.memory_space<hbm>>) target(%arg9 : memref<32x128xf32, #tpu.memory_space<vmem>>) target_semaphore(%arg13 : memref<!tpu.dma_semaphore, #tpu.memory_space<semaphore_mem>>)
      } else {
      }
      scf.yield %scan3A_653#0, %scan3A_653#1, %scan3A_653#2, %scan3A_653#3, %scan3A_653#4, %scan3A_653#5, %scan3A_653#6, %scan3A_653#7 : vector<16xf32>, vector<16xf32>, vector<16xf32>, vector<16xf32>, vector<16xf32>, vector<16xf32>, vector<16xf32>, vector<16xf32>
    }
    %swap3A_572 = arith.constant 3 : i32
    %swap3A_573 = arith.index_cast %swap3A_572 : i32 to index
    %swap3A_574 = arith.constant 0 : index
    %swap3A_575 = tpu.vector_load %arg10[%swap3A_573, %swap3A_574] {strides = array<i32>} : memref<4x128xf32, #tpu.memory_space<vmem>>, vector<16xf32>,
    tpu.vector_store %arg10[%swap3A_573, %swap3A_574], %while3A_571#0 {strides = array<i32>} : memref<4x128xf32, #tpu.memory_space<vmem>>, vector<16xf32>,
    %swap3A_576 = arith.constant 3 : i32
    %swap3A_577 = arith.index_cast %swap3A_576 : i32 to index
    %swap3A_578 = arith.constant 16 : index
    %swap3A_579 = tpu.vector_load %arg10[%swap3A_577, %swap3A_578] {strides = array<i32>} : memref<4x128xf32, #tpu.memory_space<vmem>>, vector<16xf32>,
    tpu.vector_store %arg10[%swap3A_577, %swap3A_578], %while3A_571#1 {strides = array<i32>} : memref<4x128xf32, #tpu.memory_space<vmem>>, vector<16xf32>,
    %swap3A_580 = arith.constant 3 : i32
    %swap3A_581 = arith.index_cast %swap3A_580 : i32 to index
    %swap3A_582 = arith.constant 32 : index
    %swap3A_583 = tpu.vector_load %arg10[%swap3A_581, %swap3A_582] {strides = array<i32>} : memref<4x128xf32, #tpu.memory_space<vmem>>, vector<16xf32>,
    tpu.vector_store %arg10[%swap3A_581, %swap3A_582], %while3A_571#2 {strides = array<i32>} : memref<4x128xf32, #tpu.memory_space<vmem>>, vector<16xf32>,
    %swap3A_584 = arith.constant 3 : i32
    %swap3A_585 = arith.index_cast %swap3A_584 : i32 to index
    %swap3A_586 = arith.constant 48 : index
    %swap3A_587 = tpu.vector_load %arg10[%swap3A_585, %swap3A_586] {strides = array<i32>} : memref<4x128xf32, #tpu.memory_space<vmem>>, vector<16xf32>,
    tpu.vector_store %arg10[%swap3A_585, %swap3A_586], %while3A_571#3 {strides = array<i32>} : memref<4x128xf32, #tpu.memory_space<vmem>>, vector<16xf32>,
    %swap3A_588 = arith.constant 3 : i32
    %swap3A_589 = arith.index_cast %swap3A_588 : i32 to index
    %swap3A_590 = arith.constant 64 : index
    %swap3A_591 = tpu.vector_load %arg10[%swap3A_589, %swap3A_590] {strides = array<i32>} : memref<4x128xf32, #tpu.memory_space<vmem>>, vector<16xf32>,
    tpu.vector_store %arg10[%swap3A_589, %swap3A_590], %while3A_571#4 {strides = array<i32>} : memref<4x128xf32, #tpu.memory_space<vmem>>, vector<16xf32>,
    %swap3A_592 = arith.constant 3 : i32
    %swap3A_593 = arith.index_cast %swap3A_592 : i32 to index
    %swap3A_594 = arith.constant 80 : index
    %swap3A_595 = tpu.vector_load %arg10[%swap3A_593, %swap3A_594] {strides = array<i32>} : memref<4x128xf32, #tpu.memory_space<vmem>>, vector<16xf32>,
    tpu.vector_store %arg10[%swap3A_593, %swap3A_594], %while3A_571#5 {strides = array<i32>} : memref<4x128xf32, #tpu.memory_space<vmem>>, vector<16xf32>,
    %swap3A_596 = arith.constant 3 : i32
    %swap3A_597 = arith.index_cast %swap3A_596 : i32 to index
    %swap3A_598 = arith.constant 96 : index
    %swap3A_599 = tpu.vector_load %arg10[%swap3A_597, %swap3A_598] {strides = array<i32>} : memref<4x128xf32, #tpu.memory_space<vmem>>, vector<16xf32>,
    tpu.vector_store %arg10[%swap3A_597, %swap3A_598], %while3A_571#6 {strides = array<i32>} : memref<4x128xf32, #tpu.memory_space<vmem>>, vector<16xf32>,
    %swap3A_600 = arith.constant 3 : i32
    %swap3A_601 = arith.index_cast %swap3A_600 : i32 to index
    %swap3A_602 = arith.constant 112 : index
    %swap3A_603 = tpu.vector_load %arg10[%swap3A_601, %swap3A_602] {strides = array<i32>} : memref<4x128xf32, #tpu.memory_space<vmem>>, vector<16xf32>,
    tpu.vector_store %arg10[%swap3A_601, %swap3A_602], %while3A_571#7 {strides = array<i32>} : memref<4x128xf32, #tpu.memory_space<vmem>>, vector<16xf32>,
    "tpu.region"() ({
      %run_scoped3A = tpu.sem_alloc : memref<!tpu.dma_semaphore, #tpu.memory_space<semaphore_mem>>
      %dma_start3A_604 = arith.constant 0 : i32
      %dma_start3A_605 = tpu.memref_slice %arg4[%mul3A_2, %dma_start3A_604] : memref<64x128xf32, #tpu.memory_space<hbm>> -> memref<4x128xf32, #tpu.memory_space<hbm>>
      %dma_start3A_606 = arith.constant 0 : i32
      %dma_start3A_607 = tpu.memref_slice %arg4[%mul3A_2, %dma_start3A_606] : memref<64x128xf32, #tpu.memory_space<hbm>> -> memref<4x128xf32, #tpu.memory_space<hbm>>
      tpu.enqueue_dma source(%arg10 : memref<4x128xf32, #tpu.memory_space<vmem>>) target(%dma_start3A_607 : memref<4x128xf32, #tpu.memory_space<hbm>>) target_semaphore(%run_scoped3A : memref<!tpu.dma_semaphore, #tpu.memory_space<semaphore_mem>>)
      %dma_wait3A = arith.constant 0 : i32
      %dma_wait3A_608 = tpu.memref_slice %arg4[%mul3A_2, %dma_wait3A] : memref<64x128xf32, #tpu.memory_space<hbm>> -> memref<4x128xf32, #tpu.memory_space<hbm>>
      %dma_wait3A_609 = arith.constant 0 : i32
      %dma_wait3A_610 = tpu.memref_slice %arg4[%mul3A_2, %dma_wait3A_609] : memref<64x128xf32, #tpu.memory_space<hbm>> -> memref<4x128xf32, #tpu.memory_space<hbm>>
      tpu.wait_dma2 semaphore(%run_scoped3A : memref<!tpu.dma_semaphore, #tpu.memory_space<semaphore_mem>>) src(%arg10 : memref<4x128xf32, #tpu.memory_space<vmem>>) dst(%dma_wait3A_610 : memref<4x128xf32, #tpu.memory_space<hbm>>)
      tpu.yield
    }) : () -> ()
    return
  }
}

module attributes {stable_mosaic.version = 14 : i64} {
  func.func @_mlp_body(%arg0: memref<64x128xf32, #tpu.memory_space<vmem>>, %arg1: memref<256x128xf32, #tpu.memory_space<vmem>>, %arg2: memref<1x256xf32, #tpu.memory_space<vmem>>, %arg3: memref<10x256xf32, #tpu.memory_space<vmem>>, %arg4: memref<1x10xf32, #tpu.memory_space<vmem>>, %arg5: memref<64x10xf32, #tpu.memory_space<vmem>>) attributes {dimension_semantics = [], scalar_prefetch = 0 : i64, scratch_operands = 0 : i64, tpu.core_type = #tpu.core_type<tc>} {
    %get3A = arith.constant 0 : index
    %get3A_0 = arith.constant 0 : index
    %get3A_1 = vector.load %arg0[%get3A, %get3A_0] : memref<64x128xf32, #tpu.memory_space<vmem>>, vector<64x128xf32>
    %get3A_2 = arith.constant 0 : index
    %get3A_3 = arith.constant 0 : index
    %get3A_4 = vector.load %arg1[%get3A_2, %get3A_3] : memref<256x128xf32, #tpu.memory_space<vmem>>, vector<256x128xf32>
    %dot_general3A = arith.constant dense<0.000000e+00> : vector<64x256xf32>
    %dot_general3A_5 = tpu.matmul %get3A_1, %get3A_4, %dot_general3A {dimension_numbers = #tpu.dot_dimension_numbers<[1], [1], [0], [0], [0, 0, 1, 0], [], []>, transpose_lhs_hint = false} : vector<64x128xf32>, vector<256x128xf32>, vector<64x256xf32> -> vector<64x256xf32>
    %get3A_6 = arith.constant 0 : index
    %get3A_7 = arith.constant 0 : index
    %get3A_8 = vector.load %arg2[%get3A_6, %get3A_7] : memref<1x256xf32, #tpu.memory_space<vmem>>, vector<1x256xf32>
    %add3A = vector.broadcast %get3A_8 : vector<1x256xf32> to vector<64x256xf32>
    %add3A_9 = arith.addf %dot_general3A_5, %add3A : vector<64x256xf32>
    %max3A = arith.constant 0.000000e+00 : f32
    %max3A_10 = vector.broadcast %max3A : f32 to vector<64x256xf32>
    %max3A_11 = arith.maximumf %add3A_9, %max3A_10 : vector<64x256xf32>
    %get3A_12 = arith.constant 0 : index
    %get3A_13 = arith.constant 0 : index
    %get3A_14 = vector.load %arg3[%get3A_12, %get3A_13] : memref<10x256xf32, #tpu.memory_space<vmem>>, vector<10x256xf32>
    %dot_general3A_15 = arith.constant dense<0.000000e+00> : vector<64x10xf32>
    %dot_general3A_16 = tpu.matmul %max3A_11, %get3A_14, %dot_general3A_15 {dimension_numbers = #tpu.dot_dimension_numbers<[1], [1], [0], [0], [0, 0, 1, 0], [], []>, transpose_lhs_hint = false} : vector<64x256xf32>, vector<10x256xf32>, vector<64x10xf32> -> vector<64x10xf32>
    %get3A_17 = arith.constant 0 : index
    %get3A_18 = arith.constant 0 : index
    %get3A_19 = vector.load %arg4[%get3A_17, %get3A_18] : memref<1x10xf32, #tpu.memory_space<vmem>>, vector<1x10xf32>
    %add3A_20 = vector.broadcast %get3A_19 : vector<1x10xf32> to vector<64x10xf32>
    %add3A_21 = arith.addf %dot_general3A_16, %add3A_20 : vector<64x10xf32>
    %swap3A = arith.constant 0 : index
    %swap3A_22 = arith.constant 0 : index
    %swap3A_23 = vector.load %arg5[%swap3A, %swap3A_22] : memref<64x10xf32, #tpu.memory_space<vmem>>, vector<64x10xf32>
    tpu.vector_store %arg5[%swap3A, %swap3A_22], %add3A_21 {strides = array<i32>} : memref<64x10xf32, #tpu.memory_space<vmem>>, vector<64x10xf32>,
    return
  }
}

</mosaic_0001>

<sc_bundles>
// kernel: _run.4.cloned.1.call-start
scs
__scs_entry_jumppad:
0x0: {  	(pc) =	sbr.rel $0x88, $3  }
0x1: {  	(tag) =	ssettag $0x0;
	lr =	simm.s32 $0x1  }
0x2: {  	[smem:$0x3F9B] =	sst lr;
	_ =	strace $0xD0000000  }
0x3: {  	_ = 	snop  }
0x4: {  	_ = 	snop  }
0x5: {  	_ = 	snop  }
0x6: {  	_ = 	snop  }
0x7: {  	_ = 	snop  }
__scs_overlays_trampoline_lowered:
0x8: {  	[smem:$0x3FAA] =	sst s0  }
0x9: {  	[smem:$0x3FAB] =	sst s1  }
0xa: {  	[smem:$0x3FAC] =	sst s2  }
0xb: {  	[smem:$0x3FAD] =	sst s3  }
0xc: {  	[smem:$0x3FAE] =	sst s4  }
0xd: {  	[smem:$0x3FAF] =	sst s5  }
0xe: {  	[smem:$0x3FB0] =	sst s6  }
0xf: {  	[smem:$0x3FB1] =	sst s7  }
0x10: {  	[smem:$0x3FB2] =	sst s8  }
0x11: {  	[smem:$0x3FB3] =	sst s9;
	s0 =	simm.s32 @!p0 $0x0  }
0x12: {  	s1 =	sld [smem:$0x3F99];
	s0 =	simm.s32 @p0 $0x1  }
0x13: {  	[smem:$0x3FB4] =	sst s0;
	s0 =	simm.s32 @!p1 $0x0  }
0x14: {  	s2 =	sld [smem:$0x3F98];
	s0 =	simm.s32 @p1 $0x1  }
0x15: {  	[smem:$0x3FB5] =	sst s0;
	s0 =	simm.s32 @!p2 $0x0  }
0x16: {  	s3 =	sld [smem:$0x3FDB];
	s0 =	simm.s32 @p2 $0x1  }
0x17: {  	s4 =	simm.s32 $0x1BF5;
	[smem:$0x3FB7] =	sst s0  }
0x18: {  	s0 =	sld [smem:$0x3F9A];
	_ =	swait.ge [sflag:s4], $0x0  }
0x19: {  	s7 =	sld [smem:$0x3F9B]  }
0x1a: {  	s8 =	sadd.s32 $0xFFFFE003, lr  }
0x1b: {  	s9 =	sadd.s32 $0xFFFFFEF7, lr;
	s5 =	simm.s32 $0xFFFFFFFF;
	p2 =	slt.u32 s8, $0xFFFFF086  }
0x1c: {  	p1 =	slt.u32 s9, $0xF7A;
	s5 =	simm.s32 @!p2 $0x0  }
0x1d: {  	s5 =	simm.s32 @p1 $0x1;
	p0 =	seq.s32 s7, s2  }
0x1e: {  	s7 =	smul.u32 @!p0 $0xF7A, s2;
	p2 =	seq.s32 @!p0 s5, $0x0  }
0x1f: {  	s9 =	smul.u32 $0xF7A, s1;
	s8 =	simm.s32 @!p0 $0x1BF5;
	p2 =	por !p2, p0  }
0x20: {  	[sflag:s8] =	ssyncset.s32 @!p0 $0xFFFFF086;
	s6 =	sadd.s32 @!p0 s3, s7;
	s7 =	simm.s32 @!p0 $0x108  }
0x21: {  	s3 =	sadd.s32 s3, s9;
	s6 =	sadd.s32 @!p0 $0x88, s6;
	s7 =	simm.s32 @p2 $0x1082  }
0x22: {  	[simem:s7], [sflag:s8] =	dma.local @!p0 [hbm:s6], $0xF7A  }
0x23: {  	s9 =	sor.u32 $0xD0000000, s2;
	s6 =	simm.s32 $0x108;
	_ =	swait.ge @!p0 [sflag:s8], $0x0  }
0x24: {  	s3 =	sadd.s32 $0x88, s3;
	s6 =	simm.s32 @!p1 $0x1082;
	[sflag:s4] =	ssyncset.s32 $0xFFFFF086  }
0x25: {  	[simem:s6], [sflag:s4] =	dma.local [hbm:s3], $0xF7A  }
0x26: {  	[smem:$0x3F9B] =	sst s1;
	(tag) =	ssettag s2;
	_ =	strace s9  }
0x27: {  	s1 =	sld [smem:$0x3FAB]  }
0x28: {  	s2 =	sld [smem:$0x3FAC]  }
0x29: {  	s4 =	sld [smem:$0x3FAE]  }
0x2a: {  	p0 =	seq.s32 s5, $0x0;
	s5 =	sld [smem:$0x3FAF]  }
0x2b: {  	s6 =	sld [smem:$0x3FB0]  }
0x2c: {  	s7 =	sld [smem:$0x3FB1]  }
0x2d: {  	s3 =	simm.s32 $0x108;
	s8 =	sld [smem:$0x3FB2]  }
0x2e: {  	s3 =	simm.s32 @!p0 $0x1082;
	s9 =	sld [smem:$0x3FB3]  }
0x2f: {  	lr =	sadd.s32 s0, s3;
	s0 =	sld [smem:$0x3FAA]  }
0x30: {  	s3 =	sld [smem:$0x3FAD]  }
0x31: {  	[smem:$0x3FB6] =	sst s10  }
0x32: {  	s10 =	sld [smem:$0x3FB4];
	_ =	sdelay $0x3  }
0x33: {  	p0 =	seq.s32 s10, $0x1;
	s10 =	sld [smem:$0x3FB6];
	_ =	sdelay $0x3  }
0x34: {  	[smem:$0x3FB6] =	sst s10  }
0x35: {  	s10 =	sld [smem:$0x3FB5];
	_ =	sdelay $0x3  }
0x36: {  	p1 =	seq.s32 s10, $0x1;
	s10 =	sld [smem:$0x3FB6];
	_ =	sdelay $0x3  }
0x37: {  	[smem:$0x3FB6] =	sst s10  }
0x38: {  	s10 =	sld [smem:$0x3FB7]  }
0x39: {  	_ = 	snop;
	(pc) =	sbr.ind lr, $3  }
0x3a: {  	_ = 	snop  }
0x3b: {  	_ = 	snop  }
0x3c: {  	p2 =	seq.s32 s10, $0x1;
	s10 =	sld [smem:$0x3FB6]  }
0x3d: {  	_ =	shalt  }
0x3e: {  	_ =	shalt  }
0x3f: {  	_ =	shalt  }
0x40: {  	_ =	shalt  }
0x41: {  	_ =	shalt  }
0x42: {  	_ =	shalt  }
0x43: {  	_ =	shalt  }
0x44: {  	_ =	shalt  }
0x45: {  	_ =	shalt  }
0x46: {  	_ =	shalt  }
0x47: {  	_ =	shalt  }
0x48: {  	_ =	shalt  }
0x49: {  	_ =	shalt  }
0x4a: {  	_ =	shalt  }
0x4b: {  	_ =	shalt  }
0x4c: {  	_ =	shalt  }
0x4d: {  	_ =	shalt  }
0x4e: {  	_ =	shalt  }
0x4f: {  	_ =	shalt  }
0x50: {  	_ =	shalt  }
0x51: {  	_ =	shalt  }
0x52: {  	_ =	shalt  }
0x53: {  	_ =	shalt  }
0x54: {  	_ =	shalt  }
0x55: {  	_ =	shalt  }
0x56: {  	_ =	shalt  }
0x57: {  	_ =	shalt  }
0x58: {  	_ =	shalt  }
0x59: {  	_ =	shalt  }
0x5a: {  	_ =	shalt  }
0x5b: {  	_ =	shalt  }
0x5c: {  	_ =	shalt  }
0x5d: {  	_ =	shalt  }
0x5e: {  	_ =	shalt  }
0x5f: {  	_ =	shalt  }
0x60: {  	_ =	shalt  }
0x61: {  	_ =	shalt  }
0x62: {  	_ =	shalt  }
0x63: {  	_ =	shalt  }
0x64: {  	_ =	shalt  }
0x65: {  	_ =	shalt  }
0x66: {  	_ =	shalt  }
0x67: {  	_ =	shalt  }
0x68: {  	_ =	shalt  }
0x69: {  	_ =	shalt  }
0x6a: {  	_ =	shalt  }
0x6b: {  	_ =	shalt  }
0x6c: {  	_ =	shalt  }
0x6d: {  	_ =	shalt  }
0x6e: {  	_ =	shalt  }
0x6f: {  	_ =	shalt  }
0x70: {  	_ =	shalt  }
0x71: {  	_ =	shalt  }
0x72: {  	_ =	shalt  }
0x73: {  	_ =	shalt  }
0x74: {  	_ =	shalt  }
0x75: {  	_ =	shalt  }
0x76: {  	_ =	shalt  }
0x77: {  	_ =	shalt  }
0x78: {  	_ =	shalt  }
0x79: {  	_ =	shalt  }
0x7a: {  	_ =	shalt  }
0x7b: {  	_ =	shalt  }
0x7c: {  	_ =	shalt  }
0x7d: {  	_ =	shalt  }
0x7e: {  	_ =	shalt  }
0x7f: {  	_ =	shalt  }
0x80: {  	_ =	shalt  }
0x81: {  	_ =	shalt  }
0x82: {  	_ =	shalt  }
0x83: {  	_ =	shalt  }
0x84: {  	_ =	shalt  }
0x85: {  	_ =	shalt  }
0x86: {  	_ =	shalt  }
0x87: {  	_ =	shalt  }
.Lfunc_end0:
.L_simem_size_0:
called_computation_lowered:
.L_overlay_start_0:
0x88: {  	s0 =	sld [smem:$0x3FD9]  }
0x89: {  	s1 =	sld [smem:$0x3FFE];
	_ =	sdelay $0x3  }
0x8a: {  	s0 =	sadd.s32 s1, s0  }
0x8b: {  	[smem:$0x3FC2] =	sst s0  }
0x8c: {  	_ = 	snop  }
0x8d: {  	s0 =	sld [smem:$0x3FC9]  }
0x8e: {  	s16 =	sld [smem:$0x3FC8];
	(tm) =	ssettm $0x1  }
0x8f: {  	s2 =	sld [smem:$0x3FFB];
	_ =	sdelay $0x3  }
0x90: {  	_ =	strace s2  }
0x91: {  	s2 =	sld [smem:$0x3FFC];
	_ =	sdelay $0x3  }
0x92: {  	_ =	strace s2  }
0x93: {  	s2 =	sld [smem:$0x3FFD];
	_ =	sdelay $0x3  }
0x94: {  	_ =	strace s2  }
0x95: {  	_ =	strace $0x8FFFFFFF  }
0x96: {  	s17 =	sld [smem:$0x3FDB];
	_ =	sdelay $0x1  }
0x97: {  	s3 =	simm.s32 $_scs_section_size  }
0x98: {  	s4 =	simm.s32 $_size__tile_overlayer_lowered;
	s5 =	simm.s32 $_tile_overlayer_lowered  }
0x99: {  	s20 =	simm.s32 $0x1BFF;
	s19 =	sshll.u32 s5, $0x1;
	s2 =	sadd.s32 s3, s17  }
0x9a: {  	s6 =	simm.s32 $0x0;
	s18 =	sshll.u32 s4, $0x1;
	s4 =	sadd.s32 s19, s2  }
0x9b: {  	[timem:s6], [sflag:s20] =	dma.local [hbm:s4], s18  }
0x9c: {  	_ =	swait.ge [sflag:s20], s18  }
0x9d: {  	s3 =	ssub.s32 $0x0, s18;
	[sflag:s20] =	ssyncset.done $0x0  }
0x9e: {  	[sflag:s20] =	ssyncadd.s32 s3;
	_ =	sdelay $0x1  }
0x9f: {  	s21 =	simm.s32 $0x1B8B  }
0xa0: {  	_ =	swait.ge [sflag:s21], $0x1  }
0xa1: {  	[sflag:s21] =	ssyncset.done $0x0  }
0xa2: {  	s23 =	simm.s32 $0x1B8E;
	s22 =	sld [smem:$0x3FFE];
	[sflag:s21] =	ssyncadd.s32 $0xFFFFFFFF  }
0xa3: {  	s24 =	simm.s32 $execute0_lowered;
	[smem:$0x3FD2] =	sst s23  }
0xa4: {  	s4 =	sshll.u32 s24, $0x1;
	_ =	strace $0x80000046;
	[dreg:$0x1] =	wrdreg $0xFFFFFFFF  }
0xa5: {  	s25 =	simm.s32 $_size_execute0_lowered;
	s2 =	sadd.s32 s2, s4;
	[dreg:$0x0] =	wrdreg $0x0  }
0xa6: {  	s4 =	sshll.u32 s25, $0x1;
	[dreg:$0x2] =	wrdreg s2  }
0xa7: {  	[dreg:$0x3] =	wrdreg s4  }
0xa8: {  	[dreg:$0x4] =	wrdreg $0xC0  }
0xa9: {  	_ =	task [dreg:s6], $0x5FFFF  }
0xaa: {  	[dreg:$0x1] =	wrdreg $0xFFFFFFFF  }
0xab: {  	[dreg:$0x0] =	wrdreg $0x60  }
0xac: {  	[dreg:$0x2] =	wrdreg s0  }
0xad: {  	[dreg:$0x3] =	wrdreg s16  }
0xae: {  	[dreg:$0x4] =	wrdreg s22  }
0xaf: {  	[dreg:$0x5] =	wrdreg $0x9  }
0xb0: {  	_ =	task.clear_ibuf [dreg:s6], $0x6FFFF;
	_ =	strace $0x90000046  }
0xb1: {  	s26 =	simm.s32 $0x9;
	_ =	strace $0x80000048  }
0xb2: {  	_ =	swait.ge [sflag:s26], $0x1  }
0xb3: {  	[sflag:s26] =	ssyncadd.s32 $0xFFFFFFFF  }
0xb4: {  	_ =	strace $0x90000048  }
0xb5: {  	_ =	sfence  }
0xb6: {  	s28 =	sld [smem:$0x0];
	_ =	sdelay $0x1  }
0xb7: {  	s29 =	srdreg.scid  }
0xb8: {  	s30 =	sshll.u32 s29, $0xD;
	s31 =	sshrl.u32 s29, $0x2  }
0xb9: {  	s1 =	sand.u32 $0x1, s29;
	s2 =	sand.u32 $0x4000, s30;
	s0 =	sadd.s32 s31, s28  }
0xba: {  	s1 =	sor.u32 s2, s1;
	s0 =	sshll.u32 s0, $0x11  }
0xbb: {  	s0 =	sor.u32 s0, s1  }
0xbc: {  	s0 =	sadd.s32 $0x8F2B, s0  }
0xbd: {  	[sflag:s0] =	ssyncadd.remote.s32 $0x1  }
0xbe: {  	_ =	sfence.sel $0xFFFF  }
0xbf: {  	[dreg:$0x0] =	wrdreg $0xFFFFFFFF;
	(pc) =	sbr.abs _section_cstart, $3  }
0xc0: {  	[dreg:$0x1] =	wrdreg $0xFFFFFFFF  }
0xc1: {  	_ =	task.clear_ibuf [dreg:s6], $0x2FFFF;
	_ =	strace $0x9FFFFFFF  }
0xc2: {  	(tm) =	ssettm $0x7FFFFFFF  }
0xc3: {  	_ =	shalt  }
tec
execute0_lowered:
.L_overlay_start_1:
0x0: {  	(tag) =	ssettag $0x1  }
0x1: {  	s2 =	rddreg [dreg:$0x0]  }
0x2: {  	s3 =	rddreg [dreg:$0x1]  }
0x3: {  	s4 =	rddreg [dreg:$0x2];
	s5 =	simm.s32 $0x0  }
0x4: {  	[smem:$0x7FF] =	sst s5  }
0x5: {  	s0 =	rddreg [dreg:$0x3];
	s7 =	simm.s32 $0x3;
	_ =	strace $0x80000047  }
0x6: {  	[tilespmem:s5], [sflag:$0x3] =	stream.linear.gather [hbm4b:s3+s5], $0x2780, $0x38;
	[tilespmem:$0x4980] =	vst v63  }
0x7: {  	_ =	swait.ge [sflag:s7], $0x2780  }
0x8: {  	[sflag:s7] =	ssyncset.done $0x0  }
0x9: {  	s31 =	simm.s32 $0x0;
	[sflag:s7] =	ssyncadd.s32 $0xFFFFD880  }
0xa: {  	s1 =	stileid.u32;
	v1 =	vimm.s32 $0x0;
	v2 =	vimm.s32 $0x0;
	v7 =	vld [tilespmem:s31+$0x0]  }
0xb: {  	v10 =	vimm.s32 $0x0;
	v11 =	vimm.s32 $0x0;
	v5 =	vimm.s32 $0x0;
	s6 =	sshll.u32 s1, $0x2;
	s30 =	sshllo.u32 s1, $0x2  }
0xc: {  	v3 =	vimm.s32 $0x0;
	s28 =	sor.u32 $0x1, s6;
	s29 =	sor.u32 $0x2, s6;
	v9 =	vmov s6;
	s6 =	sadd.s32 $0x4, s6;
	v0 =	vmov s30  }
0xd: {  	v8 =	vmov s28;
	v4 =	vmov s29;
	v6 =	vmov s6;
	s3 =	sadd.s32 $0xE00, s4;
	s4 =	simm.s32 $0x40  }
.LBB2_1:
0xe: {  	p0 =	sne.s32 s4, $0x9C00  }
.Ltmp0:
0xf: {  	s5 =	sshra.s32 s4, $0x2;
	s4 =	sadd.s32 $0x40, s4;
	vm0 =	vlt.s32 v7, v9;
	vm1 =	vlt.s32 v7, v8;
	vm2 =	vlt.s32 v7, v6;
	(pc) =	sbr.rel @p0 .LBB2_1-.Ltmp0, $4  }
0x10: {  	vm3 =	vlt.s32 v7, v4;
	vm4 =	vlt.s32 v7, v0;
	v7 =	vld [tilespmem:s5+$0x0];
	v12 =	vsel vm2, $0x1, v1  }
0x11: {  	v13 =	vsel vm0, $0x1, v1;
	v14 =	vsel vm1, $0x1, v1;
	v2 =	vadd.s32 v12, v2  }
0x12: {  	v10 =	vadd.s32 v13, v10;
	v12 =	vsel vm3, $0x1, v1;
	v13 =	vsel vm4, $0x1, v1  }
0x13: {  	v11 =	vadd.s32 v14, v11;
	v5 =	vadd.s32 v12, v5;
	v3 =	vadd.s32 v13, v3  }
0x14: {  	_ = 	snop  }
0x15: {  	vm0 =	vlt.s32 v7, v9  }
0x16: {  	v9 =	vsel vm0, $0x1, v1  }
0x17: {  	v9 =	vadd.s32 v9, v10  }
0x18: {  	(xrf0) =	vadd.scan.msk.s32 $0xffff, v9;
	_ =	sdelay $0x3  }
0x19: {  	vm14 =	vlt.s32 v7, v8  }
0x1a: {  	v8 =	vsel vm14, $0x1, v1  }
0x1b: {  	v8 =	vadd.s32 v8, v11;
	v9, _, _ =	vpop (xrf0)  }
0x1c: {  	(xrf0) =	vadd.scan.msk.s32 $0xffff, v8;
	(v2sf) =	vpush v9, $0xF;
	_ =	sdelay $0x5  }
0x1d: {  	v8, _, _ =	vpop (xrf0)  }
0x1e: {  	(v2sf) =	vpush v8, $0xF;
	_ =	sdelay $0x7  }
0x1f: {  	s5 =	spop (v2sf)  }
0x20: {  	s4 =	sand.u32 $0x7, s5  }
0x21: {  	s6 =	sshra.s32 s5, $0x1F;
	p0 =	slt.s32 s5, $0x1;
	p1 =	sne.s32 s4, $0x0  }
0x22: {  	s28 =	sshrl.u32 s6, $0x1D;
	p0 =	por !p0, !p1  }
0x23: {  	s6 =	simm.s32 $0x1;
	s4 =	sadd.s32 s28, s5;
	p0 =	por !p0, !p0  }
0x24: {  	s4 =	sshrl.u32 s4, $0x3;
	s6 =	simm.s32 @!p0 $0x0  }
0x25: {  	s6 =	ssub.s32 s4, s6  }
0x26: {  	s4 =	spop (v2sf);
	s6 =	sshll.u32 s6, $0x3  }
0x27: {  	s7 =	ssub.s32 s4, s6  }
0x28: {  	s7 =	sadd.s32 $0x1F, s7  }
0x29: {  	s8 =	sand.u32 $0x1F, s7  }
0x2a: {  	s9 =	sshra.s32 s7, $0x1F;
	p3 =	slt.s32 s7, $0x1;
	p4 =	sne.s32 s8, $0x0  }
0x2b: {  	s29 =	sshrl.u32 s9, $0x1B;
	p0 =	por !p3, !p4  }
0x2c: {  	s8 =	simm.s32 $0x1;
	s7 =	sadd.s32 s29, s7;
	p0 =	por !p0, !p0  }
0x2d: {  	s13 =	simm.s32 $0x2780;
	s7 =	sshra.s32 s7, $0x5;
	s8 =	simm.s32 @!p0 $0x0  }
0x2e: {  	p0 =	slt.s32 s6, $0x26F0;
	s8 =	ssub.s32 s7, s8;
	s7 =	smov.u32 s6  }
0x2f: {  	s31 =	simm.s32 $0x3780;
	s30 =	sadd.s32 $0x1, s8;
	s7 =	simm.s32 @!p0 $0x26F0  }
0x30: {  	p5 =	slt.s32 s8, $0x0;
	s8 =	sadd.s32 $0x20, s6;
	s10 =	sshrl.u32 s30, $0x1F  }
0x31: {  	s11 =	sand.u32 $0x1, s30;
	s7 =	sshll.u32 s7, $0x4;
	p1 =	slt.s32 s8, $0x26F0  }
0x32: {  	s12 =	sadd.s32 s2, s7;
	s7 =	simm.s32 $0x0;
	p6 =	seq.s32 s11, $0x1  }
0x33: {  	[tilespmem:s13], [sflag:$0x1] =	stream.linear.gather [hbm4b:s12+s7], $0x1000, $0x38;
	[tilespmem:$0x4980] =	vst v63  }
0x34: {  	s9 =	sadd.s32 s10, s30;
	s10 =	smov.u32 s8;
	p0 =	por !p5, !p6  }
0x35: {  	vm15 =	vlt.s32 v7, v6;
	vm1 =	vlt.s32 v7, v4;
	s11 =	simm.s32 $0x1;
	s10 =	simm.s32 @!p1 $0x26F0;
	p0 =	por !p0, !p0  }
0x36: {  	vm2 =	vlt.s32 v7, v0;
	v6 =	vimm.f32 $-Inf;
	v7 =	vimm.f32 $-Inf;
	s9 =	sshra.s32 s9, $0x1;
	s10 =	sshll.u32 s10, $0x4;
	s11 =	simm.s32 @!p0 $0x0  }
0x37: {  	s14 =	simm.s32 $0x2;
	v0 =	vsel vm15, $0x1, v1;
	v4 =	vsel vm1, $0x1, v1;
	v1 =	vsel vm2, $0x1, v1;
	s10 =	sadd.s32 s2, s10;
	s9 =	ssub.s32 s9, s11  }
0x38: {  	v0 =	vadd.s32 v0, v2;
	v2 =	vadd.s32 v4, v5;
	v1 =	vadd.s32 v1, v3;
	[tilespmem:s31], [sflag:$0x2] =	stream.linear.gather [hbm4b:s10+s7], $0x1000, $0x38;
	[tilespmem:$0x4980] =	vst v63  }
0x39: {  	v3 =	vimm.f32 $-Inf;
	v4 =	vimm.f32 $-Inf;
	v5 =	vimm.f32 $-Inf;
	s13 =	sadd.s32 $0x60, s6;
	p0 =	sgt.s32 s9, $0x1;
	s12 =	smov.u32 s9  }
0x3a: {  	v10 =	vimm.f32 $-Inf;
	v9 =	vimm.f32 $-Inf;
	v8 =	vimm.f32 $-Inf;
	s10 =	simm.s32 $0x1;
	s11 =	sadd.s32 $0x40, s6;
	s12 =	simm.s32 @!p0 $0x1  }
.LBB2_3:
0x3b: {  	_ =	swait.ge [sflag:s10], $0x1000  }
0x3c: {  	[sflag:s10] =	ssyncset.done $0x0  }
0x3d: {  	s18 =	simm.s32 $0x27C0;
	[sflag:s10] =	ssyncadd.s32 $0xFFFFF000  }
0x3e: {  	v12 =	vld [tilespmem:s18+$0xFFFFFFC0]  }
0x3f: {  	v14 =	vld [tilespmem:s18+$0xFFFFFFD0]  }
0x40: {  	v11 =	vld [tilespmem:s18+$0xFFFFFFE0]  }
0x41: {  	p0 =	slt.s32 s6, $0x26F0;
	s17 =	smov.u32 s6;
	v13 =	vld [tilespmem:s18+$0xFFFFFFF0]  }
0x42: {  	p1 =	slt.s32 s8, $0x26F0;
	s17 =	simm.s32 @!p0 $0x26F0;
	v18 =	vld [tilespmem:s18+$0x0]  }
0x43: {  	s15 =	smov.u32 s8;
	s16 =	sshll.u32 s7, $0x6;
	s19 =	sadd.s32 $0x0, s17;
	v15 =	vld [tilespmem:s18+$0x10]  }
0x44: {  	s15 =	simm.s32 @!p1 $0x26F0;
	p5 =	sge.s32 s19, s5;
	p6 =	slt.s32 s19, s4;
	v19 =	vld [tilespmem:s18+$0x20]  }
0x45: {  	v20 =	vld [tilespmem:s18+$0x30];
	s18 =	simm.s32 $0x2840;
	s19 =	simm.s32 $0x1;
	p1 =	por !p5, !p6  }
.LBB2_4:
0x46: {  	p0 =	sne.s32 s19, $0x1F;
	p1 =	por !p1, !p1;
	v16 =	vmax.f32 v10, v12;
	v12 =	vld [tilespmem:s18+$0xFFFFFFC0];
	v17 =	vmax.f32 v9, v14  }
0x47: {  	v14 =	vld [tilespmem:s18+$0xFFFFFFD0];
	v10 =	vpsel p1, v16, v10;
	v9 =	vpsel p1, v17, v9  }
0x48: {  	v16 =	vmax.f32 v8, v11;
	v17 =	vmax.f32 v7, v13;
	v18 =	vmax.f32 v6, v18;
	v11 =	vld [tilespmem:s18+$0xFFFFFFE0]  }
.Ltmp1:
0x49: {  	v8 =	vpsel p1, v16, v8;
	v7 =	vpsel p1, v17, v7;
	v6 =	vpsel p1, v18, v6;
	v13 =	vld [tilespmem:s18+$0xFFFFFFF0];
	(pc) =	sbr.rel @p0 .LBB2_4-.Ltmp1, $4  }
0x4a: {  	v16 =	vmax.f32 v5, v15;
	v17 =	vmax.f32 v4, v19;
	v18 =	vld [tilespmem:s18+$0x0];
	v19 =	vmax.f32 v3, v20  }
0x4b: {  	s20 =	sadd.s32 s19, s17;
	v5 =	vpsel p1, v16, v5;
	v4 =	vpsel p1, v17, v4;
	v15 =	vld [tilespmem:s18+$0x10];
	v3 =	vpsel p1, v19, v3  }
0x4c: {  	p2 =	slt.s32 s20, s4;
	p1 =	sge.s32 s20, s5;
	v19 =	vld [tilespmem:s18+$0x20]  }
0x4d: {  	s19 =	sadd.s32 $0x1, s19;
	p1 =	por !p1, !p2;
	v20 =	vld [tilespmem:s18+$0x30];
	s18 =	sadd.s32 $0x80, s18  }
0x4e: {  	s7 =	sadd.s32 $0x1, s7  }
0x4f: {  	p0 =	sge.s32 s7, s9  }
0x50: {  	s17 =	sadd.s32 @!p0 s16, s11  }
0x51: {  	p2 =	slt.s32 @!p0 s17, $0x26F0  }
0x52: {  	p2 =	por !p2, p0  }
0x53: {  	s17 =	simm.s32 @p2 $0x26F0  }
0x54: {  	s17 =	sshll.u32 @!p0 s17, $0x4  }
0x55: {  	s18 =	simm.s32 @!p0 $0x0;
	s19 =	simm.s32 @!p0 $0x2780;
	s17 =	sadd.s32 @!p0 s2, s17  }
0x56: {  	[tilespmem:s19], [sflag:$0x1] =	stream.linear.gather @!p0 [hbm4b:s17+s18], $0x1000, $0x38;
	[tilespmem:$0x4980] =	vst v63  }
0x57: {  	_ =	swait.ge [sflag:s14], $0x1000  }
0x58: {  	[sflag:s14] =	ssyncset.done $0x0  }
0x59: {  	s30 =	simm.s32 $0x37C0;
	[sflag:s14] =	ssyncadd.s32 $0xFFFFF000  }
0x5a: {  	v16 =	vld [tilespmem:s30+$0xFFFFFFC0]  }
0x5b: {  	v17 =	vld [tilespmem:s30+$0xFFFFFFD0]  }
0x5c: {  	p1 =	por !p1, !p1;
	v21 =	vmax.f32 v10, v12;
	v14 =	vmax.f32 v9, v14;
	v12 =	vld [tilespmem:s30+$0xFFFFFFE0]  }
0x5d: {  	v11 =	vmax.f32 v8, v11;
	v9 =	vpsel p1, v14, v9;
	v14 =	vld [tilespmem:s30+$0xFFFFFFF0]  }
0x5e: {  	v63 =	vmax.f32 v7, v13;
	v10 =	vpsel p1, v21, v10;
	v18 =	vmax.f32 v6, v18;
	v13 =	vld [tilespmem:s30+$0x0]  }
0x5f: {  	s31 =	sadd.s32 $0x0, s15;
	v8 =	vpsel p1, v11, v8;
	v7 =	vpsel p1, v63, v7;
	v6 =	vpsel p1, v18, v6;
	v11 =	vld [tilespmem:s30+$0x10]  }
0x60: {  	p6 =	sge.s32 s31, s5;
	p3 =	slt.s32 s31, s4;
	v18 =	vmax.f32 v5, v15;
	v19 =	vmax.f32 v4, v19;
	v20 =	vmax.f32 v3, v20;
	v15 =	vld [tilespmem:s30+$0x20]  }
0x61: {  	v5 =	vpsel p1, v18, v5;
	v4 =	vpsel p1, v19, v4;
	v3 =	vpsel p1, v20, v3;
	p2 =	por !p6, !p3;
	s17 =	simm.s32 $0x3840;
	s18 =	simm.s32 $0x1;
	v18 =	vld [tilespmem:s30+$0x30]  }
.LBB2_6:
0x62: {  	p1 =	sne.s32 s18, $0x1F;
	p2 =	por !p2, !p2;
	v19 =	vmax.f32 v10, v16;
	v16 =	vld [tilespmem:s17+$0xFFFFFFC0];
	v20 =	vmax.f32 v9, v17  }
0x63: {  	v17 =	vld [tilespmem:s17+$0xFFFFFFD0];
	v10 =	vpsel p2, v19, v10;
	v9 =	vpsel p2, v20, v9  }
0x64: {  	v19 =	vmax.f32 v8, v12;
	v20 =	vmax.f32 v7, v14;
	v13 =	vmax.f32 v6, v13;
	v12 =	vld [tilespmem:s17+$0xFFFFFFE0]  }
.Ltmp2:
0x65: {  	v8 =	vpsel p2, v19, v8;
	v7 =	vpsel p2, v20, v7;
	v6 =	vpsel p2, v13, v6;
	v14 =	vld [tilespmem:s17+$0xFFFFFFF0];
	(pc) =	sbr.rel @p1 .LBB2_6-.Ltmp2, $4  }
0x66: {  	v19 =	vmax.f32 v5, v11;
	v15 =	vmax.f32 v4, v15;
	v13 =	vld [tilespmem:s17+$0x0];
	v18 =	vmax.f32 v3, v18  }
0x67: {  	s19 =	sadd.s32 s18, s15;
	v5 =	vpsel p2, v19, v5;
	v4 =	vpsel p2, v15, v4;
	v11 =	vld [tilespmem:s17+$0x10];
	v3 =	vpsel p2, v18, v3  }
0x68: {  	p3 =	slt.s32 s19, s4;
	p2 =	sge.s32 s19, s5;
	v15 =	vld [tilespmem:s17+$0x20]  }
0x69: {  	s18 =	sadd.s32 $0x1, s18;
	p2 =	por !p2, !p3;
	v18 =	vld [tilespmem:s17+$0x30];
	s17 =	sadd.s32 $0x80, s17  }
0x6a: {  	s15 =	sadd.s32 @!p0 s16, s13  }
0x6b: {  	p1 =	slt.s32 @!p0 s15, $0x26F0  }
0x6c: {  	p1 =	por !p1, p0  }
0x6d: {  	s15 =	simm.s32 @p1 $0x26F0  }
0x6e: {  	s15 =	sshll.u32 @!p0 s15, $0x4  }
0x6f: {  	s16 =	simm.s32 @!p0 $0x0;
	s17 =	simm.s32 @!p0 $0x3780;
	s15 =	sadd.s32 @!p0 s2, s15  }
0x70: {  	[tilespmem:s17], [sflag:$0x2] =	stream.linear.gather @!p0 [hbm4b:s15+s16], $0x1000, $0x38;
	[tilespmem:$0x4980] =	vst v63  }
0x71: {  	v16 =	vmax.f32 v10, v16;
	p0 =	sne.s32 s7, s12  }
.Ltmp3:
0x72: {  	p6 =	por !p2, !p2;
	v17 =	vmax.f32 v9, v17;
	v12 =	vmax.f32 v8, v12;
	v14 =	vmax.f32 v7, v14;
	(pc) =	sbr.rel @p0 .LBB2_3-.Ltmp3, $4  }
0x73: {  	v10 =	vpsel p6, v16, v10;
	v9 =	vpsel p6, v17, v9;
	v13 =	vmax.f32 v6, v13  }
0x74: {  	v8 =	vpsel p6, v12, v8;
	v7 =	vpsel p6, v14, v7;
	v6 =	vpsel p6, v13, v6  }
0x75: {  	v11 =	vmax.f32 v5, v11;
	v62 =	vmax.f32 v4, v15;
	v63 =	vmax.f32 v3, v18  }
0x76: {  	s6 =	sadd.s32 $0x40, s6;
	s8 =	sadd.s32 $0x40, s8;
	v5 =	vpsel p6, v11, v5;
	v4 =	vpsel p6, v62, v4;
	v3 =	vpsel p6, v63, v3  }
0x77: {  	(xrf0) =	vadd.scan.msk.s32 $0xffff, v2;
	_ =	sdelay $0x5  }
0x78: {  	v2, _, _ =	vpop (xrf0)  }
0x79: {  	(v2sf) =	vpush v2, $0xF;
	_ =	sdelay $0x8  }
0x7a: {  	s5 =	sand.u32 $0x7, s4  }
0x7b: {  	s6 =	sshra.s32 s4, $0x1F;
	p0 =	slt.s32 s4, $0x1;
	p1 =	sne.s32 s5, $0x0  }
0x7c: {  	s28 =	sshrl.u32 s6, $0x1D;
	p0 =	por !p0, !p1  }
0x7d: {  	s6 =	simm.s32 $0x1;
	s5 =	sadd.s32 s28, s4;
	p0 =	por !p0, !p0  }
0x7e: {  	s5 =	sshrl.u32 s5, $0x3;
	s6 =	simm.s32 @!p0 $0x0  }
0x7f: {  	s6 =	ssub.s32 s5, s6  }
0x80: {  	s6 =	sshll.u32 s6, $0x3;
	s5 =	spop (v2sf)  }
0x81: {  	s7 =	ssub.s32 s5, s6  }
0x82: {  	s7 =	sadd.s32 $0x1F, s7  }
0x83: {  	s8 =	sand.u32 $0x1F, s7  }
0x84: {  	s9 =	sshra.s32 s7, $0x1F;
	p3 =	slt.s32 s7, $0x1;
	p4 =	sne.s32 s8, $0x0  }
0x85: {  	[tilespmem:$0x4780] =	vst v10;
	s29 =	sshrl.u32 s9, $0x1B;
	p0 =	por !p3, !p4  }
0x86: {  	[tilespmem:$0x4790] =	vst v9;
	s8 =	simm.s32 $0x1;
	s7 =	sadd.s32 s29, s7;
	p0 =	por !p0, !p0  }
0x87: {  	[tilespmem:$0x47A0] =	vst v8;
	s13 =	simm.s32 $0x2780;
	s7 =	sshra.s32 s7, $0x5;
	s8 =	simm.s32 @!p0 $0x0  }
0x88: {  	[tilespmem:$0x47B0] =	vst v7;
	p0 =	slt.s32 s6, $0x26F0;
	s8 =	ssub.s32 s7, s8;
	s7 =	smov.u32 s6  }
0x89: {  	[tilespmem:$0x47C0] =	vst v6;
	s31 =	simm.s32 $0x3780;
	s30 =	sadd.s32 $0x1, s8;
	s7 =	simm.s32 @!p0 $0x26F0  }
0x8a: {  	[tilespmem:$0x47D0] =	vst v5;
	p5 =	slt.s32 s8, $0x0;
	s8 =	sadd.s32 $0x20, s6;
	s10 =	sshrl.u32 s30, $0x1F  }
0x8b: {  	[tilespmem:$0x47E0] =	vst v4;
	s11 =	sand.u32 $0x1, s30;
	s7 =	sshll.u32 s7, $0x4;
	p1 =	slt.s32 s8, $0x26F0  }
0x8c: {  	[tilespmem:$0x47F0] =	vst v3;
	s12 =	sadd.s32 s2, s7;
	s7 =	simm.s32 $0x0;
	p6 =	seq.s32 s11, $0x1  }
0x8d: {  	[tilespmem:s13], [sflag:$0x1] =	stream.linear.gather [hbm4b:s12+s7], $0x1000, $0x38;
	[tilespmem:$0x4980] =	vst v63  }
0x8e: {  	s9 =	sadd.s32 s10, s30;
	s10 =	smov.u32 s8;
	p0 =	por !p5, !p6  }
0x8f: {  	s11 =	simm.s32 $0x1;
	s10 =	simm.s32 @!p1 $0x26F0;
	p0 =	por !p0, !p0  }
0x90: {  	s9 =	sshra.s32 s9, $0x1;
	s10 =	sshll.u32 s10, $0x4;
	s11 =	simm.s32 @!p0 $0x0  }
0x91: {  	s14 =	simm.s32 $0x2;
	s10 =	sadd.s32 s2, s10;
	s9 =	ssub.s32 s9, s11  }
0x92: {  	v3 =	vimm.f32 $-Inf;
	v4 =	vimm.f32 $-Inf;
	[tilespmem:s31], [sflag:$0x2] =	stream.linear.gather [hbm4b:s10+s7], $0x1000, $0x38;
	[tilespmem:$0x4980] =	vst v63  }
0x93: {  	v5 =	vimm.f32 $-Inf;
	v6 =	vimm.f32 $-Inf;
	v7 =	vimm.f32 $-Inf;
	s13 =	sadd.s32 $0x60, s6;
	p0 =	sgt.s32 s9, $0x1;
	s12 =	smov.u32 s9  }
0x94: {  	v8 =	vimm.f32 $-Inf;
	v9 =	vimm.f32 $-Inf;
	v2 =	vimm.f32 $-Inf;
	s10 =	simm.s32 $0x1;
	s11 =	sadd.s32 $0x40, s6;
	s12 =	simm.s32 @!p0 $0x1  }
.LBB2_9:
0x95: {  	_ =	swait.ge [sflag:s10], $0x1000  }
0x96: {  	[sflag:s10] =	ssyncset.done $0x0  }
0x97: {  	s18 =	simm.s32 $0x27C0;
	[sflag:s10] =	ssyncadd.s32 $0xFFFFF000  }
0x98: {  	v11 =	vld [tilespmem:s18+$0xFFFFFFC0]  }
0x99: {  	v13 =	vld [tilespmem:s18+$0xFFFFFFD0]  }
0x9a: {  	v10 =	vld [tilespmem:s18+$0xFFFFFFE0]  }
0x9b: {  	p0 =	slt.s32 s6, $0x26F0;
	s17 =	smov.u32 s6;
	v12 =	vld [tilespmem:s18+$0xFFFFFFF0]  }
0x9c: {  	p1 =	slt.s32 s8, $0x26F0;
	s17 =	simm.s32 @!p0 $0x26F0;
	v17 =	vld [tilespmem:s18+$0x0]  }
0x9d: {  	s15 =	smov.u32 s8;
	s16 =	sshll.u32 s7, $0x6;
	s19 =	sadd.s32 $0x0, s17;
	v14 =	vld [tilespmem:s18+$0x10]  }
0x9e: {  	s15 =	simm.s32 @!p1 $0x26F0;
	p5 =	sge.s32 s19, s4;
	p6 =	slt.s32 s19, s5;
	v18 =	vld [tilespmem:s18+$0x20]  }
0x9f: {  	v19 =	vld [tilespmem:s18+$0x30];
	s18 =	simm.s32 $0x2840;
	s19 =	simm.s32 $0x1;
	p1 =	por !p5, !p6  }
.LBB2_10:
0xa0: {  	p0 =	sne.s32 s19, $0x1F;
	p1 =	por !p1, !p1;
	v15 =	vmax.f32 v9, v11;
	v11 =	vld [tilespmem:s18+$0xFFFFFFC0];
	v16 =	vmax.f32 v8, v13  }
0xa1: {  	v13 =	vld [tilespmem:s18+$0xFFFFFFD0];
	v9 =	vpsel p1, v15, v9;
	v8 =	vpsel p1, v16, v8  }
0xa2: {  	v15 =	vmax.f32 v7, v10;
	v16 =	vmax.f32 v6, v12;
	v17 =	vmax.f32 v5, v17;
	v10 =	vld [tilespmem:s18+$0xFFFFFFE0]  }
.Ltmp4:
0xa3: {  	v7 =	vpsel p1, v15, v7;
	v6 =	vpsel p1, v16, v6;
	v5 =	vpsel p1, v17, v5;
	v12 =	vld [tilespmem:s18+$0xFFFFFFF0];
	(pc) =	sbr.rel @p0 .LBB2_10-.Ltmp4, $4  }
0xa4: {  	v15 =	vmax.f32 v4, v14;
	v16 =	vmax.f32 v3, v18;
	v17 =	vld [tilespmem:s18+$0x0];
	v18 =	vmax.f32 v2, v19  }
0xa5: {  	s20 =	sadd.s32 s19, s17;
	v4 =	vpsel p1, v15, v4;
	v3 =	vpsel p1, v16, v3;
	v14 =	vld [tilespmem:s18+$0x10];
	v2 =	vpsel p1, v18, v2  }
0xa6: {  	p2 =	slt.s32 s20, s5;
	p1 =	sge.s32 s20, s4;
	v18 =	vld [tilespmem:s18+$0x20]  }
0xa7: {  	s19 =	sadd.s32 $0x1, s19;
	p1 =	por !p1, !p2;
	v19 =	vld [tilespmem:s18+$0x30];
	s18 =	sadd.s32 $0x80, s18  }
0xa8: {  	s7 =	sadd.s32 $0x1, s7  }
0xa9: {  	p0 =	sge.s32 s7, s9  }
0xaa: {  	s17 =	sadd.s32 @!p0 s16, s11  }
0xab: {  	p2 =	slt.s32 @!p0 s17, $0x26F0  }
0xac: {  	p2 =	por !p2, p0  }
0xad: {  	s17 =	simm.s32 @p2 $0x26F0  }
0xae: {  	s17 =	sshll.u32 @!p0 s17, $0x4  }
0xaf: {  	s18 =	simm.s32 @!p0 $0x0;
	s19 =	simm.s32 @!p0 $0x2780;
	s17 =	sadd.s32 @!p0 s2, s17  }
0xb0: {  	[tilespmem:s19], [sflag:$0x1] =	stream.linear.gather @!p0 [hbm4b:s17+s18], $0x1000, $0x38;
	[tilespmem:$0x4980] =	vst v63  }
0xb1: {  	_ =	swait.ge [sflag:s14], $0x1000  }
0xb2: {  	[sflag:s14] =	ssyncset.done $0x0  }
0xb3: {  	s30 =	simm.s32 $0x37C0;
	[sflag:s14] =	ssyncadd.s32 $0xFFFFF000  }
0xb4: {  	v15 =	vld [tilespmem:s30+$0xFFFFFFC0]  }
0xb5: {  	v16 =	vld [tilespmem:s30+$0xFFFFFFD0]  }
0xb6: {  	p1 =	por !p1, !p1;
	v20 =	vmax.f32 v9, v11;
	v13 =	vmax.f32 v8, v13;
	v11 =	vld [tilespmem:s30+$0xFFFFFFE0]  }
0xb7: {  	v10 =	vmax.f32 v7, v10;
	v8 =	vpsel p1, v13, v8;
	v13 =	vld [tilespmem:s30+$0xFFFFFFF0]  }
0xb8: {  	v63 =	vmax.f32 v6, v12;
	v9 =	vpsel p1, v20, v9;
	v17 =	vmax.f32 v5, v17;
	v12 =	vld [tilespmem:s30+$0x0]  }
0xb9: {  	s31 =	sadd.s32 $0x0, s15;
	v7 =	vpsel p1, v10, v7;
	v6 =	vpsel p1, v63, v6;
	v5 =	vpsel p1, v17, v5;
	v10 =	vld [tilespmem:s30+$0x10]  }
0xba: {  	p6 =	sge.s32 s31, s4;
	p3 =	slt.s32 s31, s5;
	v17 =	vmax.f32 v4, v14;
	v18 =	vmax.f32 v3, v18;
	v19 =	vmax.f32 v2, v19;
	v14 =	vld [tilespmem:s30+$0x20]  }
0xbb: {  	v4 =	vpsel p1, v17, v4;
	v3 =	vpsel p1, v18, v3;
	v2 =	vpsel p1, v19, v2;
	p2 =	por !p6, !p3;
	s17 =	simm.s32 $0x3840;
	s18 =	simm.s32 $0x1;
	v17 =	vld [tilespmem:s30+$0x30]  }
.LBB2_12:
0xbc: {  	p1 =	sne.s32 s18, $0x1F;
	p2 =	por !p2, !p2;
	v18 =	vmax.f32 v9, v15;
	v15 =	vld [tilespmem:s17+$0xFFFFFFC0];
	v19 =	vmax.f32 v8, v16  }
0xbd: {  	v16 =	vld [tilespmem:s17+$0xFFFFFFD0];
	v9 =	vpsel p2, v18, v9;
	v8 =	vpsel p2, v19, v8  }
0xbe: {  	v18 =	vmax.f32 v7, v11;
	v19 =	vmax.f32 v6, v13;
	v12 =	vmax.f32 v5, v12;
	v11 =	vld [tilespmem:s17+$0xFFFFFFE0]  }
.Ltmp5:
0xbf: {  	v7 =	vpsel p2, v18, v7;
	v6 =	vpsel p2, v19, v6;
	v5 =	vpsel p2, v12, v5;
	v13 =	vld [tilespmem:s17+$0xFFFFFFF0];
	(pc) =	sbr.rel @p1 .LBB2_12-.Ltmp5, $4  }
0xc0: {  	v18 =	vmax.f32 v4, v10;
	v14 =	vmax.f32 v3, v14;
	v12 =	vld [tilespmem:s17+$0x0];
	v17 =	vmax.f32 v2, v17  }
0xc1: {  	s19 =	sadd.s32 s18, s15;
	v4 =	vpsel p2, v18, v4;
	v3 =	vpsel p2, v14, v3;
	v10 =	vld [tilespmem:s17+$0x10];
	v2 =	vpsel p2, v17, v2  }
0xc2: {  	p3 =	slt.s32 s19, s5;
	p2 =	sge.s32 s19, s4;
	v14 =	vld [tilespmem:s17+$0x20]  }
0xc3: {  	s18 =	sadd.s32 $0x1, s18;
	p2 =	por !p2, !p3;
	v17 =	vld [tilespmem:s17+$0x30];
	s17 =	sadd.s32 $0x80, s17  }
0xc4: {  	s15 =	sadd.s32 @!p0 s16, s13  }
0xc5: {  	p1 =	slt.s32 @!p0 s15, $0x26F0  }
0xc6: {  	p1 =	por !p1, p0  }
0xc7: {  	s15 =	simm.s32 @p1 $0x26F0  }
0xc8: {  	s15 =	sshll.u32 @!p0 s15, $0x4  }
0xc9: {  	s16 =	simm.s32 @!p0 $0x0;
	s17 =	simm.s32 @!p0 $0x3780;
	s15 =	sadd.s32 @!p0 s2, s15  }
0xca: {  	[tilespmem:s17], [sflag:$0x2] =	stream.linear.gather @!p0 [hbm4b:s15+s16], $0x1000, $0x38;
	[tilespmem:$0x4980] =	vst v63  }
0xcb: {  	v15 =	vmax.f32 v9, v15;
	p0 =	sne.s32 s7, s12  }
.Ltmp6:
0xcc: {  	p6 =	por !p2, !p2;
	v16 =	vmax.f32 v8, v16;
	v11 =	vmax.f32 v7, v11;
	v13 =	vmax.f32 v6, v13;
	(pc) =	sbr.rel @p0 .LBB2_9-.Ltmp6, $4  }
0xcd: {  	v9 =	vpsel p6, v15, v9;
	v8 =	vpsel p6, v16, v8;
	v12 =	vmax.f32 v5, v12  }
0xce: {  	v7 =	vpsel p6, v11, v7;
	v6 =	vpsel p6, v13, v6;
	v5 =	vpsel p6, v12, v5  }
0xcf: {  	v10 =	vmax.f32 v4, v10;
	v11 =	vmax.f32 v3, v14;
	v63 =	vmax.f32 v2, v17  }
0xd0: {  	s6 =	sadd.s32 $0x40, s6;
	s8 =	sadd.s32 $0x40, s8;
	v4 =	vpsel p6, v10, v4;
	v3 =	vpsel p6, v11, v3;
	v2 =	vpsel p6, v63, v2  }
0xd1: {  	(xrf0) =	vadd.scan.msk.s32 $0xffff, v1;
	_ =	sdelay $0x5  }
0xd2: {  	v1, _, _ =	vpop (xrf0)  }
0xd3: {  	(v2sf) =	vpush v1, $0xF;
	_ =	sdelay $0x8  }
0xd4: {  	s4 =	sand.u32 $0x7, s5  }
0xd5: {  	s6 =	sshra.s32 s5, $0x1F;
	p0 =	slt.s32 s5, $0x1;
	p1 =	sne.s32 s4, $0x0  }
0xd6: {  	s28 =	sshrl.u32 s6, $0x1D;
	p0 =	por !p0, !p1  }
0xd7: {  	s6 =	simm.s32 $0x1;
	s4 =	sadd.s32 s28, s5;
	p0 =	por !p0, !p0  }
0xd8: {  	s4 =	sshrl.u32 s4, $0x3;
	s6 =	simm.s32 @!p0 $0x0  }
0xd9: {  	s6 =	ssub.s32 s4, s6  }
0xda: {  	s6 =	sshll.u32 s6, $0x3;
	s4 =	spop (v2sf)  }
0xdb: {  	s7 =	ssub.s32 s4, s6  }
0xdc: {  	s7 =	sadd.s32 $0x1F, s7  }
0xdd: {  	s8 =	sand.u32 $0x1F, s7  }
0xde: {  	s9 =	sshra.s32 s7, $0x1F;
	p3 =	slt.s32 s7, $0x1;
	p4 =	sne.s32 s8, $0x0  }
0xdf: {  	[tilespmem:$0x4800] =	vst v9;
	s29 =	sshrl.u32 s9, $0x1B;
	p0 =	por !p3, !p4  }
0xe0: {  	[tilespmem:$0x4810] =	vst v8;
	s8 =	simm.s32 $0x1;
	s7 =	sadd.s32 s29, s7;
	p0 =	por !p0, !p0  }
0xe1: {  	[tilespmem:$0x4820] =	vst v7;
	s13 =	simm.s32 $0x2780;
	s7 =	sshra.s32 s7, $0x5;
	s8 =	simm.s32 @!p0 $0x0  }
0xe2: {  	[tilespmem:$0x4830] =	vst v6;
	p0 =	slt.s32 s6, $0x26F0;
	s8 =	ssub.s32 s7, s8;
	s7 =	smov.u32 s6  }
0xe3: {  	[tilespmem:$0x4840] =	vst v5;
	s31 =	simm.s32 $0x3780;
	s30 =	sadd.s32 $0x1, s8;
	s7 =	simm.s32 @!p0 $0x26F0  }
0xe4: {  	[tilespmem:$0x4850] =	vst v4;
	p5 =	slt.s32 s8, $0x0;
	s8 =	sadd.s32 $0x20, s6;
	s10 =	sshrl.u32 s30, $0x1F  }
0xe5: {  	[tilespmem:$0x4860] =	vst v3;
	s11 =	sand.u32 $0x1, s30;
	s7 =	sshll.u32 s7, $0x4;
	p1 =	slt.s32 s8, $0x26F0  }
0xe6: {  	[tilespmem:$0x4870] =	vst v2;
	s12 =	sadd.s32 s2, s7;
	s7 =	simm.s32 $0x0;
	p6 =	seq.s32 s11, $0x1  }
0xe7: {  	[tilespmem:s13], [sflag:$0x1] =	stream.linear.gather [hbm4b:s12+s7], $0x1000, $0x38;
	[tilespmem:$0x4980] =	vst v63  }
0xe8: {  	s9 =	sadd.s32 s10, s30;
	s10 =	smov.u32 s8;
	p0 =	por !p5, !p6  }
0xe9: {  	s11 =	simm.s32 $0x1;
	s10 =	simm.s32 @!p1 $0x26F0;
	p0 =	por !p0, !p0  }
0xea: {  	s9 =	sshra.s32 s9, $0x1;
	s10 =	sshll.u32 s10, $0x4;
	s11 =	simm.s32 @!p0 $0x0  }
0xeb: {  	s14 =	simm.s32 $0x2;
	s10 =	sadd.s32 s2, s10;
	s9 =	ssub.s32 s9, s11  }
0xec: {  	v2 =	vimm.f32 $-Inf;
	v3 =	vimm.f32 $-Inf;
	[tilespmem:s31], [sflag:$0x2] =	stream.linear.gather [hbm4b:s10+s7], $0x1000, $0x38;
	[tilespmem:$0x4980] =	vst v63  }
0xed: {  	v4 =	vimm.f32 $-Inf;
	v5 =	vimm.f32 $-Inf;
	v6 =	vimm.f32 $-Inf;
	s13 =	sadd.s32 $0x60, s6;
	p0 =	sgt.s32 s9, $0x1;
	s12 =	smov.u32 s9  }
0xee: {  	v7 =	vimm.f32 $-Inf;
	v8 =	vimm.f32 $-Inf;
	v1 =	vimm.f32 $-Inf;
	s10 =	simm.s32 $0x1;
	s11 =	sadd.s32 $0x40, s6;
	s12 =	simm.s32 @!p0 $0x1  }
.LBB2_15:
0xef: {  	_ =	swait.ge [sflag:s10], $0x1000  }
0xf0: {  	[sflag:s10] =	ssyncset.done $0x0  }
0xf1: {  	s18 =	simm.s32 $0x27C0;
	[sflag:s10] =	ssyncadd.s32 $0xFFFFF000  }
0xf2: {  	v10 =	vld [tilespmem:s18+$0xFFFFFFC0]  }
0xf3: {  	v12 =	vld [tilespmem:s18+$0xFFFFFFD0]  }
0xf4: {  	v9 =	vld [tilespmem:s18+$0xFFFFFFE0]  }
0xf5: {  	p0 =	slt.s32 s6, $0x26F0;
	s17 =	smov.u32 s6;
	v11 =	vld [tilespmem:s18+$0xFFFFFFF0]  }
0xf6: {  	p1 =	slt.s32 s8, $0x26F0;
	s17 =	simm.s32 @!p0 $0x26F0;
	v16 =	vld [tilespmem:s18+$0x0]  }
0xf7: {  	s15 =	smov.u32 s8;
	s16 =	sshll.u32 s7, $0x6;
	s19 =	sadd.s32 $0x0, s17;
	v13 =	vld [tilespmem:s18+$0x10]  }
0xf8: {  	s15 =	simm.s32 @!p1 $0x26F0;
	p5 =	sge.s32 s19, s5;
	p6 =	slt.s32 s19, s4;
	v17 =	vld [tilespmem:s18+$0x20]  }
0xf9: {  	v18 =	vld [tilespmem:s18+$0x30];
	s18 =	simm.s32 $0x2840;
	s19 =	simm.s32 $0x1;
	p1 =	por !p5, !p6  }
.LBB2_16:
0xfa: {  	p0 =	sne.s32 s19, $0x1F;
	p1 =	por !p1, !p1;
	v14 =	vmax.f32 v8, v10;
	v10 =	vld [tilespmem:s18+$0xFFFFFFC0];
	v15 =	vmax.f32 v7, v12  }
0xfb: {  	v12 =	vld [tilespmem:s18+$0xFFFFFFD0];
	v8 =	vpsel p1, v14, v8;
	v7 =	vpsel p1, v15, v7  }
0xfc: {  	v14 =	vmax.f32 v6, v9;
	v15 =	vmax.f32 v5, v11;
	v16 =	vmax.f32 v4, v16;
	v9 =	vld [tilespmem:s18+$0xFFFFFFE0]  }
.Ltmp7:
0xfd: {  	v6 =	vpsel p1, v14, v6;
	v5 =	vpsel p1, v15, v5;
	v4 =	vpsel p1, v16, v4;
	v11 =	vld [tilespmem:s18+$0xFFFFFFF0];
	(pc) =	sbr.rel @p0 .LBB2_16-.Ltmp7, $4  }
0xfe: {  	v14 =	vmax.f32 v3, v13;
	v15 =	vmax.f32 v2, v17;
	v16 =	vld [tilespmem:s18+$0x0];
	v17 =	vmax.f32 v1, v18  }
0xff: {  	s20 =	sadd.s32 s19, s17;
	v3 =	vpsel p1, v14, v3;
	v2 =	vpsel p1, v15, v2;
	v13 =	vld [tilespmem:s18+$0x10];
	v1 =	vpsel p1, v17, v1  }
0x100: {  	p2 =	slt.s32 s20, s4;
	p1 =	sge.s32 s20, s5;
	v17 =	vld [tilespmem:s18+$0x20]  }
0x101: {  	s19 =	sadd.s32 $0x1, s19;
	p1 =	por !p1, !p2;
	v18 =	vld [tilespmem:s18+$0x30];
	s18 =	sadd.s32 $0x80, s18  }
0x102: {  	s7 =	sadd.s32 $0x1, s7  }
0x103: {  	p0 =	sge.s32 s7, s9  }
0x104: {  	s17 =	sadd.s32 @!p0 s16, s11  }
0x105: {  	p2 =	slt.s32 @!p0 s17, $0x26F0  }
0x106: {  	p2 =	por !p2, p0  }
0x107: {  	s17 =	simm.s32 @p2 $0x26F0  }
0x108: {  	s17 =	sshll.u32 @!p0 s17, $0x4  }
0x109: {  	s18 =	simm.s32 @!p0 $0x0;
	s19 =	simm.s32 @!p0 $0x2780;
	s17 =	sadd.s32 @!p0 s2, s17  }
0x10a: {  	[tilespmem:s19], [sflag:$0x1] =	stream.linear.gather @!p0 [hbm4b:s17+s18], $0x1000, $0x38;
	[tilespmem:$0x4980] =	vst v63  }
0x10b: {  	_ =	swait.ge [sflag:s14], $0x1000  }
0x10c: {  	[sflag:s14] =	ssyncset.done $0x0  }
0x10d: {  	s30 =	simm.s32 $0x37C0;
	[sflag:s14] =	ssyncadd.s32 $0xFFFFF000  }
0x10e: {  	v14 =	vld [tilespmem:s30+$0xFFFFFFC0]  }
0x10f: {  	v15 =	vld [tilespmem:s30+$0xFFFFFFD0]  }
0x110: {  	p1 =	por !p1, !p1;
	v19 =	vmax.f32 v8, v10;
	v12 =	vmax.f32 v7, v12;
	v10 =	vld [tilespmem:s30+$0xFFFFFFE0]  }
0x111: {  	v9 =	vmax.f32 v6, v9;
	v7 =	vpsel p1, v12, v7;
	v12 =	vld [tilespmem:s30+$0xFFFFFFF0]  }
0x112: {  	v8 =	vpsel p1, v19, v8;
	v19 =	vmax.f32 v5, v11;
	v16 =	vmax.f32 v4, v16;
	v11 =	vld [tilespmem:s30+$0x0]  }
0x113: {  	s31 =	sadd.s32 $0x0, s15;
	v6 =	vpsel p1, v9, v6;
	v5 =	vpsel p1, v19, v5;
	v4 =	vpsel p1, v16, v4;
	v9 =	vld [tilespmem:s30+$0x10]  }
0x114: {  	p6 =	sge.s32 s31, s5;
	p3 =	slt.s32 s31, s4;
	v16 =	vmax.f32 v3, v13;
	v17 =	vmax.f32 v2, v17;
	v18 =	vmax.f32 v1, v18;
	v13 =	vld [tilespmem:s30+$0x20]  }
0x115: {  	v3 =	vpsel p1, v16, v3;
	v2 =	vpsel p1, v17, v2;
	v1 =	vpsel p1, v18, v1;
	p2 =	por !p6, !p3;
	s17 =	simm.s32 $0x3840;
	s18 =	simm.s32 $0x1;
	v16 =	vld [tilespmem:s30+$0x30]  }
.LBB2_18:
0x116: {  	p1 =	sne.s32 s18, $0x1F;
	p2 =	por !p2, !p2;
	v17 =	vmax.f32 v8, v14;
	v14 =	vld [tilespmem:s17+$0xFFFFFFC0];
	v18 =	vmax.f32 v7, v15  }
0x117: {  	v15 =	vld [tilespmem:s17+$0xFFFFFFD0];
	v8 =	vpsel p2, v17, v8;
	v7 =	vpsel p2, v18, v7  }
0x118: {  	v17 =	vmax.f32 v6, v10;
	v18 =	vmax.f32 v5, v12;
	v11 =	vmax.f32 v4, v11;
	v10 =	vld [tilespmem:s17+$0xFFFFFFE0]  }
.Ltmp8:
0x119: {  	v6 =	vpsel p2, v17, v6;
	v5 =	vpsel p2, v18, v5;
	v4 =	vpsel p2, v11, v4;
	v12 =	vld [tilespmem:s17+$0xFFFFFFF0];
	(pc) =	sbr.rel @p1 .LBB2_18-.Ltmp8, $4  }
0x11a: {  	v17 =	vmax.f32 v3, v9;
	v13 =	vmax.f32 v2, v13;
	v11 =	vld [tilespmem:s17+$0x0];
	v16 =	vmax.f32 v1, v16  }
0x11b: {  	s19 =	sadd.s32 s18, s15;
	v3 =	vpsel p2, v17, v3;
	v2 =	vpsel p2, v13, v2;
	v9 =	vld [tilespmem:s17+$0x10];
	v1 =	vpsel p2, v16, v1  }
0x11c: {  	p3 =	slt.s32 s19, s4;
	p2 =	sge.s32 s19, s5;
	v13 =	vld [tilespmem:s17+$0x20]  }
0x11d: {  	s18 =	sadd.s32 $0x1, s18;
	p2 =	por !p2, !p3;
	v16 =	vld [tilespmem:s17+$0x30];
	s17 =	sadd.s32 $0x80, s17  }
0x11e: {  	s15 =	sadd.s32 @!p0 s16, s13  }
0x11f: {  	p1 =	slt.s32 @!p0 s15, $0x26F0  }
0x120: {  	p1 =	por !p1, p0  }
0x121: {  	s15 =	simm.s32 @p1 $0x26F0  }
0x122: {  	s15 =	sshll.u32 @!p0 s15, $0x4  }
0x123: {  	s16 =	simm.s32 @!p0 $0x0;
	s17 =	simm.s32 @!p0 $0x3780;
	s15 =	sadd.s32 @!p0 s2, s15  }
0x124: {  	[tilespmem:s17], [sflag:$0x2] =	stream.linear.gather @!p0 [hbm4b:s15+s16], $0x1000, $0x38;
	[tilespmem:$0x4980] =	vst v63  }
0x125: {  	v14 =	vmax.f32 v8, v14;
	p0 =	sne.s32 s7, s12  }
.Ltmp9:
0x126: {  	p6 =	por !p2, !p2;
	v15 =	vmax.f32 v7, v15;
	v10 =	vmax.f32 v6, v10;
	v12 =	vmax.f32 v5, v12;
	(pc) =	sbr.rel @p0 .LBB2_15-.Ltmp9, $4  }
0x127: {  	v8 =	vpsel p6, v14, v8;
	v7 =	vpsel p6, v15, v7;
	v11 =	vmax.f32 v4, v11  }
0x128: {  	v6 =	vpsel p6, v10, v6;
	v5 =	vpsel p6, v12, v5;
	v4 =	vpsel p6, v11, v4  }
0x129: {  	v9 =	vmax.f32 v3, v9;
	v10 =	vmax.f32 v2, v13;
	v11 =	vmax.f32 v1, v16  }
0x12a: {  	s6 =	sadd.s32 $0x40, s6;
	s8 =	sadd.s32 $0x40, s8;
	v3 =	vpsel p6, v9, v3;
	v2 =	vpsel p6, v10, v2;
	v1 =	vpsel p6, v11, v1  }
0x12b: {  	(xrf0) =	vadd.scan.msk.s32 $0xffff, v0;
	_ =	sdelay $0x5  }
0x12c: {  	v0, _, _ =	vpop (xrf0)  }
0x12d: {  	(v2sf) =	vpush v0, $0xF;
	_ =	sdelay $0x8  }
0x12e: {  	s5 =	sand.u32 $0x7, s4  }
0x12f: {  	s6 =	sshra.s32 s4, $0x1F;
	p0 =	slt.s32 s4, $0x1;
	p1 =	sne.s32 s5, $0x0  }
0x130: {  	s28 =	sshrl.u32 s6, $0x1D;
	p0 =	por !p0, !p1  }
0x131: {  	s6 =	simm.s32 $0x1;
	s5 =	sadd.s32 s28, s4;
	p0 =	por !p0, !p0  }
0x132: {  	s5 =	sshrl.u32 s5, $0x3;
	s6 =	simm.s32 @!p0 $0x0  }
0x133: {  	s6 =	ssub.s32 s5, s6  }
0x134: {  	s6 =	sshll.u32 s6, $0x3;
	s5 =	spop (v2sf)  }
0x135: {  	s7 =	ssub.s32 s5, s6  }
0x136: {  	s7 =	sadd.s32 $0x1F, s7  }
0x137: {  	s8 =	sand.u32 $0x1F, s7  }
0x138: {  	s9 =	sshra.s32 s7, $0x1F;
	p3 =	slt.s32 s7, $0x1;
	p4 =	sne.s32 s8, $0x0  }
0x139: {  	[tilespmem:$0x4880] =	vst v8;
	s29 =	sshrl.u32 s9, $0x1B;
	p0 =	por !p3, !p4  }
0x13a: {  	[tilespmem:$0x4890] =	vst v7;
	s8 =	simm.s32 $0x1;
	s7 =	sadd.s32 s29, s7;
	p0 =	por !p0, !p0  }
0x13b: {  	[tilespmem:$0x48A0] =	vst v6;
	s13 =	simm.s32 $0x2780;
	s7 =	sshra.s32 s7, $0x5;
	s8 =	simm.s32 @!p0 $0x0  }
0x13c: {  	[tilespmem:$0x48B0] =	vst v5;
	p0 =	slt.s32 s6, $0x26F0;
	s8 =	ssub.s32 s7, s8;
	s7 =	smov.u32 s6  }
0x13d: {  	[tilespmem:$0x48C0] =	vst v4;
	s31 =	simm.s32 $0x3780;
	s30 =	sadd.s32 $0x1, s8;
	s7 =	simm.s32 @!p0 $0x26F0  }
0x13e: {  	[tilespmem:$0x48D0] =	vst v3;
	p5 =	slt.s32 s8, $0x0;
	s8 =	sadd.s32 $0x20, s6;
	s10 =	sshrl.u32 s30, $0x1F  }
0x13f: {  	[tilespmem:$0x48E0] =	vst v2;
	s11 =	sand.u32 $0x1, s30;
	s7 =	sshll.u32 s7, $0x4;
	p1 =	slt.s32 s8, $0x26F0  }
0x140: {  	[tilespmem:$0x48F0] =	vst v1;
	s12 =	sadd.s32 s2, s7;
	s7 =	simm.s32 $0x0;
	p6 =	seq.s32 s11, $0x1  }
0x141: {  	[tilespmem:s13], [sflag:$0x1] =	stream.linear.gather [hbm4b:s12+s7], $0x1000, $0x38;
	[tilespmem:$0x4980] =	vst v63  }
0x142: {  	s9 =	sadd.s32 s10, s30;
	s10 =	smov.u32 s8;
	p0 =	por !p5, !p6  }
0x143: {  	s11 =	simm.s32 $0x1;
	s10 =	simm.s32 @!p1 $0x26F0;
	p0 =	por !p0, !p0  }
0x144: {  	s9 =	sshra.s32 s9, $0x1;
	s10 =	sshll.u32 s10, $0x4;
	s11 =	simm.s32 @!p0 $0x0  }
0x145: {  	s14 =	simm.s32 $0x2;
	s10 =	sadd.s32 s2, s10;
	s9 =	ssub.s32 s9, s11  }
0x146: {  	v1 =	vimm.f32 $-Inf;
	v2 =	vimm.f32 $-Inf;
	[tilespmem:s31], [sflag:$0x2] =	stream.linear.gather [hbm4b:s10+s7], $0x1000, $0x38;
	[tilespmem:$0x4980] =	vst v63  }
0x147: {  	v3 =	vimm.f32 $-Inf;
	v4 =	vimm.f32 $-Inf;
	v6 =	vimm.f32 $-Inf;
	s13 =	sadd.s32 $0x60, s6;
	p0 =	sgt.s32 s9, $0x1;
	s12 =	smov.u32 s9  }
0x148: {  	v5 =	vimm.f32 $-Inf;
	v7 =	vimm.f32 $-Inf;
	v0 =	vimm.f32 $-Inf;
	s10 =	simm.s32 $0x1;
	s11 =	sadd.s32 $0x40, s6;
	s12 =	simm.s32 @!p0 $0x1  }
.LBB2_21:
0x149: {  	_ =	swait.ge [sflag:s10], $0x1000  }
0x14a: {  	[sflag:s10] =	ssyncset.done $0x0  }
0x14b: {  	s18 =	simm.s32 $0x27C0;
	[sflag:s10] =	ssyncadd.s32 $0xFFFFF000  }
0x14c: {  	v9 =	vld [tilespmem:s18+$0xFFFFFFC0]  }
0x14d: {  	v11 =	vld [tilespmem:s18+$0xFFFFFFD0]  }
0x14e: {  	v8 =	vld [tilespmem:s18+$0xFFFFFFE0]  }
0x14f: {  	p0 =	slt.s32 s6, $0x26F0;
	s17 =	smov.u32 s6;
	v10 =	vld [tilespmem:s18+$0xFFFFFFF0]  }
0x150: {  	p1 =	slt.s32 s8, $0x26F0;
	s17 =	simm.s32 @!p0 $0x26F0;
	v15 =	vld [tilespmem:s18+$0x0]  }
0x151: {  	s15 =	smov.u32 s8;
	s16 =	sshll.u32 s7, $0x6;
	s19 =	sadd.s32 $0x0, s17;
	v12 =	vld [tilespmem:s18+$0x10]  }
0x152: {  	s15 =	simm.s32 @!p1 $0x26F0;
	p5 =	sge.s32 s19, s4;
	p6 =	slt.s32 s19, s5;
	v16 =	vld [tilespmem:s18+$0x20]  }
0x153: {  	v17 =	vld [tilespmem:s18+$0x30];
	s18 =	simm.s32 $0x2840;
	s19 =	simm.s32 $0x1;
	p1 =	por !p5, !p6  }
.LBB2_22:
0x154: {  	p0 =	sne.s32 s19, $0x1F;
	p1 =	por !p1, !p1;
	v13 =	vmax.f32 v7, v9;
	v9 =	vld [tilespmem:s18+$0xFFFFFFC0];
	v14 =	vmax.f32 v5, v11  }
0x155: {  	v11 =	vld [tilespmem:s18+$0xFFFFFFD0];
	v7 =	vpsel p1, v13, v7;
	v5 =	vpsel p1, v14, v5  }
0x156: {  	v13 =	vmax.f32 v6, v8;
	v14 =	vmax.f32 v4, v10;
	v15 =	vmax.f32 v3, v15;
	v8 =	vld [tilespmem:s18+$0xFFFFFFE0]  }
.Ltmp10:
0x157: {  	v6 =	vpsel p1, v13, v6;
	v4 =	vpsel p1, v14, v4;
	v3 =	vpsel p1, v15, v3;
	v10 =	vld [tilespmem:s18+$0xFFFFFFF0];
	(pc) =	sbr.rel @p0 .LBB2_22-.Ltmp10, $4  }
0x158: {  	v13 =	vmax.f32 v2, v12;
	v14 =	vmax.f32 v1, v16;
	v15 =	vld [tilespmem:s18+$0x0];
	v16 =	vmax.f32 v0, v17  }
0x159: {  	s20 =	sadd.s32 s19, s17;
	v2 =	vpsel p1, v13, v2;
	v1 =	vpsel p1, v14, v1;
	v12 =	vld [tilespmem:s18+$0x10];
	v0 =	vpsel p1, v16, v0  }
0x15a: {  	p2 =	slt.s32 s20, s5;
	p1 =	sge.s32 s20, s4;
	v16 =	vld [tilespmem:s18+$0x20]  }
0x15b: {  	s19 =	sadd.s32 $0x1, s19;
	p1 =	por !p1, !p2;
	v17 =	vld [tilespmem:s18+$0x30];
	s18 =	sadd.s32 $0x80, s18  }
0x15c: {  	s7 =	sadd.s32 $0x1, s7  }
0x15d: {  	p0 =	sge.s32 s7, s9  }
0x15e: {  	s17 =	sadd.s32 @!p0 s16, s11  }
0x15f: {  	p2 =	slt.s32 @!p0 s17, $0x26F0  }
0x160: {  	p2 =	por !p2, p0  }
0x161: {  	s17 =	simm.s32 @p2 $0x26F0  }
0x162: {  	s17 =	sshll.u32 @!p0 s17, $0x4  }
0x163: {  	s18 =	simm.s32 @!p0 $0x0;
	s19 =	simm.s32 @!p0 $0x2780;
	s17 =	sadd.s32 @!p0 s2, s17  }
0x164: {  	[tilespmem:s19], [sflag:$0x1] =	stream.linear.gather @!p0 [hbm4b:s17+s18], $0x1000, $0x38;
	[tilespmem:$0x4980] =	vst v63  }
0x165: {  	_ =	swait.ge [sflag:s14], $0x1000  }
0x166: {  	[sflag:s14] =	ssyncset.done $0x0  }
0x167: {  	s30 =	simm.s32 $0x37C0;
	[sflag:s14] =	ssyncadd.s32 $0xFFFFF000  }
0x168: {  	v13 =	vld [tilespmem:s30+$0xFFFFFFC0]  }
0x169: {  	v14 =	vld [tilespmem:s30+$0xFFFFFFD0]  }
0x16a: {  	p1 =	por !p1, !p1;
	v18 =	vmax.f32 v7, v9;
	v11 =	vmax.f32 v5, v11;
	v9 =	vld [tilespmem:s30+$0xFFFFFFE0]  }
0x16b: {  	v8 =	vmax.f32 v6, v8;
	v5 =	vpsel p1, v11, v5;
	v11 =	vld [tilespmem:s30+$0xFFFFFFF0]  }
0x16c: {  	v63 =	vmax.f32 v4, v10;
	v7 =	vpsel p1, v18, v7;
	v15 =	vmax.f32 v3, v15;
	v10 =	vld [tilespmem:s30+$0x0]  }
0x16d: {  	s31 =	sadd.s32 $0x0, s15;
	v6 =	vpsel p1, v8, v6;
	v4 =	vpsel p1, v63, v4;
	v3 =	vpsel p1, v15, v3;
	v8 =	vld [tilespmem:s30+$0x10]  }
0x16e: {  	p6 =	sge.s32 s31, s4;
	p3 =	slt.s32 s31, s5;
	v15 =	vmax.f32 v2, v12;
	v16 =	vmax.f32 v1, v16;
	v17 =	vmax.f32 v0, v17;
	v12 =	vld [tilespmem:s30+$0x20]  }
0x16f: {  	v2 =	vpsel p1, v15, v2;
	v1 =	vpsel p1, v16, v1;
	v0 =	vpsel p1, v17, v0;
	p2 =	por !p6, !p3;
	s17 =	simm.s32 $0x3840;
	s18 =	simm.s32 $0x1;
	v15 =	vld [tilespmem:s30+$0x30]  }
.LBB2_24:
0x170: {  	p1 =	sne.s32 s18, $0x1F;
	p2 =	por !p2, !p2;
	v16 =	vmax.f32 v7, v13;
	v13 =	vld [tilespmem:s17+$0xFFFFFFC0];
	v17 =	vmax.f32 v5, v14  }
0x171: {  	v14 =	vld [tilespmem:s17+$0xFFFFFFD0];
	v7 =	vpsel p2, v16, v7;
	v5 =	vpsel p2, v17, v5  }
0x172: {  	v16 =	vmax.f32 v6, v9;
	v17 =	vmax.f32 v4, v11;
	v10 =	vmax.f32 v3, v10;
	v9 =	vld [tilespmem:s17+$0xFFFFFFE0]  }
.Ltmp11:
0x173: {  	v6 =	vpsel p2, v16, v6;
	v4 =	vpsel p2, v17, v4;
	v3 =	vpsel p2, v10, v3;
	v11 =	vld [tilespmem:s17+$0xFFFFFFF0];
	(pc) =	sbr.rel @p1 .LBB2_24-.Ltmp11, $4  }
0x174: {  	v16 =	vmax.f32 v2, v8;
	v12 =	vmax.f32 v1, v12;
	v10 =	vld [tilespmem:s17+$0x0];
	v15 =	vmax.f32 v0, v15  }
0x175: {  	s19 =	sadd.s32 s18, s15;
	v2 =	vpsel p2, v16, v2;
	v1 =	vpsel p2, v12, v1;
	v8 =	vld [tilespmem:s17+$0x10];
	v0 =	vpsel p2, v15, v0  }
0x176: {  	p3 =	slt.s32 s19, s5;
	p2 =	sge.s32 s19, s4;
	v12 =	vld [tilespmem:s17+$0x20]  }
0x177: {  	s18 =	sadd.s32 $0x1, s18;
	p2 =	por !p2, !p3;
	v15 =	vld [tilespmem:s17+$0x30];
	s17 =	sadd.s32 $0x80, s17  }
0x178: {  	s15 =	sadd.s32 @!p0 s16, s13  }
0x179: {  	p1 =	slt.s32 @!p0 s15, $0x26F0  }
0x17a: {  	p1 =	por !p1, p0  }
0x17b: {  	s15 =	simm.s32 @p1 $0x26F0  }
0x17c: {  	s15 =	sshll.u32 @!p0 s15, $0x4  }
0x17d: {  	s16 =	simm.s32 @!p0 $0x0;
	s17 =	simm.s32 @!p0 $0x3780;
	s15 =	sadd.s32 @!p0 s2, s15  }
0x17e: {  	[tilespmem:s17], [sflag:$0x2] =	stream.linear.gather @!p0 [hbm4b:s15+s16], $0x1000, $0x38;
	[tilespmem:$0x4980] =	vst v63  }
0x17f: {  	v13 =	vmax.f32 v7, v13;
	p0 =	sne.s32 s7, s12  }
.Ltmp12:
0x180: {  	p6 =	por !p2, !p2;
	v14 =	vmax.f32 v5, v14;
	v9 =	vmax.f32 v6, v9;
	v11 =	vmax.f32 v4, v11;
	(pc) =	sbr.rel @p0 .LBB2_21-.Ltmp12, $4  }
0x181: {  	v7 =	vpsel p6, v13, v7;
	v5 =	vpsel p6, v14, v5;
	v10 =	vmax.f32 v3, v10  }
0x182: {  	v6 =	vpsel p6, v9, v6;
	v4 =	vpsel p6, v11, v4;
	v3 =	vpsel p6, v10, v3  }
0x183: {  	v8 =	vmax.f32 v2, v8;
	v62 =	vmax.f32 v1, v12;
	v63 =	vmax.f32 v0, v15  }
0x184: {  	s6 =	sadd.s32 $0x40, s6;
	s8 =	sadd.s32 $0x40, s8;
	v2 =	vpsel p6, v8, v2;
	v1 =	vpsel p6, v62, v1;
	v0 =	vpsel p6, v63, v0  }
0x185: {  	[tilespmem:$0x4900] =	vst v7  }
0x186: {  	[tilespmem:$0x4910] =	vst v5  }
0x187: {  	[tilespmem:$0x4920] =	vst v6  }
0x188: {  	[tilespmem:$0x4930] =	vst v4  }
0x189: {  	[tilespmem:$0x4940] =	vst v3  }
0x18a: {  	[tilespmem:$0x4950] =	vst v2  }
0x18b: {  	s2 =	sshll.u32 s1, $0x6;
	[tilespmem:$0x4960] =	vst v1;
	s30 =	simm.s32 $0x0  }
0x18c: {  	[tilespmem:$0x4970] =	vst v0;
	s4 =	simm.s32 $0x4780;
	s31 =	simm.s32 $0x3;
	s2 =	sadd.s32 s3, s2  }
0x18d: {  	[hbm4b:s2+s30] =	stream.linear.scatter [tilespmem:s4], [sflag:$0x3], $0x200, $0x38;
	[tilespmem:$0x4980] =	vst v63  }
0x18e: {  	_ =	swait.ge [sflag:s31], $0x200  }
0x18f: {  	[sflag:s31] =	ssyncset.done $0x0  }
0x190: {  	[sflag:s31] =	ssyncadd.s32 $0xFFFFFE00  }
0x191: {  	_ =	sfence.sel $0x180000  }
0x192: {  	[bflag:$0x0] =	sbarrier.arrive $0xFFFF  }
0x193: {  	p0 =	sne.s32 s1, $0x0;
	_ =	strace $0x90000047  }
0x194: {  	s0 =	sadd.s32 @!p0 $0x100000, s0;
	[bflag:$0x2] =	sbarrier.arrive $0xFFFF  }
0x195: {  	[sflag:s0] =	ssyncadd.tile.s32 @!p0 $0x1;
	_ =	shalt  }
.Lfunc_end2:
_tile_overlayer_lowered:
.L_overlay_start_2:
0x196: {  	(tag) =	ssettag $0x2  }
0x197: {  	s0 =	rddreg [dreg:$0x0];
	s2 =	stileid.u32  }
0x198: {  	s1 =	rddreg [dreg:$0x1];
	p0 =	sne.s32 s2, $0x0  }
0x199: {  	s3 =	rddreg [dreg:$0x2];
	[bflag:$0x3] =	sbarrier.arrive $0xFFFF;
	s2 =	simm.s32 @!p0 $0x1C03  }
0x19a: {  	[timem:s3], [sflag:s2] =	dma.local @!p0 [hbm:s0], s1  }
0x19b: {  	s0 =	simm.s32 @!p0 $0x3  }
0x19c: {  	_ =	swait.ge @!p0 [sflag:s0], s1  }
0x19d: {  	s1 =	ssub.s32 @!p0 $0x0, s1;
	[sflag:s0] =	ssyncset.done @!p0 $0x0  }
0x19e: {  	[sflag:s0] =	ssyncadd.s32 @!p0 s1  }
0x19f: {  	[bflag:$0x3] =	sbarrier.arrive $0xFFFF  }
0x1a0: {  	_ =	shalt  }

</sc_bundles>
